<compile_context>
chip_gen: v7x
topology: tpu7x:2x2x1
jax: 0.10.2.dev20260603
libtpu: 0.0.44.dev20260713+nightly
codegen_flags: <defaults>
</compile_context>

<pallas_src>
import functools

import jax
import jax.numpy as jnp
from jax import lax
from jax.experimental import pallas as pl
from jax.experimental.pallas import tpu as pltpu
from jax.experimental.pallas import tpu_sc as plsc

G = 512
S = 32
N = 16384
NC, NS, L = 2, 16, 16
NW = NC * NS
CPW = G // NW
CAP = 1024
IBIG = 0x3FFFFFFF


def _fps_body(x_ref, y_ref, z_ref, cidx_ref, cxyz_ref):
    cols1 = lax.broadcasted_iota(jnp.int32, (1, 128), 1).astype(jnp.float32)
    rows128 = lax.broadcasted_iota(jnp.int32, (128, 1), 0).astype(jnp.float32)

    def body(i, carry):
        dist, rs, cv = carry
        cmask = cols1 == cv
        cxv = jnp.sum(jnp.where(cmask, x_ref[pl.ds(rs, 1), :], 0.0),
                      axis=(0, 1), keepdims=True)
        cyv = jnp.sum(jnp.where(cmask, y_ref[pl.ds(rs, 1), :], 0.0),
                      axis=(0, 1), keepdims=True)
        czv = jnp.sum(jnp.where(cmask, z_ref[pl.ds(rs, 1), :], 0.0),
                      axis=(0, 1), keepdims=True)
        rsv = jnp.full((1, 1), rs, jnp.int32)
        cidx_ref[pl.ds(i, 1), :] = rsv * 128 + cv.astype(jnp.int32)
        cxyz_ref[pl.ds(i, 1), :] = jnp.concatenate([cxv, cyv, czv], axis=1)
        dx = x_ref[...] - cxv
        dy = y_ref[...] - cyv
        dz = z_ref[...] - czv
        d = (dx * dx + dy * dy) + dz * dz
        dist = jnp.minimum(dist, d)
        rm = jnp.max(dist, axis=1, keepdims=True)
        mxv = jnp.max(rm, axis=(0, 1), keepdims=True)
        rv = jnp.min(jnp.where(rm == mxv, rows128, jnp.float32(3e8)),
                     axis=(0, 1), keepdims=True)
        rs2 = rv[0, 0].astype(jnp.int32)
        m2 = (dist == mxv) & (rows128 == rv)
        cv2 = jnp.min(jnp.where(m2, cols1, jnp.float32(3e8)),
                      axis=(0, 1), keepdims=True)
        return dist, rs2, cv2

    dist0 = jnp.full((128, 128), 1e10, dtype=jnp.float32)
    cv0 = jnp.zeros((1, 1), jnp.float32)
    lax.fori_loop(0, G, body, (dist0, jnp.int32(0), cv0))


_CB = 8


def _fused_body(x2_ref, y2_ref, z2_ref, x_ref, y_ref, z_ref,
                cidx_ref, cxyz_ref, d_ref, m_ref):
    i = pl.program_id(0)

    @pl.when(i == 0)
    def _():
        _fps_body(x2_ref, y2_ref, z2_ref, cidx_ref, cxyz_ref)

    _dist_block(cxyz_ref, x_ref, y_ref, z_ref, d_ref, i)
    m = d_ref[:, 0:128]
    for k in range(1, 128):
        m = jnp.minimum(m, d_ref[:, 128 * k:128 * (k + 1)])
    m_ref[...] = m


def _fused_call(x2, y2, z2, xr, yr, zr):
    return pl.pallas_call(
        _fused_body,
        grid=(G // _CB,),
        in_specs=[
            pl.BlockSpec((128, 128), lambda i: (0, 0)),
            pl.BlockSpec((128, 128), lambda i: (0, 0)),
            pl.BlockSpec((128, 128), lambda i: (0, 0)),
            pl.BlockSpec((1, N), lambda i: (0, 0)),
            pl.BlockSpec((1, N), lambda i: (0, 0)),
            pl.BlockSpec((1, N), lambda i: (0, 0)),
        ],
        out_specs=[
            pl.BlockSpec((G, 1), lambda i: (0, 0)),
            pl.BlockSpec((G, 3), lambda i: (0, 0)),
            pl.BlockSpec((_CB, N), lambda i: (i, 0)),
            pl.BlockSpec((_CB, 128), lambda i: (i, 0)),
        ],
        out_shape=[
            jax.ShapeDtypeStruct((G, 1), jnp.int32),
            jax.ShapeDtypeStruct((G, 3), jnp.float32),
            jax.ShapeDtypeStruct((G, N), jnp.float32),
            jax.ShapeDtypeStruct((G, 128), jnp.float32),
        ],
    )(x2, y2, z2, xr, yr, zr)


def _dist_block(cxyz_ref, x_ref, y_ref, z_ref, d_ref, i):
    cb = cxyz_ref[pl.ds(i * _CB, _CB), :]
    cx = cb[:, 0:1]
    cy = cb[:, 1:2]
    cz = cb[:, 2:3]
    X = jnp.broadcast_to(x_ref[...], (_CB, N))
    Y = jnp.broadcast_to(y_ref[...], (_CB, N))
    Z = jnp.broadcast_to(z_ref[...], (_CB, N))
    dx = X - cx
    dy = Y - cy
    dz = Z - cz
    d = (dx * dx + dy * dy) + dz * dz
    d_ref[...] = jnp.sqrt(d)


@functools.cache
def _make_topk_call():
    sc_mesh = plsc.VectorSubcoreMesh(
        core_axis_name="c", subcore_axis_name="s", num_cores=NC, num_subcores=NS
    )
    return functools.partial(
        pl.kernel,
        out_type=[
            jax.ShapeDtypeStruct((G, S), jnp.int32),
            jax.ShapeDtypeStruct((G, 3 * S), jnp.float32),
        ],
        mesh=sc_mesh,
        compiler_params=pltpu.CompilerParams(needs_layout_passes=False),
        scratch_types=[
        pltpu.VMEM((N,), jnp.float32),
        pltpu.VMEM((N,), jnp.float32),
        pltpu.VMEM((N,), jnp.float32),
        pltpu.VMEM((N,), jnp.float32),
        pltpu.VMEM((N,), jnp.float32),
        pltpu.VMEM((128,), jnp.float32),
        pltpu.VMEM((CAP,), jnp.float32),
        pltpu.VMEM((CAP,), jnp.int32),
        pltpu.VMEM((L,), jnp.float32),
        pltpu.VMEM((L,), jnp.float32),
        pltpu.VMEM((L,), jnp.float32),
        pltpu.VMEM((CPW,), jnp.int32),
        pltpu.VMEM((S,), jnp.int32),
        pltpu.VMEM((S,), jnp.int32),
        pltpu.VMEM((3 * S,), jnp.float32),
        pltpu.VMEM((3 * S,), jnp.float32),
        pltpu.SemaphoreType.DMA,
        pltpu.SemaphoreType.DMA,
        pltpu.SemaphoreType.DMA,
        pltpu.SemaphoreType.DMA,
        pltpu.SemaphoreType.DMA,
        pltpu.SemaphoreType.DMA,
        ],
    )(_topk_body)


def _topk_body(d_hbm, m_hbm, x_hbm, y_hbm, z_hbm, cidx_hbm, oi_hbm, nb_hbm,
               xv, yv, zv, drow0, drow1, mrow, cvals, cinds,
               mycx, mycy, mycz, mycid, oist0, oist1, nbst0, nbst1,
               sem0, sem1, osem0, osem1, nsem0, nsem1):
    cid = lax.axis_index("c")
    sid = lax.axis_index("s")
    wid = sid * NC + cid
    cp1 = pltpu.async_copy(x_hbm, xv, sem0)
    cp2 = pltpu.async_copy(y_hbm, yv, sem1)
    cp3 = pltpu.async_copy(z_hbm, zv, osem0)
    cp4 = pltpu.async_copy(cidx_hbm.at[pl.ds(wid * CPW, CPW)], mycid, osem1)
    cp1.wait()
    cp2.wait()
    cp3.wait()
    cp4.wait()
    cptv = mycid[...]
    mycx[...] = plsc.load_gather(xv, [cptv])
    mycy[...] = plsc.load_gather(yv, [cptv])
    mycz[...] = plsc.load_gather(zv, [cptv])

    lane = lax.broadcasted_iota(jnp.int32, (L,), 0)
    inf16 = jnp.full((L,), jnp.inf, jnp.float32)
    big16 = jnp.full((L,), IBIG, jnp.int32)
    lane0 = lane == 0

    pltpu.async_copy(d_hbm.at[wid * CPW], drow0, sem0)

    def center_pair(u, _):
        for b in range(2):
            t = u * 2 + b
            center = wid * CPW + t
            drow = drow0 if b == 0 else drow1
            sem = sem0 if b == 0 else sem1
            nxt_drow = drow1 if b == 0 else drow0
            nxt_sem = sem1 if b == 0 else sem0
            oist = oist0 if b == 0 else oist1
            nbst = nbst0 if b == 0 else nbst1
            osem = osem0 if b == 0 else osem1
            nsem = nsem0 if b == 0 else nsem1
            pltpu.make_async_copy(d_hbm.at[center], drow, sem).wait()

            @pl.when(t >= 2)
            def _():
                pltpu.make_async_copy(oist, oi_hbm.at[center - 2],
                                      osem).wait()
                pltpu.make_async_copy(nbst, nb_hbm.at[center - 2],
                                      nsem).wait()

            @pl.when(t + 1 < CPW)
            def _():
                pltpu.async_copy(d_hbm.at[center + 1], nxt_drow, nxt_sem)

            pltpu.sync_copy(m_hbm.at[center], mrow)
            a0 = jnp.minimum(mrow[pl.ds(0, L)], mrow[pl.ds(4 * L, L)])
            a1 = jnp.minimum(mrow[pl.ds(L, L)], mrow[pl.ds(5 * L, L)])
            a2 = jnp.minimum(mrow[pl.ds(2 * L, L)], mrow[pl.ds(6 * L, L)])
            a3 = jnp.minimum(mrow[pl.ds(3 * L, L)], mrow[pl.ds(7 * L, L)])
            s0 = jnp.sort(a0)
            s1 = jnp.sort(a1)
            s2 = jnp.sort(a2)
            s3 = jnp.sort(a3)
            p01 = jnp.minimum(s0, lax.rev(s1, (0,)))
            p23 = jnp.minimum(s2, lax.rev(s3, (0,)))
            tau = jnp.max(jnp.maximum(p01, p23))
            taub = jnp.full((L,), tau)

            def p2(j, cnt):
                base = j * (8 * L)
                vs = [drow[pl.ds(base + k * L, L)] for k in range(8)]
                ms = [v <= taub for v in vs]
                o01 = ms[0] | ms[1]
                o23 = ms[2] | ms[3]
                o45 = ms[4] | ms[5]
                o67 = ms[6] | ms[7]
                hit = jnp.any((o01 | o23) | (o45 | o67))

                def hitfn(c):
                    pcs = [plsc.all_reduce_population_count(m)[0]
                           for m in ms]
                    for k in range(8):
                        cc = jnp.minimum(c, CAP - L)
                        plsc.store_compressed(cvals.at[pl.ds(cc, L)], vs[k],
                                              mask=ms[k])
                        plsc.store_compressed(cinds.at[pl.ds(cc, L)],
                                              lane + (base + k * L),
                                              mask=ms[k])
                        c = c + pcs[k]
                    return c

                return lax.cond(hit, hitfn, lambda c: c, cnt)

            cnt = lax.fori_loop(0, N // (8 * L), p2, jnp.int32(0))
            cnt = jnp.minimum(cnt, jnp.int32(CAP))
            nch = (cnt + (L - 1)) // L
            tail = lane + (nch - 1) * L
            plsc.store_scatter(cvals, [tail], inf16, mask=tail >= cnt)

            def ext(j, st):
                reslo, reshi = st

                def scan_c(jc, s2_):
                    bv, bi, bp = s2_
                    v = cvals[pl.ds(jc * L, L)]
                    ii = cinds[pl.ds(jc * L, L)]
                    pp = lane + jc * L
                    take = (v < bv) | ((v == bv) & (ii < bi))
                    bv = jnp.where(take, v, bv)
                    bi = jnp.where(take, ii, bi)
                    bp = jnp.where(take, pp, bp)
                    return bv, bi, bp

                bv, bi, bp = lax.fori_loop(0, nch, scan_c,
                                           (inf16, big16, big16))
                mv = jnp.min(bv)
                mi = jnp.min(jnp.where(bv == mv, bi, big16))
                mp = jnp.min(jnp.where((bv == mv) & (bi == mi), bp, big16))
                plsc.store_scatter(cvals, [jnp.full((L,), mp)], inf16,
                                   mask=lane0)
                miv = jnp.full((L,), mi)
                reslo = jnp.where(lane == j, miv, reslo)
                reshi = jnp.where(lane == (j - L), miv, reshi)
                return reslo, reshi

            reslo, reshi = lax.fori_loop(0, S, ext, (big16, big16))

            tb = jnp.full((L,), t)
            cxb = plsc.load_gather(mycx, [tb])
            cyb = plsc.load_gather(mycy, [tb])
            czb = plsc.load_gather(mycz, [tb])
            gxl = plsc.load_gather(xv, [reslo]) - cxb
            gxh = plsc.load_gather(xv, [reshi]) - cxb
            gyl = plsc.load_gather(yv, [reslo]) - cyb
            gyh = plsc.load_gather(yv, [reshi]) - cyb
            gzl = plsc.load_gather(zv, [reslo]) - czb
            gzh = plsc.load_gather(zv, [reshi]) - czb
            i3l = lane * 3
            i3h = (lane + L) * 3
            plsc.store_scatter(nbst, [i3l], gxl)
            plsc.store_scatter(nbst, [i3h], gxh)
            plsc.store_scatter(nbst, [i3l + 1], gyl)
            plsc.store_scatter(nbst, [i3h + 1], gyh)
            plsc.store_scatter(nbst, [i3l + 2], gzl)
            plsc.store_scatter(nbst, [i3h + 2], gzh)
            oist[pl.ds(0, L)] = reslo
            oist[pl.ds(L, L)] = reshi
            pltpu.async_copy(oist, oi_hbm.at[center], osem)
            pltpu.async_copy(nbst, nb_hbm.at[center], nsem)
        return jnp.int32(0)

    lax.fori_loop(0, CPW // 2, center_pair, jnp.int32(0))
    base = wid * CPW + CPW - 2
    pltpu.make_async_copy(oist0, oi_hbm.at[base], osem0).wait()
    pltpu.make_async_copy(nbst0, nb_hbm.at[base], nsem0).wait()
    pltpu.make_async_copy(oist1, oi_hbm.at[base + 1], osem1).wait()
    pltpu.make_async_copy(nbst1, nb_hbm.at[base + 1], nsem1).wait()


def kernel(xyz):
    x = xyz[0, :, 0]
    y = xyz[0, :, 1]
    z = xyz[0, :, 2]
    cidx2, cxyz, d, dm = _fused_call(
        x.reshape(128, 128), y.reshape(128, 128), z.reshape(128, 128),
        x.reshape(1, N), y.reshape(1, N), z.reshape(1, N))
    cidx = cidx2.reshape(G)
    oi, nb = _make_topk_call()(d, dm, x, y, z, cidx)
    return (nb.reshape(1, G, S, 3), cxyz.reshape(1, G, 3),
            oi.reshape(1, G, S), cidx.reshape(1, G))

# --- scband reference (transcript-rebuilt; emitter-appended) ---
"""Pipeline reference for scband-group-21904333209874 (READ-ONLY COPY).

The authoritative reference and input builder live on the scoring server;
editing this copy changes nothing except your own understanding.
"""

import jax, jax.numpy as jnp
import numpy as np

NUM_GROUP = 512
GROUP_SIZE = 32


def fps(xyz, npoint):
    # furthest point sampling, faithful to pointnet2_utils.furthest_point_sample
    B, N, _ = xyz.shape

    def single(points):
        def body(i, state):
            dist, idxs, farthest = state
            centroid = points[farthest]
            d = jnp.sum((points - centroid) ** 2, axis=-1)
            dist = jnp.minimum(dist, d)
            idxs = idxs.at[i].set(farthest)
            farthest = jnp.argmax(dist).astype(jnp.int32)
            return (dist, idxs, farthest)

        dist0 = jnp.full((N,), 1e10, dtype=points.dtype)
        idxs0 = jnp.zeros((npoint,), dtype=jnp.int32)
        _, idxs, _ = jax.lax.fori_loop(0, npoint, body, (dist0, idxs0, jnp.int32(0)))
        return idxs

    fps_idx = jax.vmap(single)(xyz)  # [B, npoint] int32
    fps_data = jnp.take_along_axis(xyz, fps_idx[..., None], axis=1)  # [B, npoint, 3]
    return fps_data, fps_idx


def knn_indices(xyz, centers, k):
    # xyz: [B, N, 3], centers: [B, K, 3]
    diff = xyz[:, :, None, :] - centers[:, None, :, :]  # [B, N, K, 3]
    distances = jnp.linalg.norm(diff, axis=-1)  # [B, N, K]
    # torch: topk(distances, k, dim=1, largest=False, sorted=True) -> idx [B, k, K], then permute(0,2,1) -> [B, K, k]
    neg = -jnp.transpose(distances, (0, 2, 1))  # [B, K, N]
    _, idx = jax.lax.top_k(neg, k)  # smallest-distance indices, sorted ascending by distance: [B, K, k]
    return idx


def setup_inputs(seed: int = 0) -> dict:
    key = jax.random.key(seed)
    xyz = jax.random.normal(key, (1, 16384, 3), dtype=jnp.float32)
    return {"xyz": xyz}


def reference(xyz):
    B, N, _ = xyz.shape
    center, center_idx = fps(xyz, NUM_GROUP)  # [B, G, 3], [B, G]
    ori_idx = knn_indices(xyz, center, GROUP_SIZE)  # [B, G, S] (== torch idx after permute)
    idx_base = jnp.arange(B, dtype=ori_idx.dtype)[:, None, None] * N
    idx = ori_idx + idx_base
    idx = idx[-1]  # [G, S]; module requires B == 1 for subsequent reshape
    neighborhood = xyz.reshape(B * N, 3)[idx]  # [G, S, 3]
    neighborhood = neighborhood.reshape(B, NUM_GROUP, GROUP_SIZE, 3)
    neighborhood = neighborhood - center[:, :, None, :]
    return neighborhood, center, ori_idx, center_idx

if __name__ == "__main__":
    import jax
    _d = setup_inputs()
    print(jax.jit(kernel)(*tuple(_d.values())))

</pallas_src>

<mosaic_0001>
#map = affine_map<(d0, d1) -> (0, 0)>
#map1 = affine_map<(d0, d1) -> (0)>
module attributes {stable_mosaic.version = 14 : i64} {
  func.func @_topk_body(%arg0: i32, %arg1: i32, %arg2: memref<512x16384xf32, #tpu.memory_space<hbm>>, %arg3: memref<512x128xf32, #tpu.memory_space<hbm>>, %arg4: memref<16384xf32, #tpu.memory_space<hbm>>, %arg5: memref<16384xf32, #tpu.memory_space<hbm>>, %arg6: memref<16384xf32, #tpu.memory_space<hbm>>, %arg7: memref<512xi32, #tpu.memory_space<hbm>>, %arg8: memref<512x32xi32, #tpu.memory_space<hbm>>, %arg9: memref<512x96xf32, #tpu.memory_space<hbm>>, %arg10: memref<16384xf32, #tpu.memory_space<vmem>>, %arg11: memref<16384xf32, #tpu.memory_space<vmem>>, %arg12: memref<16384xf32, #tpu.memory_space<vmem>>, %arg13: memref<16384xf32, #tpu.memory_space<vmem>>, %arg14: memref<16384xf32, #tpu.memory_space<vmem>>, %arg15: memref<128xf32, #tpu.memory_space<vmem>>, %arg16: memref<1024xf32, #tpu.memory_space<vmem>>, %arg17: memref<1024xi32, #tpu.memory_space<vmem>>, %arg18: memref<16xf32, #tpu.memory_space<vmem>>, %arg19: memref<16xf32, #tpu.memory_space<vmem>>, %arg20: memref<16xf32, #tpu.memory_space<vmem>>, %arg21: memref<16xi32, #tpu.memory_space<vmem>>, %arg22: memref<32xi32, #tpu.memory_space<vmem>>, %arg23: memref<32xi32, #tpu.memory_space<vmem>>, %arg24: memref<96xf32, #tpu.memory_space<vmem>>, %arg25: memref<96xf32, #tpu.memory_space<vmem>>, %arg26: memref<!tpu.dma_semaphore, #tpu.memory_space<semaphore_mem>>, %arg27: memref<!tpu.dma_semaphore, #tpu.memory_space<semaphore_mem>>, %arg28: memref<!tpu.dma_semaphore, #tpu.memory_space<semaphore_mem>>, %arg29: memref<!tpu.dma_semaphore, #tpu.memory_space<semaphore_mem>>, %arg30: memref<!tpu.dma_semaphore, #tpu.memory_space<semaphore_mem>>, %arg31: memref<!tpu.dma_semaphore, #tpu.memory_space<semaphore_mem>>) attributes {dimension_semantics = [#tpu.dimension_semantics<core_parallel>, #tpu.dimension_semantics<subcore_parallel>], iteration_bounds = array<i64: 2, 16>, scalar_prefetch = 0 : i64, scratch_operands = 22 : i64, tpu.core_type = #tpu.core_type<sc_vector_subcore>, window_params = [{transform_indices = #map}, {transform_indices = #map}, {transform_indices = #map1}, {transform_indices = #map1}, {transform_indices = #map1}, {transform_indices = #map1}, {transform_indices = #map}, {transform_indices = #map}]} {
    %mul3A = arith.constant 2 : i32
    %mul3A_0 = arith.muli %arg1, %mul3A : i32
    %add3A = arith.addi %mul3A_0, %arg0 : i32
    tpu.enqueue_dma source(%arg4 : memref<16384xf32, #tpu.memory_space<hbm>>) target(%arg10 : memref<16384xf32, #tpu.memory_space<vmem>>) target_semaphore(%arg26 : memref<!tpu.dma_semaphore, #tpu.memory_space<semaphore_mem>>)
    tpu.enqueue_dma source(%arg5 : memref<16384xf32, #tpu.memory_space<hbm>>) target(%arg11 : memref<16384xf32, #tpu.memory_space<vmem>>) target_semaphore(%arg27 : memref<!tpu.dma_semaphore, #tpu.memory_space<semaphore_mem>>)
    tpu.enqueue_dma source(%arg6 : memref<16384xf32, #tpu.memory_space<hbm>>) target(%arg12 : memref<16384xf32, #tpu.memory_space<vmem>>) target_semaphore(%arg28 : memref<!tpu.dma_semaphore, #tpu.memory_space<semaphore_mem>>)
    %mul3A_1 = arith.constant 16 : i32
    %mul3A_2 = arith.muli %add3A, %mul3A_1 : i32
    %dma_start3A = tpu.memref_slice %arg7[%mul3A_2] : memref<512xi32, #tpu.memory_space<hbm>> -> memref<16xi32, #tpu.memory_space<hbm>>
    %dma_start3A_3 = tpu.memref_slice %arg7[%mul3A_2] : memref<512xi32, #tpu.memory_space<hbm>> -> memref<16xi32, #tpu.memory_space<hbm>>
    tpu.enqueue_dma source(%dma_start3A_3 : memref<16xi32, #tpu.memory_space<hbm>>) target(%arg21 : memref<16xi32, #tpu.memory_space<vmem>>) target_semaphore(%arg29 : memref<!tpu.dma_semaphore, #tpu.memory_space<semaphore_mem>>)
    tpu.wait_dma2 semaphore(%arg26 : memref<!tpu.dma_semaphore, #tpu.memory_space<semaphore_mem>>) src(%arg4 : memref<16384xf32, #tpu.memory_space<hbm>>) dst(%arg10 : memref<16384xf32, #tpu.memory_space<vmem>>)
    tpu.wait_dma2 semaphore(%arg27 : memref<!tpu.dma_semaphore, #tpu.memory_space<semaphore_mem>>) src(%arg5 : memref<16384xf32, #tpu.memory_space<hbm>>) dst(%arg11 : memref<16384xf32, #tpu.memory_space<vmem>>)
    tpu.wait_dma2 semaphore(%arg28 : memref<!tpu.dma_semaphore, #tpu.memory_space<semaphore_mem>>) src(%arg6 : memref<16384xf32, #tpu.memory_space<hbm>>) dst(%arg12 : memref<16384xf32, #tpu.memory_space<vmem>>)
    %dma_wait3A = tpu.memref_slice %arg7[%mul3A_2] : memref<512xi32, #tpu.memory_space<hbm>> -> memref<16xi32, #tpu.memory_space<hbm>>
    %dma_wait3A_4 = tpu.memref_slice %arg7[%mul3A_2] : memref<512xi32, #tpu.memory_space<hbm>> -> memref<16xi32, #tpu.memory_space<hbm>>
    tpu.wait_dma2 semaphore(%arg29 : memref<!tpu.dma_semaphore, #tpu.memory_space<semaphore_mem>>) src(%dma_wait3A_4 : memref<16xi32, #tpu.memory_space<hbm>>) dst(%arg21 : memref<16xi32, #tpu.memory_space<vmem>>)
    %get3A = arith.constant 0 : index
    %get3A_5 = tpu.vector_load %arg21[%get3A] {strides = array<i32>} : memref<16xi32, #tpu.memory_space<vmem>>, vector<16xi32>,
    %gather3A = tpu.vector_load_idx %arg10[%get3A_5] : memref<16384xf32, #tpu.memory_space<vmem>>[vector<16xi32>], vector<16xf32>,
    %swap3A = arith.constant 0 : index
    %swap3A_6 = tpu.vector_load %arg18[%swap3A] {strides = array<i32>} : memref<16xf32, #tpu.memory_space<vmem>>, vector<16xf32>,
    tpu.vector_store %arg18[%swap3A], %gather3A {strides = array<i32>} : memref<16xf32, #tpu.memory_space<vmem>>, vector<16xf32>,
    %gather3A_7 = tpu.vector_load_idx %arg11[%get3A_5] : memref<16384xf32, #tpu.memory_space<vmem>>[vector<16xi32>], vector<16xf32>,
    %swap3A_8 = arith.constant 0 : index
    %swap3A_9 = tpu.vector_load %arg19[%swap3A_8] {strides = array<i32>} : memref<16xf32, #tpu.memory_space<vmem>>, vector<16xf32>,
    tpu.vector_store %arg19[%swap3A_8], %gather3A_7 {strides = array<i32>} : memref<16xf32, #tpu.memory_space<vmem>>, vector<16xf32>,
    %gather3A_10 = tpu.vector_load_idx %arg12[%get3A_5] : memref<16384xf32, #tpu.memory_space<vmem>>[vector<16xi32>], vector<16xf32>,
    %swap3A_11 = arith.constant 0 : index
    %swap3A_12 = tpu.vector_load %arg20[%swap3A_11] {strides = array<i32>} : memref<16xf32, #tpu.memory_space<vmem>>, vector<16xf32>,
    tpu.vector_store %arg20[%swap3A_11], %gather3A_10 {strides = array<i32>} : memref<16xf32, #tpu.memory_space<vmem>>, vector<16xf32>,
    %iota3A = tpu.iota {dimensions = array<i32: 0>} : vector<16xi32>
    %broadcast_in_dim3A = arith.constant 0x7F800000 : f32
    %broadcast_in_dim3A_13 = vector.broadcast %broadcast_in_dim3A : f32 to vector<16xf32>
    %broadcast_in_dim3A_14 = arith.constant 1073741823 : i32
    %broadcast_in_dim3A_15 = vector.broadcast %broadcast_in_dim3A_14 : i32 to vector<16xi32>
    %eq3A = arith.constant 0 : i32
    %eq3A_16 = vector.broadcast %eq3A : i32 to vector<16xi32>
    %eq3A_17 = arith.cmpi eq, %iota3A, %eq3A_16 : vector<16xi32>
    %mul3A_18 = arith.constant 16 : i32
    %mul3A_19 = arith.muli %add3A, %mul3A_18 : i32
    %dma_start3A_20 = arith.constant 0 : i32
    %dma_start3A_21 = tpu.memref_slice %arg2[%mul3A_19, %dma_start3A_20] : memref<512x16384xf32, #tpu.memory_space<hbm>> -> memref<1x16384xf32, #tpu.memory_space<hbm>>
    %dma_start3A_22 = tpu.memref_squeeze %dma_start3A_21 : memref<1x16384xf32, #tpu.memory_space<hbm>> -> memref<16384xf32, #tpu.memory_space<hbm>>
    %dma_start3A_23 = arith.constant 0 : i32
    %dma_start3A_24 = tpu.memref_slice %arg2[%mul3A_19, %dma_start3A_23] : memref<512x16384xf32, #tpu.memory_space<hbm>> -> memref<1x16384xf32, #tpu.memory_space<hbm>>
    %dma_start3A_25 = tpu.memref_squeeze %dma_start3A_24 : memref<1x16384xf32, #tpu.memory_space<hbm>> -> memref<16384xf32, #tpu.memory_space<hbm>>
    tpu.enqueue_dma source(%dma_start3A_25 : memref<16384xf32, #tpu.memory_space<hbm>>) target(%arg13 : memref<16384xf32, #tpu.memory_space<vmem>>) target_semaphore(%arg26 : memref<!tpu.dma_semaphore, #tpu.memory_space<semaphore_mem>>)
    %scan3A = arith.constant 0 : i32
    %scan3A_26 = arith.constant 0 : i32
    %scan3A_27 = arith.constant 8 : i32
    %scan3A_28 = arith.addi %scan3A_26, %scan3A_27 : i32
    %scan3A_29 = arith.constant 1 : i32
    %scan3A_30 = scf.for %scan3A_65 = %scan3A_26 to %scan3A_28 step %scan3A_29 iter_args(%scan3A_66 = %scan3A) -> (i32)  : i32 {
      %mul3A_67 = arith.constant 2 : i32
      %mul3A_68 = arith.muli %scan3A_65, %mul3A_67 : i32
      %add3A_69 = arith.constant 0 : i32
      %add3A_70 = arith.addi %mul3A_68, %add3A_69 : i32
      %mul3A_71 = arith.constant 16 : i32
      %mul3A_72 = arith.muli %add3A, %mul3A_71 : i32
      %add3A_73 = arith.addi %mul3A_72, %add3A_70 : i32
      %dma_wait3A_74 = arith.constant 0 : i32
      %dma_wait3A_75 = tpu.memref_slice %arg2[%add3A_73, %dma_wait3A_74] : memref<512x16384xf32, #tpu.memory_space<hbm>> -> memref<1x16384xf32, #tpu.memory_space<hbm>>
      %dma_wait3A_76 = tpu.memref_squeeze %dma_wait3A_75 : memref<1x16384xf32, #tpu.memory_space<hbm>> -> memref<16384xf32, #tpu.memory_space<hbm>>
      %dma_wait3A_77 = arith.constant 0 : i32
      %dma_wait3A_78 = tpu.memref_slice %arg2[%add3A_73, %dma_wait3A_77] : memref<512x16384xf32, #tpu.memory_space<hbm>> -> memref<1x16384xf32, #tpu.memory_space<hbm>>
      %dma_wait3A_79 = tpu.memref_squeeze %dma_wait3A_78 : memref<1x16384xf32, #tpu.memory_space<hbm>> -> memref<16384xf32, #tpu.memory_space<hbm>>
      tpu.wait_dma2 semaphore(%arg26 : memref<!tpu.dma_semaphore, #tpu.memory_space<semaphore_mem>>) src(%dma_wait3A_79 : memref<16384xf32, #tpu.memory_space<hbm>>) dst(%arg13 : memref<16384xf32, #tpu.memory_space<vmem>>)
      %ge3A = arith.constant 2 : i32
      %ge3A_80 = arith.cmpi sge, %add3A_70, %ge3A : i32
      %convert_element_type3A = arith.extui %ge3A_80 : i1 to i32
      %cond3A = arith.constant 0 : i32
      %cond3A_81 = arith.cmpi ne, %convert_element_type3A, %cond3A : i32
      scf.if %cond3A_81 {
        %sub3A_414 = arith.constant 2 : i32
        %sub3A_415 = arith.subi %add3A_73, %sub3A_414 : i32
        %dma_wait3A_416 = arith.constant 0 : i32
        %dma_wait3A_417 = tpu.memref_slice %arg8[%sub3A_415, %dma_wait3A_416] : memref<512x32xi32, #tpu.memory_space<hbm>> -> memref<1x32xi32, #tpu.memory_space<hbm>>
        %dma_wait3A_418 = tpu.memref_squeeze %dma_wait3A_417 : memref<1x32xi32, #tpu.memory_space<hbm>> -> memref<32xi32, #tpu.memory_space<hbm>>
        %dma_wait3A_419 = arith.constant 0 : i32
        %dma_wait3A_420 = tpu.memref_slice %arg8[%sub3A_415, %dma_wait3A_419] : memref<512x32xi32, #tpu.memory_space<hbm>> -> memref<1x32xi32, #tpu.memory_space<hbm>>
        %dma_wait3A_421 = tpu.memref_squeeze %dma_wait3A_420 : memref<1x32xi32, #tpu.memory_space<hbm>> -> memref<32xi32, #tpu.memory_space<hbm>>
        tpu.wait_dma2 semaphore(%arg28 : memref<!tpu.dma_semaphore, #tpu.memory_space<semaphore_mem>>) src(%arg22 : memref<32xi32, #tpu.memory_space<vmem>>) dst(%dma_wait3A_421 : memref<32xi32, #tpu.memory_space<hbm>>)
        %sub3A_422 = arith.constant 2 : i32
        %sub3A_423 = arith.subi %add3A_73, %sub3A_422 : i32
        %dma_wait3A_424 = arith.constant 0 : i32
        %dma_wait3A_425 = tpu.memref_slice %arg9[%sub3A_423, %dma_wait3A_424] : memref<512x96xf32, #tpu.memory_space<hbm>> -> memref<1x96xf32, #tpu.memory_space<hbm>>
        %dma_wait3A_426 = tpu.memref_squeeze %dma_wait3A_425 : memref<1x96xf32, #tpu.memory_space<hbm>> -> memref<96xf32, #tpu.memory_space<hbm>>
        %dma_wait3A_427 = arith.constant 0 : i32
        %dma_wait3A_428 = tpu.memref_slice %arg9[%sub3A_423, %dma_wait3A_427] : memref<512x96xf32, #tpu.memory_space<hbm>> -> memref<1x96xf32, #tpu.memory_space<hbm>>
        %dma_wait3A_429 = tpu.memref_squeeze %dma_wait3A_428 : memref<1x96xf32, #tpu.memory_space<hbm>> -> memref<96xf32, #tpu.memory_space<hbm>>
        tpu.wait_dma2 semaphore(%arg30 : memref<!tpu.dma_semaphore, #tpu.memory_space<semaphore_mem>>) src(%arg24 : memref<96xf32, #tpu.memory_space<vmem>>) dst(%dma_wait3A_429 : memref<96xf32, #tpu.memory_space<hbm>>)
      } else {
      }
      %add3A_82 = arith.constant 1 : i32
      %add3A_83 = arith.addi %add3A_70, %add3A_82 : i32
      %lt3A = arith.constant 16 : i32
      %lt3A_84 = arith.cmpi slt, %add3A_83, %lt3A : i32
      %convert_element_type3A_85 = arith.extui %lt3A_84 : i1 to i32
      %cond3A_86 = arith.constant 0 : i32
      %cond3A_87 = arith.cmpi ne, %convert_element_type3A_85, %cond3A_86 : i32
      scf.if %cond3A_87 {
        %add3A_414 = arith.constant 1 : i32
        %add3A_415 = arith.addi %add3A_73, %add3A_414 : i32
        %dma_start3A_416 = arith.constant 0 : i32
        %dma_start3A_417 = tpu.memref_slice %arg2[%add3A_415, %dma_start3A_416] : memref<512x16384xf32, #tpu.memory_space<hbm>> -> memref<1x16384xf32, #tpu.memory_space<hbm>>
        %dma_start3A_418 = tpu.memref_squeeze %dma_start3A_417 : memref<1x16384xf32, #tpu.memory_space<hbm>> -> memref<16384xf32, #tpu.memory_space<hbm>>
        %dma_start3A_419 = arith.constant 0 : i32
        %dma_start3A_420 = tpu.memref_slice %arg2[%add3A_415, %dma_start3A_419] : memref<512x16384xf32, #tpu.memory_space<hbm>> -> memref<1x16384xf32, #tpu.memory_space<hbm>>
        %dma_start3A_421 = tpu.memref_squeeze %dma_start3A_420 : memref<1x16384xf32, #tpu.memory_space<hbm>> -> memref<16384xf32, #tpu.memory_space<hbm>>
        tpu.enqueue_dma source(%dma_start3A_421 : memref<16384xf32, #tpu.memory_space<hbm>>) target(%arg14 : memref<16384xf32, #tpu.memory_space<vmem>>) target_semaphore(%arg27 : memref<!tpu.dma_semaphore, #tpu.memory_space<semaphore_mem>>)
      } else {
      }
      "tpu.region"() ({
        %run_scoped3A = tpu.sem_alloc : memref<!tpu.dma_semaphore, #tpu.memory_space<semaphore_mem>>
        %dma_start3A_414 = arith.constant 0 : i32
        %dma_start3A_415 = tpu.memref_slice %arg3[%add3A_73, %dma_start3A_414] : memref<512x128xf32, #tpu.memory_space<hbm>> -> memref<1x128xf32, #tpu.memory_space<hbm>>
        %dma_start3A_416 = tpu.memref_squeeze %dma_start3A_415 : memref<1x128xf32, #tpu.memory_space<hbm>> -> memref<128xf32, #tpu.memory_space<hbm>>
        %dma_start3A_417 = arith.constant 0 : i32
        %dma_start3A_418 = tpu.memref_slice %arg3[%add3A_73, %dma_start3A_417] : memref<512x128xf32, #tpu.memory_space<hbm>> -> memref<1x128xf32, #tpu.memory_space<hbm>>
        %dma_start3A_419 = tpu.memref_squeeze %dma_start3A_418 : memref<1x128xf32, #tpu.memory_space<hbm>> -> memref<128xf32, #tpu.memory_space<hbm>>
        tpu.enqueue_dma source(%dma_start3A_419 : memref<128xf32, #tpu.memory_space<hbm>>) target(%arg15 : memref<128xf32, #tpu.memory_space<vmem>>) target_semaphore(%run_scoped3A : memref<!tpu.dma_semaphore, #tpu.memory_space<semaphore_mem>>)
        %dma_wait3A_420 = arith.constant 0 : i32
        %dma_wait3A_421 = tpu.memref_slice %arg3[%add3A_73, %dma_wait3A_420] : memref<512x128xf32, #tpu.memory_space<hbm>> -> memref<1x128xf32, #tpu.memory_space<hbm>>
        %dma_wait3A_422 = tpu.memref_squeeze %dma_wait3A_421 : memref<1x128xf32, #tpu.memory_space<hbm>> -> memref<128xf32, #tpu.memory_space<hbm>>
        %dma_wait3A_423 = arith.constant 0 : i32
        %dma_wait3A_424 = tpu.memref_slice %arg3[%add3A_73, %dma_wait3A_423] : memref<512x128xf32, #tpu.memory_space<hbm>> -> memref<1x128xf32, #tpu.memory_space<hbm>>
        %dma_wait3A_425 = tpu.memref_squeeze %dma_wait3A_424 : memref<1x128xf32, #tpu.memory_space<hbm>> -> memref<128xf32, #tpu.memory_space<hbm>>
        tpu.wait_dma2 semaphore(%run_scoped3A : memref<!tpu.dma_semaphore, #tpu.memory_space<semaphore_mem>>) src(%dma_wait3A_425 : memref<128xf32, #tpu.memory_space<hbm>>) dst(%arg15 : memref<128xf32, #tpu.memory_space<vmem>>)
        tpu.yield
      }) : () -> ()
      %get3A_88 = arith.constant 0 : index
      %get3A_89 = tpu.vector_load %arg15[%get3A_88] {strides = array<i32>} : memref<128xf32, #tpu.memory_space<vmem>>, vector<16xf32>,
      %get3A_90 = arith.constant 64 : index
      %get3A_91 = tpu.vector_load %arg15[%get3A_90] {strides = array<i32>} : memref<128xf32, #tpu.memory_space<vmem>>, vector<16xf32>,
      %min3A = arith.minimumf %get3A_89, %get3A_91 : vector<16xf32>
      %get3A_92 = arith.constant 16 : index
      %get3A_93 = tpu.vector_load %arg15[%get3A_92] {strides = array<i32>} : memref<128xf32, #tpu.memory_space<vmem>>, vector<16xf32>,
      %get3A_94 = arith.constant 80 : index
      %get3A_95 = tpu.vector_load %arg15[%get3A_94] {strides = array<i32>} : memref<128xf32, #tpu.memory_space<vmem>>, vector<16xf32>,
      %min3A_96 = arith.minimumf %get3A_93, %get3A_95 : vector<16xf32>
      %get3A_97 = arith.constant 32 : index
      %get3A_98 = tpu.vector_load %arg15[%get3A_97] {strides = array<i32>} : memref<128xf32, #tpu.memory_space<vmem>>, vector<16xf32>,
      %get3A_99 = arith.constant 96 : index
      %get3A_100 = tpu.vector_load %arg15[%get3A_99] {strides = array<i32>} : memref<128xf32, #tpu.memory_space<vmem>>, vector<16xf32>,
      %min3A_101 = arith.minimumf %get3A_98, %get3A_100 : vector<16xf32>
      %get3A_102 = arith.constant 48 : index
      %get3A_103 = tpu.vector_load %arg15[%get3A_102] {strides = array<i32>} : memref<128xf32, #tpu.memory_space<vmem>>, vector<16xf32>,
      %get3A_104 = arith.constant 112 : index
      %get3A_105 = tpu.vector_load %arg15[%get3A_104] {strides = array<i32>} : memref<128xf32, #tpu.memory_space<vmem>>, vector<16xf32>,
      %min3A_106 = arith.minimumf %get3A_103, %get3A_105 : vector<16xf32>
      %sort3A = arith.constant dense<true> : vector<16xi1>
      %sort3A_107, %sort3A_108, %sort3A_109 = tpu.sort %min3A, %min3A masked %sort3A : (vector<16xf32>, vector<16xf32>, vector<16xi1>) -> (vector<16xi1>, vector<16xf32>, vector<16xf32>)
      %sort3A_110 = arith.constant dense<true> : vector<16xi1>
      %sort3A_111, %sort3A_112, %sort3A_113 = tpu.sort %min3A_96, %min3A_96 masked %sort3A_110 : (vector<16xf32>, vector<16xf32>, vector<16xi1>) -> (vector<16xi1>, vector<16xf32>, vector<16xf32>)
      %sort3A_114 = arith.constant dense<true> : vector<16xi1>
      %sort3A_115, %sort3A_116, %sort3A_117 = tpu.sort %min3A_101, %min3A_101 masked %sort3A_114 : (vector<16xf32>, vector<16xf32>, vector<16xi1>) -> (vector<16xi1>, vector<16xf32>, vector<16xf32>)
      %sort3A_118 = arith.constant dense<true> : vector<16xi1>
      %sort3A_119, %sort3A_120, %sort3A_121 = tpu.sort %min3A_106, %min3A_106 masked %sort3A_118 : (vector<16xf32>, vector<16xf32>, vector<16xi1>) -> (vector<16xi1>, vector<16xf32>, vector<16xf32>)
      %rev3A = arith.constant 15 : i32
      %rev3A_122 = vector.broadcast %rev3A : i32 to vector<16xi32>
      %rev3A_123 = tpu.iota {dimensions = array<i32: 0>} : vector<16xi32>
      %rev3A_124 = arith.subi %rev3A_122, %rev3A_123 : vector<16xi32>
      %rev3A_125 = tpu.dynamic_gather %sort3A_112[%rev3A_124] in [0] : vector<16xf32>, vector<16xi32> -> vector<16xf32>
      %min3A_126 = arith.minimumf %sort3A_108, %rev3A_125 : vector<16xf32>
      %rev3A_127 = arith.constant 15 : i32
      %rev3A_128 = vector.broadcast %rev3A_127 : i32 to vector<16xi32>
      %rev3A_129 = tpu.iota {dimensions = array<i32: 0>} : vector<16xi32>
      %rev3A_130 = arith.subi %rev3A_128, %rev3A_129 : vector<16xi32>
      %rev3A_131 = tpu.dynamic_gather %sort3A_120[%rev3A_130] in [0] : vector<16xf32>, vector<16xi32> -> vector<16xf32>
      %min3A_132 = arith.minimumf %sort3A_116, %rev3A_131 : vector<16xf32>
      %max3A = arith.maximumf %min3A_126, %min3A_132 : vector<16xf32>
      %reduce_max3A = arith.constant true
      %reduce_max3A_133 = vector.broadcast %reduce_max3A : i1 to vector<16xi1>
      %reduce_max3A_134 = tpu.scan <max>, %max3A masked %reduce_max3A_133 : vector<16xf32>, vector<16xi1> -> vector<16xf32>
      %reduce_max3A_135 = vector.extract %reduce_max3A_134[15] : f32 from vector<16xf32>
      %broadcast_in_dim3A_136 = vector.broadcast %reduce_max3A_135 : f32 to vector<16xf32>
      %scan3A_137 = arith.constant 0 : i32
      %scan3A_138 = arith.constant 0 : i32
      %scan3A_139 = arith.constant 128 : i32
      %scan3A_140 = arith.addi %scan3A_138, %scan3A_139 : i32
      %scan3A_141 = arith.constant 1 : i32
      %scan3A_142 = scf.for %scan3A_414 = %scan3A_138 to %scan3A_140 step %scan3A_141 iter_args(%scan3A_415 = %scan3A_137) -> (i32)  : i32 {
        %mul3A_416 = arith.constant 128 : i32
        %mul3A_417 = arith.muli %scan3A_414, %mul3A_416 : i32
        %add3A_418 = arith.constant 0 : i32
        %add3A_419 = arith.addi %mul3A_417, %add3A_418 : i32
        %get3A_420 = arith.index_cast %add3A_419 : i32 to index
        %get3A_421 = tpu.vector_load %arg13[%get3A_420] {strides = array<i32>} : memref<16384xf32, #tpu.memory_space<vmem>>, vector<16xf32>,
        %add3A_422 = arith.constant 16 : i32
        %add3A_423 = arith.addi %mul3A_417, %add3A_422 : i32
        %get3A_424 = arith.index_cast %add3A_423 : i32 to index
        %get3A_425 = tpu.vector_load %arg13[%get3A_424] {strides = array<i32>} : memref<16384xf32, #tpu.memory_space<vmem>>, vector<16xf32>,
        %add3A_426 = arith.constant 32 : i32
        %add3A_427 = arith.addi %mul3A_417, %add3A_426 : i32
        %get3A_428 = arith.index_cast %add3A_427 : i32 to index
        %get3A_429 = tpu.vector_load %arg13[%get3A_428] {strides = array<i32>} : memref<16384xf32, #tpu.memory_space<vmem>>, vector<16xf32>,
        %add3A_430 = arith.constant 48 : i32
        %add3A_431 = arith.addi %mul3A_417, %add3A_430 : i32
        %get3A_432 = arith.index_cast %add3A_431 : i32 to index
        %get3A_433 = tpu.vector_load %arg13[%get3A_432] {strides = array<i32>} : memref<16384xf32, #tpu.memory_space<vmem>>, vector<16xf32>,
        %add3A_434 = arith.constant 64 : i32
        %add3A_435 = arith.addi %mul3A_417, %add3A_434 : i32
        %get3A_436 = arith.index_cast %add3A_435 : i32 to index
        %get3A_437 = tpu.vector_load %arg13[%get3A_436] {strides = array<i32>} : memref<16384xf32, #tpu.memory_space<vmem>>, vector<16xf32>,
        %add3A_438 = arith.constant 80 : i32
        %add3A_439 = arith.addi %mul3A_417, %add3A_438 : i32
        %get3A_440 = arith.index_cast %add3A_439 : i32 to index
        %get3A_441 = tpu.vector_load %arg13[%get3A_440] {strides = array<i32>} : memref<16384xf32, #tpu.memory_space<vmem>>, vector<16xf32>,
        %add3A_442 = arith.constant 96 : i32
        %add3A_443 = arith.addi %mul3A_417, %add3A_442 : i32
        %get3A_444 = arith.index_cast %add3A_443 : i32 to index
        %get3A_445 = tpu.vector_load %arg13[%get3A_444] {strides = array<i32>} : memref<16384xf32, #tpu.memory_space<vmem>>, vector<16xf32>,
        %add3A_446 = arith.constant 112 : i32
        %add3A_447 = arith.addi %mul3A_417, %add3A_446 : i32
        %get3A_448 = arith.index_cast %add3A_447 : i32 to index
        %get3A_449 = tpu.vector_load %arg13[%get3A_448] {strides = array<i32>} : memref<16384xf32, #tpu.memory_space<vmem>>, vector<16xf32>,
        %le3A = arith.cmpf ole, %get3A_421, %broadcast_in_dim3A_136 : vector<16xf32>
        %le3A_450 = arith.cmpf ole, %get3A_425, %broadcast_in_dim3A_136 : vector<16xf32>
        %le3A_451 = arith.cmpf ole, %get3A_429, %broadcast_in_dim3A_136 : vector<16xf32>
        %le3A_452 = arith.cmpf ole, %get3A_433, %broadcast_in_dim3A_136 : vector<16xf32>
        %le3A_453 = arith.cmpf ole, %get3A_437, %broadcast_in_dim3A_136 : vector<16xf32>
        %le3A_454 = arith.cmpf ole, %get3A_441, %broadcast_in_dim3A_136 : vector<16xf32>
        %le3A_455 = arith.cmpf ole, %get3A_445, %broadcast_in_dim3A_136 : vector<16xf32>
        %le3A_456 = arith.cmpf ole, %get3A_449, %broadcast_in_dim3A_136 : vector<16xf32>
        %or3A = arith.ori %le3A, %le3A_450 : vector<16xi1>
        %or3A_457 = arith.ori %le3A_451, %le3A_452 : vector<16xi1>
        %or3A_458 = arith.ori %le3A_453, %le3A_454 : vector<16xi1>
        %or3A_459 = arith.ori %le3A_455, %le3A_456 : vector<16xi1>
        %or3A_460 = arith.ori %or3A, %or3A_457 : vector<16xi1>
        %or3A_461 = arith.ori %or3A_458, %or3A_459 : vector<16xi1>
        %or3A_462 = arith.ori %or3A_460, %or3A_461 : vector<16xi1>
        %reduce_or3A = arith.constant 1.000000e+00 : f32
        %reduce_or3A_463 = arith.constant 0.000000e+00 : f32
        %reduce_or3A_464 = vector.broadcast %reduce_or3A : f32 to vector<16xf32>
        %reduce_or3A_465 = vector.broadcast %reduce_or3A_463 : f32 to vector<16xf32>
        %reduce_or3A_466 = arith.select %or3A_462, %reduce_or3A_464, %reduce_or3A_465 : vector<16xi1>, vector<16xf32>
        %reduce_or3A_467 = arith.constant true
        %reduce_or3A_468 = vector.broadcast %reduce_or3A_467 : i1 to vector<16xi1>
        %reduce_or3A_469 = tpu.scan <max>, %reduce_or3A_466 masked %reduce_or3A_468 : vector<16xf32>, vector<16xi1> -> vector<16xf32>
        %reduce_or3A_470 = vector.extract %reduce_or3A_469[15] : f32 from vector<16xf32>
        %reduce_or3A_471 = arith.constant 0.000000e+00 : f32
        %reduce_or3A_472 = arith.cmpf ogt, %reduce_or3A_470, %reduce_or3A_471 : f32
        %convert_element_type3A_473 = arith.extui %reduce_or3A_472 : i1 to i32
        %cond3A_474 = arith.constant 0 : i32
        %cond3A_475 = arith.cmpi ne, %convert_element_type3A_473, %cond3A_474 : i32
        %cond3A_476 = scf.if %cond3A_475 -> (i32) {
          %all_reduce_population_count3A = tpu.all_reduce %le3A {dim = 0 : i64, kind = #tpu.reduction_kind<sum>} : vector<16xi1> -> vector<16xi32>
          %slice3A = vector.extract_strided_slice %all_reduce_population_count3A {offsets = [0], sizes = [1], strides = [1]} : vector<16xi32> to vector<1xi32>
          %squeeze3A = vector.extract %slice3A[0] : i32 from vector<1xi32>
          %all_reduce_population_count3A_477 = tpu.all_reduce %le3A_450 {dim = 0 : i64, kind = #tpu.reduction_kind<sum>} : vector<16xi1> -> vector<16xi32>
          %slice3A_478 = vector.extract_strided_slice %all_reduce_population_count3A_477 {offsets = [0], sizes = [1], strides = [1]} : vector<16xi32> to vector<1xi32>
          %squeeze3A_479 = vector.extract %slice3A_478[0] : i32 from vector<1xi32>
          %all_reduce_population_count3A_480 = tpu.all_reduce %le3A_451 {dim = 0 : i64, kind = #tpu.reduction_kind<sum>} : vector<16xi1> -> vector<16xi32>
          %slice3A_481 = vector.extract_strided_slice %all_reduce_population_count3A_480 {offsets = [0], sizes = [1], strides = [1]} : vector<16xi32> to vector<1xi32>
          %squeeze3A_482 = vector.extract %slice3A_481[0] : i32 from vector<1xi32>
          %all_reduce_population_count3A_483 = tpu.all_reduce %le3A_452 {dim = 0 : i64, kind = #tpu.reduction_kind<sum>} : vector<16xi1> -> vector<16xi32>
          %slice3A_484 = vector.extract_strided_slice %all_reduce_population_count3A_483 {offsets = [0], sizes = [1], strides = [1]} : vector<16xi32> to vector<1xi32>
          %squeeze3A_485 = vector.extract %slice3A_484[0] : i32 from vector<1xi32>
          %all_reduce_population_count3A_486 = tpu.all_reduce %le3A_453 {dim = 0 : i64, kind = #tpu.reduction_kind<sum>} : vector<16xi1> -> vector<16xi32>
          %slice3A_487 = vector.extract_strided_slice %all_reduce_population_count3A_486 {offsets = [0], sizes = [1], strides = [1]} : vector<16xi32> to vector<1xi32>
          %squeeze3A_488 = vector.extract %slice3A_487[0] : i32 from vector<1xi32>
          %all_reduce_population_count3A_489 = tpu.all_reduce %le3A_454 {dim = 0 : i64, kind = #tpu.reduction_kind<sum>} : vector<16xi1> -> vector<16xi32>
          %slice3A_490 = vector.extract_strided_slice %all_reduce_population_count3A_489 {offsets = [0], sizes = [1], strides = [1]} : vector<16xi32> to vector<1xi32>
          %squeeze3A_491 = vector.extract %slice3A_490[0] : i32 from vector<1xi32>
          %all_reduce_population_count3A_492 = tpu.all_reduce %le3A_455 {dim = 0 : i64, kind = #tpu.reduction_kind<sum>} : vector<16xi1> -> vector<16xi32>
          %slice3A_493 = vector.extract_strided_slice %all_reduce_population_count3A_492 {offsets = [0], sizes = [1], strides = [1]} : vector<16xi32> to vector<1xi32>
          %squeeze3A_494 = vector.extract %slice3A_493[0] : i32 from vector<1xi32>
          %all_reduce_population_count3A_495 = tpu.all_reduce %le3A_456 {dim = 0 : i64, kind = #tpu.reduction_kind<sum>} : vector<16xi1> -> vector<16xi32>
          %slice3A_496 = vector.extract_strided_slice %all_reduce_population_count3A_495 {offsets = [0], sizes = [1], strides = [1]} : vector<16xi32> to vector<1xi32>
          %squeeze3A_497 = vector.extract %slice3A_496[0] : i32 from vector<1xi32>
          %min3A_498 = arith.constant 1008 : i32
          %min3A_499 = arith.minsi %scan3A_415, %min3A_498 : i32
          %swap3A_500 = arith.index_cast %min3A_499 : i32 to index
          %swap3A_501 = tpu.vector_load %arg16[%swap3A_500] masked %le3A {strides = array<i32>} : memref<1024xf32, #tpu.memory_space<vmem>>, vector<16xf32>, vector<16xi1>
          tpu.vector_store %arg16[%swap3A_500], %get3A_421 masked %le3A {strides = array<i32>} : memref<1024xf32, #tpu.memory_space<vmem>>, vector<16xf32>, vector<16xi1>
          %add3A_502 = arith.constant 0 : i32
          %add3A_503 = arith.addi %mul3A_417, %add3A_502 : i32
          %add3A_504 = vector.broadcast %add3A_503 : i32 to vector<16xi32>
          %add3A_505 = arith.addi %iota3A, %add3A_504 : vector<16xi32>
          %swap3A_506 = arith.index_cast %min3A_499 : i32 to index
          %swap3A_507 = tpu.vector_load %arg17[%swap3A_506] masked %le3A {strides = array<i32>} : memref<1024xi32, #tpu.memory_space<vmem>>, vector<16xi32>, vector<16xi1>
          tpu.vector_store %arg17[%swap3A_506], %add3A_505 masked %le3A {strides = array<i32>} : memref<1024xi32, #tpu.memory_space<vmem>>, vector<16xi32>, vector<16xi1>
          %add3A_508 = arith.addi %scan3A_415, %squeeze3A : i32
          %min3A_509 = arith.constant 1008 : i32
          %min3A_510 = arith.minsi %add3A_508, %min3A_509 : i32
          %swap3A_511 = arith.index_cast %min3A_510 : i32 to index
          %swap3A_512 = tpu.vector_load %arg16[%swap3A_511] masked %le3A_450 {strides = array<i32>} : memref<1024xf32, #tpu.memory_space<vmem>>, vector<16xf32>, vector<16xi1>
          tpu.vector_store %arg16[%swap3A_511], %get3A_425 masked %le3A_450 {strides = array<i32>} : memref<1024xf32, #tpu.memory_space<vmem>>, vector<16xf32>, vector<16xi1>
          %add3A_513 = arith.constant 16 : i32
          %add3A_514 = arith.addi %mul3A_417, %add3A_513 : i32
          %add3A_515 = vector.broadcast %add3A_514 : i32 to vector<16xi32>
          %add3A_516 = arith.addi %iota3A, %add3A_515 : vector<16xi32>
          %swap3A_517 = arith.index_cast %min3A_510 : i32 to index
          %swap3A_518 = tpu.vector_load %arg17[%swap3A_517] masked %le3A_450 {strides = array<i32>} : memref<1024xi32, #tpu.memory_space<vmem>>, vector<16xi32>, vector<16xi1>
          tpu.vector_store %arg17[%swap3A_517], %add3A_516 masked %le3A_450 {strides = array<i32>} : memref<1024xi32, #tpu.memory_space<vmem>>, vector<16xi32>, vector<16xi1>
          %add3A_519 = arith.addi %add3A_508, %squeeze3A_479 : i32
          %min3A_520 = arith.constant 1008 : i32
          %min3A_521 = arith.minsi %add3A_519, %min3A_520 : i32
          %swap3A_522 = arith.index_cast %min3A_521 : i32 to index
          %swap3A_523 = tpu.vector_load %arg16[%swap3A_522] masked %le3A_451 {strides = array<i32>} : memref<1024xf32, #tpu.memory_space<vmem>>, vector<16xf32>, vector<16xi1>
          tpu.vector_store %arg16[%swap3A_522], %get3A_429 masked %le3A_451 {strides = array<i32>} : memref<1024xf32, #tpu.memory_space<vmem>>, vector<16xf32>, vector<16xi1>
          %add3A_524 = arith.constant 32 : i32
          %add3A_525 = arith.addi %mul3A_417, %add3A_524 : i32
          %add3A_526 = vector.broadcast %add3A_525 : i32 to vector<16xi32>
          %add3A_527 = arith.addi %iota3A, %add3A_526 : vector<16xi32>
          %swap3A_528 = arith.index_cast %min3A_521 : i32 to index
          %swap3A_529 = tpu.vector_load %arg17[%swap3A_528] masked %le3A_451 {strides = array<i32>} : memref<1024xi32, #tpu.memory_space<vmem>>, vector<16xi32>, vector<16xi1>
          tpu.vector_store %arg17[%swap3A_528], %add3A_527 masked %le3A_451 {strides = array<i32>} : memref<1024xi32, #tpu.memory_space<vmem>>, vector<16xi32>, vector<16xi1>
          %add3A_530 = arith.addi %add3A_519, %squeeze3A_482 : i32
          %min3A_531 = arith.constant 1008 : i32
          %min3A_532 = arith.minsi %add3A_530, %min3A_531 : i32
          %swap3A_533 = arith.index_cast %min3A_532 : i32 to index
          %swap3A_534 = tpu.vector_load %arg16[%swap3A_533] masked %le3A_452 {strides = array<i32>} : memref<1024xf32, #tpu.memory_space<vmem>>, vector<16xf32>, vector<16xi1>
          tpu.vector_store %arg16[%swap3A_533], %get3A_433 masked %le3A_452 {strides = array<i32>} : memref<1024xf32, #tpu.memory_space<vmem>>, vector<16xf32>, vector<16xi1>
          %add3A_535 = arith.constant 48 : i32
          %add3A_536 = arith.addi %mul3A_417, %add3A_535 : i32
          %add3A_537 = vector.broadcast %add3A_536 : i32 to vector<16xi32>
          %add3A_538 = arith.addi %iota3A, %add3A_537 : vector<16xi32>
          %swap3A_539 = arith.index_cast %min3A_532 : i32 to index
          %swap3A_540 = tpu.vector_load %arg17[%swap3A_539] masked %le3A_452 {strides = array<i32>} : memref<1024xi32, #tpu.memory_space<vmem>>, vector<16xi32>, vector<16xi1>
          tpu.vector_store %arg17[%swap3A_539], %add3A_538 masked %le3A_452 {strides = array<i32>} : memref<1024xi32, #tpu.memory_space<vmem>>, vector<16xi32>, vector<16xi1>
          %add3A_541 = arith.addi %add3A_530, %squeeze3A_485 : i32
          %min3A_542 = arith.constant 1008 : i32
          %min3A_543 = arith.minsi %add3A_541, %min3A_542 : i32
          %swap3A_544 = arith.index_cast %min3A_543 : i32 to index
          %swap3A_545 = tpu.vector_load %arg16[%swap3A_544] masked %le3A_453 {strides = array<i32>} : memref<1024xf32, #tpu.memory_space<vmem>>, vector<16xf32>, vector<16xi1>
          tpu.vector_store %arg16[%swap3A_544], %get3A_437 masked %le3A_453 {strides = array<i32>} : memref<1024xf32, #tpu.memory_space<vmem>>, vector<16xf32>, vector<16xi1>
          %add3A_546 = arith.constant 64 : i32
          %add3A_547 = arith.addi %mul3A_417, %add3A_546 : i32
          %add3A_548 = vector.broadcast %add3A_547 : i32 to vector<16xi32>
          %add3A_549 = arith.addi %iota3A, %add3A_548 : vector<16xi32>
          %swap3A_550 = arith.index_cast %min3A_543 : i32 to index
          %swap3A_551 = tpu.vector_load %arg17[%swap3A_550] masked %le3A_453 {strides = array<i32>} : memref<1024xi32, #tpu.memory_space<vmem>>, vector<16xi32>, vector<16xi1>
          tpu.vector_store %arg17[%swap3A_550], %add3A_549 masked %le3A_453 {strides = array<i32>} : memref<1024xi32, #tpu.memory_space<vmem>>, vector<16xi32>, vector<16xi1>
          %add3A_552 = arith.addi %add3A_541, %squeeze3A_488 : i32
          %min3A_553 = arith.constant 1008 : i32
          %min3A_554 = arith.minsi %add3A_552, %min3A_553 : i32
          %swap3A_555 = arith.index_cast %min3A_554 : i32 to index
          %swap3A_556 = tpu.vector_load %arg16[%swap3A_555] masked %le3A_454 {strides = array<i32>} : memref<1024xf32, #tpu.memory_space<vmem>>, vector<16xf32>, vector<16xi1>
          tpu.vector_store %arg16[%swap3A_555], %get3A_441 masked %le3A_454 {strides = array<i32>} : memref<1024xf32, #tpu.memory_space<vmem>>, vector<16xf32>, vector<16xi1>
          %add3A_557 = arith.constant 80 : i32
          %add3A_558 = arith.addi %mul3A_417, %add3A_557 : i32
          %add3A_559 = vector.broadcast %add3A_558 : i32 to vector<16xi32>
          %add3A_560 = arith.addi %iota3A, %add3A_559 : vector<16xi32>
          %swap3A_561 = arith.index_cast %min3A_554 : i32 to index
          %swap3A_562 = tpu.vector_load %arg17[%swap3A_561] masked %le3A_454 {strides = array<i32>} : memref<1024xi32, #tpu.memory_space<vmem>>, vector<16xi32>, vector<16xi1>
          tpu.vector_store %arg17[%swap3A_561], %add3A_560 masked %le3A_454 {strides = array<i32>} : memref<1024xi32, #tpu.memory_space<vmem>>, vector<16xi32>, vector<16xi1>
          %add3A_563 = arith.addi %add3A_552, %squeeze3A_491 : i32
          %min3A_564 = arith.constant 1008 : i32
          %min3A_565 = arith.minsi %add3A_563, %min3A_564 : i32
          %swap3A_566 = arith.index_cast %min3A_565 : i32 to index
          %swap3A_567 = tpu.vector_load %arg16[%swap3A_566] masked %le3A_455 {strides = array<i32>} : memref<1024xf32, #tpu.memory_space<vmem>>, vector<16xf32>, vector<16xi1>
          tpu.vector_store %arg16[%swap3A_566], %get3A_445 masked %le3A_455 {strides = array<i32>} : memref<1024xf32, #tpu.memory_space<vmem>>, vector<16xf32>, vector<16xi1>
          %add3A_568 = arith.constant 96 : i32
          %add3A_569 = arith.addi %mul3A_417, %add3A_568 : i32
          %add3A_570 = vector.broadcast %add3A_569 : i32 to vector<16xi32>
          %add3A_571 = arith.addi %iota3A, %add3A_570 : vector<16xi32>
          %swap3A_572 = arith.index_cast %min3A_565 : i32 to index
          %swap3A_573 = tpu.vector_load %arg17[%swap3A_572] masked %le3A_455 {strides = array<i32>} : memref<1024xi32, #tpu.memory_space<vmem>>, vector<16xi32>, vector<16xi1>
          tpu.vector_store %arg17[%swap3A_572], %add3A_571 masked %le3A_455 {strides = array<i32>} : memref<1024xi32, #tpu.memory_space<vmem>>, vector<16xi32>, vector<16xi1>
          %add3A_574 = arith.addi %add3A_563, %squeeze3A_494 : i32
          %min3A_575 = arith.constant 1008 : i32
          %min3A_576 = arith.minsi %add3A_574, %min3A_575 : i32
          %swap3A_577 = arith.index_cast %min3A_576 : i32 to index
          %swap3A_578 = tpu.vector_load %arg16[%swap3A_577] masked %le3A_456 {strides = array<i32>} : memref<1024xf32, #tpu.memory_space<vmem>>, vector<16xf32>, vector<16xi1>
          tpu.vector_store %arg16[%swap3A_577], %get3A_449 masked %le3A_456 {strides = array<i32>} : memref<1024xf32, #tpu.memory_space<vmem>>, vector<16xf32>, vector<16xi1>
          %add3A_579 = arith.constant 112 : i32
          %add3A_580 = arith.addi %mul3A_417, %add3A_579 : i32
          %add3A_581 = vector.broadcast %add3A_580 : i32 to vector<16xi32>
          %add3A_582 = arith.addi %iota3A, %add3A_581 : vector<16xi32>
          %swap3A_583 = arith.index_cast %min3A_576 : i32 to index
          %swap3A_584 = tpu.vector_load %arg17[%swap3A_583] masked %le3A_456 {strides = array<i32>} : memref<1024xi32, #tpu.memory_space<vmem>>, vector<16xi32>, vector<16xi1>
          tpu.vector_store %arg17[%swap3A_583], %add3A_582 masked %le3A_456 {strides = array<i32>} : memref<1024xi32, #tpu.memory_space<vmem>>, vector<16xi32>, vector<16xi1>
          %add3A_585 = arith.addi %add3A_574, %squeeze3A_497 : i32
          scf.yield %add3A_585 : i32
        } else {
          scf.yield %scan3A_415 : i32
        }
        scf.yield %cond3A_476 : i32
      }
      %scan3A_143 = arith.constant 128 : i32
      %min3A_144 = arith.constant 1024 : i32
      %min3A_145 = arith.minsi %scan3A_142, %min3A_144 : i32
      %add3A_146 = arith.constant 15 : i32
      %add3A_147 = arith.addi %min3A_145, %add3A_146 : i32
      %jit3A = arith.constant 16 : i32
      %div3A = arith.divsi %add3A_147, %jit3A : i32
      %sign3A = arith.constant 0 : i32
      %sign3A_148 = arith.cmpi sgt, %add3A_147, %sign3A : i32
      %sign3A_149 = arith.extui %sign3A_148 : i1 to i32
      %sign3A_150 = arith.constant 0 : i32
      %sign3A_151 = arith.cmpi slt, %add3A_147, %sign3A_150 : i32
      %sign3A_152 = arith.extui %sign3A_151 : i1 to i32
      %sign3A_153 = arith.subi %sign3A_149, %sign3A_152 : i32
      %sign3A_154 = arith.constant 0 : i32
      %sign3A_155 = arith.cmpi sgt, %jit3A, %sign3A_154 : i32
      %sign3A_156 = arith.extui %sign3A_155 : i1 to i32
      %sign3A_157 = arith.constant 0 : i32
      %sign3A_158 = arith.cmpi slt, %jit3A, %sign3A_157 : i32
      %sign3A_159 = arith.extui %sign3A_158 : i1 to i32
      %sign3A_160 = arith.subi %sign3A_156, %sign3A_159 : i32
      %ne3A = arith.cmpi ne, %sign3A_153, %sign3A_160 : i32
      %rem3A = arith.remsi %add3A_147, %jit3A : i32
      %ne3A_161 = arith.constant 0 : i32
      %ne3A_162 = arith.cmpi ne, %rem3A, %ne3A_161 : i32
      %and3A = arith.andi %ne3A, %ne3A_162 : i1
      %sub3A_163 = arith.constant 1 : i32
      %sub3A_164 = arith.subi %div3A, %sub3A_163 : i32
      %select_n3A = arith.select %and3A, %sub3A_164, %div3A : i32
      %sub3A_165 = arith.constant 1 : i32
      %sub3A_166 = arith.subi %select_n3A, %sub3A_165 : i32
      %mul3A_167 = arith.constant 16 : i32
      %mul3A_168 = arith.muli %sub3A_166, %mul3A_167 : i32
      %add3A_169 = vector.broadcast %mul3A_168 : i32 to vector<16xi32>
      %add3A_170 = arith.addi %iota3A, %add3A_169 : vector<16xi32>
      %ge3A_171 = vector.broadcast %min3A_145 : i32 to vector<16xi32>
      %ge3A_172 = arith.cmpi sge, %add3A_170, %ge3A_171 : vector<16xi32>
      tpu.vector_store_idx %arg16[%add3A_170], %broadcast_in_dim3A_13 masked %ge3A_172 : memref<1024xf32, #tpu.memory_space<vmem>>[vector<16xi32>], vector<16xf32>, vector<16xi1>
      %scan3A_173 = arith.constant 0 : i32
      %scan3A_174 = arith.constant 32 : i32
      %scan3A_175 = arith.addi %scan3A_173, %scan3A_174 : i32
      %scan3A_176 = arith.constant 1 : i32
      %scan3A_177:2 = scf.for %scan3A_414 = %scan3A_173 to %scan3A_175 step %scan3A_176 iter_args(%scan3A_415 = %broadcast_in_dim3A_15, %scan3A_416 = %broadcast_in_dim3A_15) -> (vector<16xi32>, vector<16xi32>)  : i32 {
        %while3A = arith.constant 0 : i32
        %while3A_417 = arith.subi %select_n3A, %while3A : i32
        %while3A_418 = arith.addi %while3A, %while3A_417 : i32
        %while3A_419 = arith.constant 1 : i32
        %while3A_420 = arith.divsi %while3A_417, %while3A_419 : i32
        %while3A_421 = arith.muli %while3A_420, %while3A_419 : i32
        %while3A_422 = arith.addi %while3A, %while3A_421 : i32
        %while3A_423 = arith.constant 1 : i32
        %while3A_424:3 = scf.for %while3A_465 = %while3A to %while3A_422 step %while3A_423 iter_args(%while3A_466 = %broadcast_in_dim3A_13, %while3A_467 = %broadcast_in_dim3A_15, %while3A_468 = %broadcast_in_dim3A_15) -> (vector<16xf32>, vector<16xi32>, vector<16xi32>)  : i32 {
          %mul3A_469 = arith.constant 16 : i32
          %mul3A_470 = arith.muli %while3A_465, %mul3A_469 : i32
          %get3A_471 = arith.index_cast %mul3A_470 : i32 to index
          %get3A_472 = tpu.vector_load %arg16[%get3A_471] {strides = array<i32>} : memref<1024xf32, #tpu.memory_space<vmem>>, vector<16xf32>,
          %mul3A_473 = arith.constant 16 : i32
          %mul3A_474 = arith.muli %while3A_465, %mul3A_473 : i32
          %get3A_475 = arith.index_cast %mul3A_474 : i32 to index
          %get3A_476 = tpu.vector_load %arg17[%get3A_475] {strides = array<i32>} : memref<1024xi32, #tpu.memory_space<vmem>>, vector<16xi32>,
          %mul3A_477 = arith.constant 16 : i32
          %mul3A_478 = arith.muli %while3A_465, %mul3A_477 : i32
          %add3A_479 = vector.broadcast %mul3A_478 : i32 to vector<16xi32>
          %add3A_480 = arith.addi %iota3A, %add3A_479 : vector<16xi32>
          %lt3A_481 = arith.cmpf olt, %get3A_472, %while3A_466 : vector<16xf32>
          %eq3A_482 = arith.cmpf oeq, %get3A_472, %while3A_466 : vector<16xf32>
          %lt3A_483 = arith.cmpi slt, %get3A_476, %while3A_467 : vector<16xi32>
          %and3A_484 = arith.andi %eq3A_482, %lt3A_483 : vector<16xi1>
          %or3A = arith.ori %lt3A_481, %and3A_484 : vector<16xi1>
          %select_n3A_485 = arith.select %or3A, %get3A_472, %while3A_466 : vector<16xi1>, vector<16xf32>
          %select_n3A_486 = arith.select %or3A, %get3A_476, %while3A_467 : vector<16xi1>, vector<16xi32>
          %select_n3A_487 = arith.select %or3A, %add3A_480, %while3A_468 : vector<16xi1>, vector<16xi32>
          scf.yield %select_n3A_485, %select_n3A_486, %select_n3A_487 : vector<16xf32>, vector<16xi32>, vector<16xi32>
        }
        %while3A_425 = arith.constant 1 : i32
        %while3A_426:3 = scf.for %while3A_465 = %while3A_422 to %while3A_418 step %while3A_425 iter_args(%while3A_466 = %while3A_424#0, %while3A_467 = %while3A_424#1, %while3A_468 = %while3A_424#2) -> (vector<16xf32>, vector<16xi32>, vector<16xi32>)  : i32 {
          %mul3A_469 = arith.constant 16 : i32
          %mul3A_470 = arith.muli %while3A_465, %mul3A_469 : i32
          %get3A_471 = arith.index_cast %mul3A_470 : i32 to index
          %get3A_472 = tpu.vector_load %arg16[%get3A_471] {strides = array<i32>} : memref<1024xf32, #tpu.memory_space<vmem>>, vector<16xf32>,
          %mul3A_473 = arith.constant 16 : i32
          %mul3A_474 = arith.muli %while3A_465, %mul3A_473 : i32
          %get3A_475 = arith.index_cast %mul3A_474 : i32 to index
          %get3A_476 = tpu.vector_load %arg17[%get3A_475] {strides = array<i32>} : memref<1024xi32, #tpu.memory_space<vmem>>, vector<16xi32>,
          %mul3A_477 = arith.constant 16 : i32
          %mul3A_478 = arith.muli %while3A_465, %mul3A_477 : i32
          %add3A_479 = vector.broadcast %mul3A_478 : i32 to vector<16xi32>
          %add3A_480 = arith.addi %iota3A, %add3A_479 : vector<16xi32>
          %lt3A_481 = arith.cmpf olt, %get3A_472, %while3A_466 : vector<16xf32>
          %eq3A_482 = arith.cmpf oeq, %get3A_472, %while3A_466 : vector<16xf32>
          %lt3A_483 = arith.cmpi slt, %get3A_476, %while3A_467 : vector<16xi32>
          %and3A_484 = arith.andi %eq3A_482, %lt3A_483 : vector<16xi1>
          %or3A = arith.ori %lt3A_481, %and3A_484 : vector<16xi1>
          %select_n3A_485 = arith.select %or3A, %get3A_472, %while3A_466 : vector<16xi1>, vector<16xf32>
          %select_n3A_486 = arith.select %or3A, %get3A_476, %while3A_467 : vector<16xi1>, vector<16xi32>
          %select_n3A_487 = arith.select %or3A, %add3A_480, %while3A_468 : vector<16xi1>, vector<16xi32>
          scf.yield %select_n3A_485, %select_n3A_486, %select_n3A_487 : vector<16xf32>, vector<16xi32>, vector<16xi32>
        }
        %reduce_min3A = arith.constant true
        %reduce_min3A_427 = vector.broadcast %reduce_min3A : i1 to vector<16xi1>
        %reduce_min3A_428 = tpu.scan <min>, %while3A_426#0 masked %reduce_min3A_427 : vector<16xf32>, vector<16xi1> -> vector<16xf32>
        %reduce_min3A_429 = vector.extract %reduce_min3A_428[15] : f32 from vector<16xf32>
        %eq3A_430 = vector.broadcast %reduce_min3A_429 : f32 to vector<16xf32>
        %eq3A_431 = arith.cmpf oeq, %while3A_426#0, %eq3A_430 : vector<16xf32>
        %select_n3A_432 = arith.select %eq3A_431, %while3A_426#1, %broadcast_in_dim3A_15 : vector<16xi1>, vector<16xi32>
        %reduce_min3A_433 = arith.constant true
        %reduce_min3A_434 = vector.broadcast %reduce_min3A_433 : i1 to vector<16xi1>
        %reduce_min3A_435 = arith.constant -2147483648 : i32
        %reduce_min3A_436 = vector.broadcast %reduce_min3A_435 : i32 to vector<16xi32>
        %reduce_min3A_437 = arith.xori %select_n3A_432, %reduce_min3A_436 : vector<16xi32>
        %reduce_min3A_438 = tpu.scan <min>, %reduce_min3A_437 masked %reduce_min3A_434 : vector<16xi32>, vector<16xi1> -> vector<16xi32>
        %reduce_min3A_439 = arith.xori %reduce_min3A_438, %reduce_min3A_436 : vector<16xi32>
        %reduce_min3A_440 = vector.extract %reduce_min3A_439[15] : i32 from vector<16xi32>
        %eq3A_441 = vector.broadcast %reduce_min3A_429 : f32 to vector<16xf32>
        %eq3A_442 = arith.cmpf oeq, %while3A_426#0, %eq3A_441 : vector<16xf32>
        %eq3A_443 = vector.broadcast %reduce_min3A_440 : i32 to vector<16xi32>
        %eq3A_444 = arith.cmpi eq, %while3A_426#1, %eq3A_443 : vector<16xi32>
        %and3A_445 = arith.andi %eq3A_442, %eq3A_444 : vector<16xi1>
        %select_n3A_446 = arith.select %and3A_445, %while3A_426#2, %broadcast_in_dim3A_15 : vector<16xi1>, vector<16xi32>
        %reduce_min3A_447 = arith.constant true
        %reduce_min3A_448 = vector.broadcast %reduce_min3A_447 : i1 to vector<16xi1>
        %reduce_min3A_449 = arith.constant -2147483648 : i32
        %reduce_min3A_450 = vector.broadcast %reduce_min3A_449 : i32 to vector<16xi32>
        %reduce_min3A_451 = arith.xori %select_n3A_446, %reduce_min3A_450 : vector<16xi32>
        %reduce_min3A_452 = tpu.scan <min>, %reduce_min3A_451 masked %reduce_min3A_448 : vector<16xi32>, vector<16xi1> -> vector<16xi32>
        %reduce_min3A_453 = arith.xori %reduce_min3A_452, %reduce_min3A_450 : vector<16xi32>
        %reduce_min3A_454 = vector.extract %reduce_min3A_453[15] : i32 from vector<16xi32>
        %broadcast_in_dim3A_455 = vector.broadcast %reduce_min3A_454 : i32 to vector<16xi32>
        tpu.vector_store_idx %arg16[%broadcast_in_dim3A_455], %broadcast_in_dim3A_13 masked %eq3A_17 : memref<1024xf32, #tpu.memory_space<vmem>>[vector<16xi32>], vector<16xf32>, vector<16xi1>
        %broadcast_in_dim3A_456 = vector.broadcast %reduce_min3A_440 : i32 to vector<16xi32>
        %eq3A_457 = vector.broadcast %scan3A_414 : i32 to vector<16xi32>
        %eq3A_458 = arith.cmpi eq, %iota3A, %eq3A_457 : vector<16xi32>
        %select_n3A_459 = arith.select %eq3A_458, %broadcast_in_dim3A_456, %scan3A_415 : vector<16xi1>, vector<16xi32>
        %sub3A_460 = arith.constant 16 : i32
        %sub3A_461 = arith.subi %scan3A_414, %sub3A_460 : i32
        %eq3A_462 = vector.broadcast %sub3A_461 : i32 to vector<16xi32>
        %eq3A_463 = arith.cmpi eq, %iota3A, %eq3A_462 : vector<16xi32>
        %select_n3A_464 = arith.select %eq3A_463, %broadcast_in_dim3A_456, %scan3A_416 : vector<16xi1>, vector<16xi32>
        scf.yield %select_n3A_459, %select_n3A_464 : vector<16xi32>, vector<16xi32>
      }
      %scan3A_178 = arith.constant 32 : i32
      %broadcast_in_dim3A_179 = vector.broadcast %add3A_70 : i32 to vector<16xi32>
      %gather3A_180 = tpu.vector_load_idx %arg18[%broadcast_in_dim3A_179] : memref<16xf32, #tpu.memory_space<vmem>>[vector<16xi32>], vector<16xf32>,
      %gather3A_181 = tpu.vector_load_idx %arg19[%broadcast_in_dim3A_179] : memref<16xf32, #tpu.memory_space<vmem>>[vector<16xi32>], vector<16xf32>,
      %gather3A_182 = tpu.vector_load_idx %arg20[%broadcast_in_dim3A_179] : memref<16xf32, #tpu.memory_space<vmem>>[vector<16xi32>], vector<16xf32>,
      %gather3A_183 = tpu.vector_load_idx %arg10[%scan3A_177#0] : memref<16384xf32, #tpu.memory_space<vmem>>[vector<16xi32>], vector<16xf32>,
      %sub3A_184 = arith.subf %gather3A_183, %gather3A_180 : vector<16xf32>
      %gather3A_185 = tpu.vector_load_idx %arg10[%scan3A_177#1] : memref<16384xf32, #tpu.memory_space<vmem>>[vector<16xi32>], vector<16xf32>,
      %sub3A_186 = arith.subf %gather3A_185, %gather3A_180 : vector<16xf32>
      %gather3A_187 = tpu.vector_load_idx %arg11[%scan3A_177#0] : memref<16384xf32, #tpu.memory_space<vmem>>[vector<16xi32>], vector<16xf32>,
      %sub3A_188 = arith.subf %gather3A_187, %gather3A_181 : vector<16xf32>
      %gather3A_189 = tpu.vector_load_idx %arg11[%scan3A_177#1] : memref<16384xf32, #tpu.memory_space<vmem>>[vector<16xi32>], vector<16xf32>,
      %sub3A_190 = arith.subf %gather3A_189, %gather3A_181 : vector<16xf32>
      %gather3A_191 = tpu.vector_load_idx %arg12[%scan3A_177#0] : memref<16384xf32, #tpu.memory_space<vmem>>[vector<16xi32>], vector<16xf32>,
      %sub3A_192 = arith.subf %gather3A_191, %gather3A_182 : vector<16xf32>
      %gather3A_193 = tpu.vector_load_idx %arg12[%scan3A_177#1] : memref<16384xf32, #tpu.memory_space<vmem>>[vector<16xi32>], vector<16xf32>,
      %sub3A_194 = arith.subf %gather3A_193, %gather3A_182 : vector<16xf32>
      %mul3A_195 = arith.constant 3 : i32
      %mul3A_196 = vector.broadcast %mul3A_195 : i32 to vector<16xi32>
      %mul3A_197 = arith.muli %iota3A, %mul3A_196 : vector<16xi32>
      %add3A_198 = arith.constant 16 : i32
      %add3A_199 = vector.broadcast %add3A_198 : i32 to vector<16xi32>
      %add3A_200 = arith.addi %iota3A, %add3A_199 : vector<16xi32>
      %mul3A_201 = arith.constant 3 : i32
      %mul3A_202 = vector.broadcast %mul3A_201 : i32 to vector<16xi32>
      %mul3A_203 = arith.muli %add3A_200, %mul3A_202 : vector<16xi32>
      tpu.vector_store_idx %arg24[%mul3A_197], %sub3A_184 : memref<96xf32, #tpu.memory_space<vmem>>[vector<16xi32>], vector<16xf32>,
      tpu.vector_store_idx %arg24[%mul3A_203], %sub3A_186 : memref<96xf32, #tpu.memory_space<vmem>>[vector<16xi32>], vector<16xf32>,
      %add3A_204 = arith.constant 1 : i32
      %add3A_205 = vector.broadcast %add3A_204 : i32 to vector<16xi32>
      %add3A_206 = arith.addi %mul3A_197, %add3A_205 : vector<16xi32>
      tpu.vector_store_idx %arg24[%add3A_206], %sub3A_188 : memref<96xf32, #tpu.memory_space<vmem>>[vector<16xi32>], vector<16xf32>,
      %add3A_207 = arith.constant 1 : i32
      %add3A_208 = vector.broadcast %add3A_207 : i32 to vector<16xi32>
      %add3A_209 = arith.addi %mul3A_203, %add3A_208 : vector<16xi32>
      tpu.vector_store_idx %arg24[%add3A_209], %sub3A_190 : memref<96xf32, #tpu.memory_space<vmem>>[vector<16xi32>], vector<16xf32>,
      %add3A_210 = arith.constant 2 : i32
      %add3A_211 = vector.broadcast %add3A_210 : i32 to vector<16xi32>
      %add3A_212 = arith.addi %mul3A_197, %add3A_211 : vector<16xi32>
      tpu.vector_store_idx %arg24[%add3A_212], %sub3A_192 : memref<96xf32, #tpu.memory_space<vmem>>[vector<16xi32>], vector<16xf32>,
      %add3A_213 = arith.constant 2 : i32
      %add3A_214 = vector.broadcast %add3A_213 : i32 to vector<16xi32>
      %add3A_215 = arith.addi %mul3A_203, %add3A_214 : vector<16xi32>
      tpu.vector_store_idx %arg24[%add3A_215], %sub3A_194 : memref<96xf32, #tpu.memory_space<vmem>>[vector<16xi32>], vector<16xf32>,
      %swap3A_216 = arith.constant 0 : index
      %swap3A_217 = tpu.vector_load %arg22[%swap3A_216] {strides = array<i32>} : memref<32xi32, #tpu.memory_space<vmem>>, vector<16xi32>,
      tpu.vector_store %arg22[%swap3A_216], %scan3A_177#0 {strides = array<i32>} : memref<32xi32, #tpu.memory_space<vmem>>, vector<16xi32>,
      %swap3A_218 = arith.constant 16 : index
      %swap3A_219 = tpu.vector_load %arg22[%swap3A_218] {strides = array<i32>} : memref<32xi32, #tpu.memory_space<vmem>>, vector<16xi32>,
      tpu.vector_store %arg22[%swap3A_218], %scan3A_177#1 {strides = array<i32>} : memref<32xi32, #tpu.memory_space<vmem>>, vector<16xi32>,
      %dma_start3A_220 = arith.constant 0 : i32
      %dma_start3A_221 = tpu.memref_slice %arg8[%add3A_73, %dma_start3A_220] : memref<512x32xi32, #tpu.memory_space<hbm>> -> memref<1x32xi32, #tpu.memory_space<hbm>>
      %dma_start3A_222 = tpu.memref_squeeze %dma_start3A_221 : memref<1x32xi32, #tpu.memory_space<hbm>> -> memref<32xi32, #tpu.memory_space<hbm>>
      %dma_start3A_223 = arith.constant 0 : i32
      %dma_start3A_224 = tpu.memref_slice %arg8[%add3A_73, %dma_start3A_223] : memref<512x32xi32, #tpu.memory_space<hbm>> -> memref<1x32xi32, #tpu.memory_space<hbm>>
      %dma_start3A_225 = tpu.memref_squeeze %dma_start3A_224 : memref<1x32xi32, #tpu.memory_space<hbm>> -> memref<32xi32, #tpu.memory_space<hbm>>
      tpu.enqueue_dma source(%arg22 : memref<32xi32, #tpu.memory_space<vmem>>) target(%dma_start3A_225 : memref<32xi32, #tpu.memory_space<hbm>>) target_semaphore(%arg28 : memref<!tpu.dma_semaphore, #tpu.memory_space<semaphore_mem>>)
      %dma_start3A_226 = arith.constant 0 : i32
      %dma_start3A_227 = tpu.memref_slice %arg9[%add3A_73, %dma_start3A_226] : memref<512x96xf32, #tpu.memory_space<hbm>> -> memref<1x96xf32, #tpu.memory_space<hbm>>
      %dma_start3A_228 = tpu.memref_squeeze %dma_start3A_227 : memref<1x96xf32, #tpu.memory_space<hbm>> -> memref<96xf32, #tpu.memory_space<hbm>>
      %dma_start3A_229 = arith.constant 0 : i32
      %dma_start3A_230 = tpu.memref_slice %arg9[%add3A_73, %dma_start3A_229] : memref<512x96xf32, #tpu.memory_space<hbm>> -> memref<1x96xf32, #tpu.memory_space<hbm>>
      %dma_start3A_231 = tpu.memref_squeeze %dma_start3A_230 : memref<1x96xf32, #tpu.memory_space<hbm>> -> memref<96xf32, #tpu.memory_space<hbm>>
      tpu.enqueue_dma source(%arg24 : memref<96xf32, #tpu.memory_space<vmem>>) target(%dma_start3A_231 : memref<96xf32, #tpu.memory_space<hbm>>) target_semaphore(%arg30 : memref<!tpu.dma_semaphore, #tpu.memory_space<semaphore_mem>>)
      %mul3A_232 = arith.constant 2 : i32
      %mul3A_233 = arith.muli %scan3A_65, %mul3A_232 : i32
      %add3A_234 = arith.constant 1 : i32
      %add3A_235 = arith.addi %mul3A_233, %add3A_234 : i32
      %mul3A_236 = arith.constant 16 : i32
      %mul3A_237 = arith.muli %add3A, %mul3A_236 : i32
      %add3A_238 = arith.addi %mul3A_237, %add3A_235 : i32
      %dma_wait3A_239 = arith.constant 0 : i32
      %dma_wait3A_240 = tpu.memref_slice %arg2[%add3A_238, %dma_wait3A_239] : memref<512x16384xf32, #tpu.memory_space<hbm>> -> memref<1x16384xf32, #tpu.memory_space<hbm>>
      %dma_wait3A_241 = tpu.memref_squeeze %dma_wait3A_240 : memref<1x16384xf32, #tpu.memory_space<hbm>> -> memref<16384xf32, #tpu.memory_space<hbm>>
      %dma_wait3A_242 = arith.constant 0 : i32
      %dma_wait3A_243 = tpu.memref_slice %arg2[%add3A_238, %dma_wait3A_242] : memref<512x16384xf32, #tpu.memory_space<hbm>> -> memref<1x16384xf32, #tpu.memory_space<hbm>>
      %dma_wait3A_244 = tpu.memref_squeeze %dma_wait3A_243 : memref<1x16384xf32, #tpu.memory_space<hbm>> -> memref<16384xf32, #tpu.memory_space<hbm>>
      tpu.wait_dma2 semaphore(%arg27 : memref<!tpu.dma_semaphore, #tpu.memory_space<semaphore_mem>>) src(%dma_wait3A_244 : memref<16384xf32, #tpu.memory_space<hbm>>) dst(%arg14 : memref<16384xf32, #tpu.memory_space<vmem>>)
      %ge3A_245 = arith.constant 2 : i32
      %ge3A_246 = arith.cmpi sge, %add3A_235, %ge3A_245 : i32
      %convert_element_type3A_247 = arith.extui %ge3A_246 : i1 to i32
      %cond3A_248 = arith.constant 0 : i32
      %cond3A_249 = arith.cmpi ne, %convert_element_type3A_247, %cond3A_248 : i32
      scf.if %cond3A_249 {
        %sub3A_414 = arith.constant 2 : i32
        %sub3A_415 = arith.subi %add3A_238, %sub3A_414 : i32
        %dma_wait3A_416 = arith.constant 0 : i32
        %dma_wait3A_417 = tpu.memref_slice %arg8[%sub3A_415, %dma_wait3A_416] : memref<512x32xi32, #tpu.memory_space<hbm>> -> memref<1x32xi32, #tpu.memory_space<hbm>>
        %dma_wait3A_418 = tpu.memref_squeeze %dma_wait3A_417 : memref<1x32xi32, #tpu.memory_space<hbm>> -> memref<32xi32, #tpu.memory_space<hbm>>
        %dma_wait3A_419 = arith.constant 0 : i32
        %dma_wait3A_420 = tpu.memref_slice %arg8[%sub3A_415, %dma_wait3A_419] : memref<512x32xi32, #tpu.memory_space<hbm>> -> memref<1x32xi32, #tpu.memory_space<hbm>>
        %dma_wait3A_421 = tpu.memref_squeeze %dma_wait3A_420 : memref<1x32xi32, #tpu.memory_space<hbm>> -> memref<32xi32, #tpu.memory_space<hbm>>
        tpu.wait_dma2 semaphore(%arg29 : memref<!tpu.dma_semaphore, #tpu.memory_space<semaphore_mem>>) src(%arg23 : memref<32xi32, #tpu.memory_space<vmem>>) dst(%dma_wait3A_421 : memref<32xi32, #tpu.memory_space<hbm>>)
        %sub3A_422 = arith.constant 2 : i32
        %sub3A_423 = arith.subi %add3A_238, %sub3A_422 : i32
        %dma_wait3A_424 = arith.constant 0 : i32
        %dma_wait3A_425 = tpu.memref_slice %arg9[%sub3A_423, %dma_wait3A_424] : memref<512x96xf32, #tpu.memory_space<hbm>> -> memref<1x96xf32, #tpu.memory_space<hbm>>
        %dma_wait3A_426 = tpu.memref_squeeze %dma_wait3A_425 : memref<1x96xf32, #tpu.memory_space<hbm>> -> memref<96xf32, #tpu.memory_space<hbm>>
        %dma_wait3A_427 = arith.constant 0 : i32
        %dma_wait3A_428 = tpu.memref_slice %arg9[%sub3A_423, %dma_wait3A_427] : memref<512x96xf32, #tpu.memory_space<hbm>> -> memref<1x96xf32, #tpu.memory_space<hbm>>
        %dma_wait3A_429 = tpu.memref_squeeze %dma_wait3A_428 : memref<1x96xf32, #tpu.memory_space<hbm>> -> memref<96xf32, #tpu.memory_space<hbm>>
        tpu.wait_dma2 semaphore(%arg31 : memref<!tpu.dma_semaphore, #tpu.memory_space<semaphore_mem>>) src(%arg25 : memref<96xf32, #tpu.memory_space<vmem>>) dst(%dma_wait3A_429 : memref<96xf32, #tpu.memory_space<hbm>>)
      } else {
      }
      %add3A_250 = arith.constant 1 : i32
      %add3A_251 = arith.addi %add3A_235, %add3A_250 : i32
      %lt3A_252 = arith.constant 16 : i32
      %lt3A_253 = arith.cmpi slt, %add3A_251, %lt3A_252 : i32
      %convert_element_type3A_254 = arith.extui %lt3A_253 : i1 to i32
      %cond3A_255 = arith.constant 0 : i32
      %cond3A_256 = arith.cmpi ne, %convert_element_type3A_254, %cond3A_255 : i32
      scf.if %cond3A_256 {
        %add3A_414 = arith.constant 1 : i32
        %add3A_415 = arith.addi %add3A_238, %add3A_414 : i32
        %dma_start3A_416 = arith.constant 0 : i32
        %dma_start3A_417 = tpu.memref_slice %arg2[%add3A_415, %dma_start3A_416] : memref<512x16384xf32, #tpu.memory_space<hbm>> -> memref<1x16384xf32, #tpu.memory_space<hbm>>
        %dma_start3A_418 = tpu.memref_squeeze %dma_start3A_417 : memref<1x16384xf32, #tpu.memory_space<hbm>> -> memref<16384xf32, #tpu.memory_space<hbm>>
        %dma_start3A_419 = arith.constant 0 : i32
        %dma_start3A_420 = tpu.memref_slice %arg2[%add3A_415, %dma_start3A_419] : memref<512x16384xf32, #tpu.memory_space<hbm>> -> memref<1x16384xf32, #tpu.memory_space<hbm>>
        %dma_start3A_421 = tpu.memref_squeeze %dma_start3A_420 : memref<1x16384xf32, #tpu.memory_space<hbm>> -> memref<16384xf32, #tpu.memory_space<hbm>>
        tpu.enqueue_dma source(%dma_start3A_421 : memref<16384xf32, #tpu.memory_space<hbm>>) target(%arg13 : memref<16384xf32, #tpu.memory_space<vmem>>) target_semaphore(%arg26 : memref<!tpu.dma_semaphore, #tpu.memory_space<semaphore_mem>>)
      } else {
      }
      "tpu.region"() ({
        %run_scoped3A = tpu.sem_alloc : memref<!tpu.dma_semaphore, #tpu.memory_space<semaphore_mem>>
        %dma_start3A_414 = arith.constant 0 : i32
        %dma_start3A_415 = tpu.memref_slice %arg3[%add3A_238, %dma_start3A_414] : memref<512x128xf32, #tpu.memory_space<hbm>> -> memref<1x128xf32, #tpu.memory_space<hbm>>
        %dma_start3A_416 = tpu.memref_squeeze %dma_start3A_415 : memref<1x128xf32, #tpu.memory_space<hbm>> -> memref<128xf32, #tpu.memory_space<hbm>>
        %dma_start3A_417 = arith.constant 0 : i32
        %dma_start3A_418 = tpu.memref_slice %arg3[%add3A_238, %dma_start3A_417] : memref<512x128xf32, #tpu.memory_space<hbm>> -> memref<1x128xf32, #tpu.memory_space<hbm>>
        %dma_start3A_419 = tpu.memref_squeeze %dma_start3A_418 : memref<1x128xf32, #tpu.memory_space<hbm>> -> memref<128xf32, #tpu.memory_space<hbm>>
        tpu.enqueue_dma source(%dma_start3A_419 : memref<128xf32, #tpu.memory_space<hbm>>) target(%arg15 : memref<128xf32, #tpu.memory_space<vmem>>) target_semaphore(%run_scoped3A : memref<!tpu.dma_semaphore, #tpu.memory_space<semaphore_mem>>)
        %dma_wait3A_420 = arith.constant 0 : i32
        %dma_wait3A_421 = tpu.memref_slice %arg3[%add3A_238, %dma_wait3A_420] : memref<512x128xf32, #tpu.memory_space<hbm>> -> memref<1x128xf32, #tpu.memory_space<hbm>>
        %dma_wait3A_422 = tpu.memref_squeeze %dma_wait3A_421 : memref<1x128xf32, #tpu.memory_space<hbm>> -> memref<128xf32, #tpu.memory_space<hbm>>
        %dma_wait3A_423 = arith.constant 0 : i32
        %dma_wait3A_424 = tpu.memref_slice %arg3[%add3A_238, %dma_wait3A_423] : memref<512x128xf32, #tpu.memory_space<hbm>> -> memref<1x128xf32, #tpu.memory_space<hbm>>
        %dma_wait3A_425 = tpu.memref_squeeze %dma_wait3A_424 : memref<1x128xf32, #tpu.memory_space<hbm>> -> memref<128xf32, #tpu.memory_space<hbm>>
        tpu.wait_dma2 semaphore(%run_scoped3A : memref<!tpu.dma_semaphore, #tpu.memory_space<semaphore_mem>>) src(%dma_wait3A_425 : memref<128xf32, #tpu.memory_space<hbm>>) dst(%arg15 : memref<128xf32, #tpu.memory_space<vmem>>)
        tpu.yield
      }) : () -> ()
      %get3A_257 = arith.constant 0 : index
      %get3A_258 = tpu.vector_load %arg15[%get3A_257] {strides = array<i32>} : memref<128xf32, #tpu.memory_space<vmem>>, vector<16xf32>,
      %get3A_259 = arith.constant 64 : index
      %get3A_260 = tpu.vector_load %arg15[%get3A_259] {strides = array<i32>} : memref<128xf32, #tpu.memory_space<vmem>>, vector<16xf32>,
      %min3A_261 = arith.minimumf %get3A_258, %get3A_260 : vector<16xf32>
      %get3A_262 = arith.constant 16 : index
      %get3A_263 = tpu.vector_load %arg15[%get3A_262] {strides = array<i32>} : memref<128xf32, #tpu.memory_space<vmem>>, vector<16xf32>,
      %get3A_264 = arith.constant 80 : index
      %get3A_265 = tpu.vector_load %arg15[%get3A_264] {strides = array<i32>} : memref<128xf32, #tpu.memory_space<vmem>>, vector<16xf32>,
      %min3A_266 = arith.minimumf %get3A_263, %get3A_265 : vector<16xf32>
      %get3A_267 = arith.constant 32 : index
      %get3A_268 = tpu.vector_load %arg15[%get3A_267] {strides = array<i32>} : memref<128xf32, #tpu.memory_space<vmem>>, vector<16xf32>,
      %get3A_269 = arith.constant 96 : index
      %get3A_270 = tpu.vector_load %arg15[%get3A_269] {strides = array<i32>} : memref<128xf32, #tpu.memory_space<vmem>>, vector<16xf32>,
      %min3A_271 = arith.minimumf %get3A_268, %get3A_270 : vector<16xf32>
      %get3A_272 = arith.constant 48 : index
      %get3A_273 = tpu.vector_load %arg15[%get3A_272] {strides = array<i32>} : memref<128xf32, #tpu.memory_space<vmem>>, vector<16xf32>,
      %get3A_274 = arith.constant 112 : index
      %get3A_275 = tpu.vector_load %arg15[%get3A_274] {strides = array<i32>} : memref<128xf32, #tpu.memory_space<vmem>>, vector<16xf32>,
      %min3A_276 = arith.minimumf %get3A_273, %get3A_275 : vector<16xf32>
      %sort3A_277 = arith.constant dense<true> : vector<16xi1>
      %sort3A_278, %sort3A_279, %sort3A_280 = tpu.sort %min3A_261, %min3A_261 masked %sort3A_277 : (vector<16xf32>, vector<16xf32>, vector<16xi1>) -> (vector<16xi1>, vector<16xf32>, vector<16xf32>)
      %sort3A_281 = arith.constant dense<true> : vector<16xi1>
      %sort3A_282, %sort3A_283, %sort3A_284 = tpu.sort %min3A_266, %min3A_266 masked %sort3A_281 : (vector<16xf32>, vector<16xf32>, vector<16xi1>) -> (vector<16xi1>, vector<16xf32>, vector<16xf32>)
      %sort3A_285 = arith.constant dense<true> : vector<16xi1>
      %sort3A_286, %sort3A_287, %sort3A_288 = tpu.sort %min3A_271, %min3A_271 masked %sort3A_285 : (vector<16xf32>, vector<16xf32>, vector<16xi1>) -> (vector<16xi1>, vector<16xf32>, vector<16xf32>)
      %sort3A_289 = arith.constant dense<true> : vector<16xi1>
      %sort3A_290, %sort3A_291, %sort3A_292 = tpu.sort %min3A_276, %min3A_276 masked %sort3A_289 : (vector<16xf32>, vector<16xf32>, vector<16xi1>) -> (vector<16xi1>, vector<16xf32>, vector<16xf32>)
      %rev3A_293 = arith.constant 15 : i32
      %rev3A_294 = vector.broadcast %rev3A_293 : i32 to vector<16xi32>
      %rev3A_295 = tpu.iota {dimensions = array<i32: 0>} : vector<16xi32>
      %rev3A_296 = arith.subi %rev3A_294, %rev3A_295 : vector<16xi32>
      %rev3A_297 = tpu.dynamic_gather %sort3A_283[%rev3A_296] in [0] : vector<16xf32>, vector<16xi32> -> vector<16xf32>
      %min3A_298 = arith.minimumf %sort3A_279, %rev3A_297 : vector<16xf32>
      %rev3A_299 = arith.constant 15 : i32
      %rev3A_300 = vector.broadcast %rev3A_299 : i32 to vector<16xi32>
      %rev3A_301 = tpu.iota {dimensions = array<i32: 0>} : vector<16xi32>
      %rev3A_302 = arith.subi %rev3A_300, %rev3A_301 : vector<16xi32>
      %rev3A_303 = tpu.dynamic_gather %sort3A_291[%rev3A_302] in [0] : vector<16xf32>, vector<16xi32> -> vector<16xf32>
      %min3A_304 = arith.minimumf %sort3A_287, %rev3A_303 : vector<16xf32>
      %max3A_305 = arith.maximumf %min3A_298, %min3A_304 : vector<16xf32>
      %reduce_max3A_306 = arith.constant true
      %reduce_max3A_307 = vector.broadcast %reduce_max3A_306 : i1 to vector<16xi1>
      %reduce_max3A_308 = tpu.scan <max>, %max3A_305 masked %reduce_max3A_307 : vector<16xf32>, vector<16xi1> -> vector<16xf32>
      %reduce_max3A_309 = vector.extract %reduce_max3A_308[15] : f32 from vector<16xf32>
      %broadcast_in_dim3A_310 = vector.broadcast %reduce_max3A_309 : f32 to vector<16xf32>
      %scan3A_311 = arith.constant 0 : i32
      %scan3A_312 = arith.constant 0 : i32
      %scan3A_313 = arith.constant 128 : i32
      %scan3A_314 = arith.addi %scan3A_312, %scan3A_313 : i32
      %scan3A_315 = arith.constant 1 : i32
      %scan3A_316 = scf.for %scan3A_414 = %scan3A_312 to %scan3A_314 step %scan3A_315 iter_args(%scan3A_415 = %scan3A_311) -> (i32)  : i32 {
        %mul3A_416 = arith.constant 128 : i32
        %mul3A_417 = arith.muli %scan3A_414, %mul3A_416 : i32
        %add3A_418 = arith.constant 0 : i32
        %add3A_419 = arith.addi %mul3A_417, %add3A_418 : i32
        %get3A_420 = arith.index_cast %add3A_419 : i32 to index
        %get3A_421 = tpu.vector_load %arg14[%get3A_420] {strides = array<i32>} : memref<16384xf32, #tpu.memory_space<vmem>>, vector<16xf32>,
        %add3A_422 = arith.constant 16 : i32
        %add3A_423 = arith.addi %mul3A_417, %add3A_422 : i32
        %get3A_424 = arith.index_cast %add3A_423 : i32 to index
        %get3A_425 = tpu.vector_load %arg14[%get3A_424] {strides = array<i32>} : memref<16384xf32, #tpu.memory_space<vmem>>, vector<16xf32>,
        %add3A_426 = arith.constant 32 : i32
        %add3A_427 = arith.addi %mul3A_417, %add3A_426 : i32
        %get3A_428 = arith.index_cast %add3A_427 : i32 to index
        %get3A_429 = tpu.vector_load %arg14[%get3A_428] {strides = array<i32>} : memref<16384xf32, #tpu.memory_space<vmem>>, vector<16xf32>,
        %add3A_430 = arith.constant 48 : i32
        %add3A_431 = arith.addi %mul3A_417, %add3A_430 : i32
        %get3A_432 = arith.index_cast %add3A_431 : i32 to index
        %get3A_433 = tpu.vector_load %arg14[%get3A_432] {strides = array<i32>} : memref<16384xf32, #tpu.memory_space<vmem>>, vector<16xf32>,
        %add3A_434 = arith.constant 64 : i32
        %add3A_435 = arith.addi %mul3A_417, %add3A_434 : i32
        %get3A_436 = arith.index_cast %add3A_435 : i32 to index
        %get3A_437 = tpu.vector_load %arg14[%get3A_436] {strides = array<i32>} : memref<16384xf32, #tpu.memory_space<vmem>>, vector<16xf32>,
        %add3A_438 = arith.constant 80 : i32
        %add3A_439 = arith.addi %mul3A_417, %add3A_438 : i32
        %get3A_440 = arith.index_cast %add3A_439 : i32 to index
        %get3A_441 = tpu.vector_load %arg14[%get3A_440] {strides = array<i32>} : memref<16384xf32, #tpu.memory_space<vmem>>, vector<16xf32>,
        %add3A_442 = arith.constant 96 : i32
        %add3A_443 = arith.addi %mul3A_417, %add3A_442 : i32
        %get3A_444 = arith.index_cast %add3A_443 : i32 to index
        %get3A_445 = tpu.vector_load %arg14[%get3A_444] {strides = array<i32>} : memref<16384xf32, #tpu.memory_space<vmem>>, vector<16xf32>,
        %add3A_446 = arith.constant 112 : i32
        %add3A_447 = arith.addi %mul3A_417, %add3A_446 : i32
        %get3A_448 = arith.index_cast %add3A_447 : i32 to index
        %get3A_449 = tpu.vector_load %arg14[%get3A_448] {strides = array<i32>} : memref<16384xf32, #tpu.memory_space<vmem>>, vector<16xf32>,
        %le3A = arith.cmpf ole, %get3A_421, %broadcast_in_dim3A_310 : vector<16xf32>
        %le3A_450 = arith.cmpf ole, %get3A_425, %broadcast_in_dim3A_310 : vector<16xf32>
        %le3A_451 = arith.cmpf ole, %get3A_429, %broadcast_in_dim3A_310 : vector<16xf32>
        %le3A_452 = arith.cmpf ole, %get3A_433, %broadcast_in_dim3A_310 : vector<16xf32>
        %le3A_453 = arith.cmpf ole, %get3A_437, %broadcast_in_dim3A_310 : vector<16xf32>
        %le3A_454 = arith.cmpf ole, %get3A_441, %broadcast_in_dim3A_310 : vector<16xf32>
        %le3A_455 = arith.cmpf ole, %get3A_445, %broadcast_in_dim3A_310 : vector<16xf32>
        %le3A_456 = arith.cmpf ole, %get3A_449, %broadcast_in_dim3A_310 : vector<16xf32>
        %or3A = arith.ori %le3A, %le3A_450 : vector<16xi1>
        %or3A_457 = arith.ori %le3A_451, %le3A_452 : vector<16xi1>
        %or3A_458 = arith.ori %le3A_453, %le3A_454 : vector<16xi1>
        %or3A_459 = arith.ori %le3A_455, %le3A_456 : vector<16xi1>
        %or3A_460 = arith.ori %or3A, %or3A_457 : vector<16xi1>
        %or3A_461 = arith.ori %or3A_458, %or3A_459 : vector<16xi1>
        %or3A_462 = arith.ori %or3A_460, %or3A_461 : vector<16xi1>
        %reduce_or3A = arith.constant 1.000000e+00 : f32
        %reduce_or3A_463 = arith.constant 0.000000e+00 : f32
        %reduce_or3A_464 = vector.broadcast %reduce_or3A : f32 to vector<16xf32>
        %reduce_or3A_465 = vector.broadcast %reduce_or3A_463 : f32 to vector<16xf32>
        %reduce_or3A_466 = arith.select %or3A_462, %reduce_or3A_464, %reduce_or3A_465 : vector<16xi1>, vector<16xf32>
        %reduce_or3A_467 = arith.constant true
        %reduce_or3A_468 = vector.broadcast %reduce_or3A_467 : i1 to vector<16xi1>
        %reduce_or3A_469 = tpu.scan <max>, %reduce_or3A_466 masked %reduce_or3A_468 : vector<16xf32>, vector<16xi1> -> vector<16xf32>
        %reduce_or3A_470 = vector.extract %reduce_or3A_469[15] : f32 from vector<16xf32>
        %reduce_or3A_471 = arith.constant 0.000000e+00 : f32
        %reduce_or3A_472 = arith.cmpf ogt, %reduce_or3A_470, %reduce_or3A_471 : f32
        %convert_element_type3A_473 = arith.extui %reduce_or3A_472 : i1 to i32
        %cond3A_474 = arith.constant 0 : i32
        %cond3A_475 = arith.cmpi ne, %convert_element_type3A_473, %cond3A_474 : i32
        %cond3A_476 = scf.if %cond3A_475 -> (i32) {
          %all_reduce_population_count3A = tpu.all_reduce %le3A {dim = 0 : i64, kind = #tpu.reduction_kind<sum>} : vector<16xi1> -> vector<16xi32>
          %slice3A = vector.extract_strided_slice %all_reduce_population_count3A {offsets = [0], sizes = [1], strides = [1]} : vector<16xi32> to vector<1xi32>
          %squeeze3A = vector.extract %slice3A[0] : i32 from vector<1xi32>
          %all_reduce_population_count3A_477 = tpu.all_reduce %le3A_450 {dim = 0 : i64, kind = #tpu.reduction_kind<sum>} : vector<16xi1> -> vector<16xi32>
          %slice3A_478 = vector.extract_strided_slice %all_reduce_population_count3A_477 {offsets = [0], sizes = [1], strides = [1]} : vector<16xi32> to vector<1xi32>
          %squeeze3A_479 = vector.extract %slice3A_478[0] : i32 from vector<1xi32>
          %all_reduce_population_count3A_480 = tpu.all_reduce %le3A_451 {dim = 0 : i64, kind = #tpu.reduction_kind<sum>} : vector<16xi1> -> vector<16xi32>
          %slice3A_481 = vector.extract_strided_slice %all_reduce_population_count3A_480 {offsets = [0], sizes = [1], strides = [1]} : vector<16xi32> to vector<1xi32>
          %squeeze3A_482 = vector.extract %slice3A_481[0] : i32 from vector<1xi32>
          %all_reduce_population_count3A_483 = tpu.all_reduce %le3A_452 {dim = 0 : i64, kind = #tpu.reduction_kind<sum>} : vector<16xi1> -> vector<16xi32>
          %slice3A_484 = vector.extract_strided_slice %all_reduce_population_count3A_483 {offsets = [0], sizes = [1], strides = [1]} : vector<16xi32> to vector<1xi32>
          %squeeze3A_485 = vector.extract %slice3A_484[0] : i32 from vector<1xi32>
          %all_reduce_population_count3A_486 = tpu.all_reduce %le3A_453 {dim = 0 : i64, kind = #tpu.reduction_kind<sum>} : vector<16xi1> -> vector<16xi32>
          %slice3A_487 = vector.extract_strided_slice %all_reduce_population_count3A_486 {offsets = [0], sizes = [1], strides = [1]} : vector<16xi32> to vector<1xi32>
          %squeeze3A_488 = vector.extract %slice3A_487[0] : i32 from vector<1xi32>
          %all_reduce_population_count3A_489 = tpu.all_reduce %le3A_454 {dim = 0 : i64, kind = #tpu.reduction_kind<sum>} : vector<16xi1> -> vector<16xi32>
          %slice3A_490 = vector.extract_strided_slice %all_reduce_population_count3A_489 {offsets = [0], sizes = [1], strides = [1]} : vector<16xi32> to vector<1xi32>
          %squeeze3A_491 = vector.extract %slice3A_490[0] : i32 from vector<1xi32>
          %all_reduce_population_count3A_492 = tpu.all_reduce %le3A_455 {dim = 0 : i64, kind = #tpu.reduction_kind<sum>} : vector<16xi1> -> vector<16xi32>
          %slice3A_493 = vector.extract_strided_slice %all_reduce_population_count3A_492 {offsets = [0], sizes = [1], strides = [1]} : vector<16xi32> to vector<1xi32>
          %squeeze3A_494 = vector.extract %slice3A_493[0] : i32 from vector<1xi32>
          %all_reduce_population_count3A_495 = tpu.all_reduce %le3A_456 {dim = 0 : i64, kind = #tpu.reduction_kind<sum>} : vector<16xi1> -> vector<16xi32>
          %slice3A_496 = vector.extract_strided_slice %all_reduce_population_count3A_495 {offsets = [0], sizes = [1], strides = [1]} : vector<16xi32> to vector<1xi32>
          %squeeze3A_497 = vector.extract %slice3A_496[0] : i32 from vector<1xi32>
          %min3A_498 = arith.constant 1008 : i32
          %min3A_499 = arith.minsi %scan3A_415, %min3A_498 : i32
          %swap3A_500 = arith.index_cast %min3A_499 : i32 to index
          %swap3A_501 = tpu.vector_load %arg16[%swap3A_500] masked %le3A {strides = array<i32>} : memref<1024xf32, #tpu.memory_space<vmem>>, vector<16xf32>, vector<16xi1>
          tpu.vector_store %arg16[%swap3A_500], %get3A_421 masked %le3A {strides = array<i32>} : memref<1024xf32, #tpu.memory_space<vmem>>, vector<16xf32>, vector<16xi1>
          %add3A_502 = arith.constant 0 : i32
          %add3A_503 = arith.addi %mul3A_417, %add3A_502 : i32
          %add3A_504 = vector.broadcast %add3A_503 : i32 to vector<16xi32>
          %add3A_505 = arith.addi %iota3A, %add3A_504 : vector<16xi32>
          %swap3A_506 = arith.index_cast %min3A_499 : i32 to index
          %swap3A_507 = tpu.vector_load %arg17[%swap3A_506] masked %le3A {strides = array<i32>} : memref<1024xi32, #tpu.memory_space<vmem>>, vector<16xi32>, vector<16xi1>
          tpu.vector_store %arg17[%swap3A_506], %add3A_505 masked %le3A {strides = array<i32>} : memref<1024xi32, #tpu.memory_space<vmem>>, vector<16xi32>, vector<16xi1>
          %add3A_508 = arith.addi %scan3A_415, %squeeze3A : i32
          %min3A_509 = arith.constant 1008 : i32
          %min3A_510 = arith.minsi %add3A_508, %min3A_509 : i32
          %swap3A_511 = arith.index_cast %min3A_510 : i32 to index
          %swap3A_512 = tpu.vector_load %arg16[%swap3A_511] masked %le3A_450 {strides = array<i32>} : memref<1024xf32, #tpu.memory_space<vmem>>, vector<16xf32>, vector<16xi1>
          tpu.vector_store %arg16[%swap3A_511], %get3A_425 masked %le3A_450 {strides = array<i32>} : memref<1024xf32, #tpu.memory_space<vmem>>, vector<16xf32>, vector<16xi1>
          %add3A_513 = arith.constant 16 : i32
          %add3A_514 = arith.addi %mul3A_417, %add3A_513 : i32
          %add3A_515 = vector.broadcast %add3A_514 : i32 to vector<16xi32>
          %add3A_516 = arith.addi %iota3A, %add3A_515 : vector<16xi32>
          %swap3A_517 = arith.index_cast %min3A_510 : i32 to index
          %swap3A_518 = tpu.vector_load %arg17[%swap3A_517] masked %le3A_450 {strides = array<i32>} : memref<1024xi32, #tpu.memory_space<vmem>>, vector<16xi32>, vector<16xi1>
          tpu.vector_store %arg17[%swap3A_517], %add3A_516 masked %le3A_450 {strides = array<i32>} : memref<1024xi32, #tpu.memory_space<vmem>>, vector<16xi32>, vector<16xi1>
          %add3A_519 = arith.addi %add3A_508, %squeeze3A_479 : i32
          %min3A_520 = arith.constant 1008 : i32
          %min3A_521 = arith.minsi %add3A_519, %min3A_520 : i32
          %swap3A_522 = arith.index_cast %min3A_521 : i32 to index
          %swap3A_523 = tpu.vector_load %arg16[%swap3A_522] masked %le3A_451 {strides = array<i32>} : memref<1024xf32, #tpu.memory_space<vmem>>, vector<16xf32>, vector<16xi1>
          tpu.vector_store %arg16[%swap3A_522], %get3A_429 masked %le3A_451 {strides = array<i32>} : memref<1024xf32, #tpu.memory_space<vmem>>, vector<16xf32>, vector<16xi1>
          %add3A_524 = arith.constant 32 : i32
          %add3A_525 = arith.addi %mul3A_417, %add3A_524 : i32
          %add3A_526 = vector.broadcast %add3A_525 : i32 to vector<16xi32>
          %add3A_527 = arith.addi %iota3A, %add3A_526 : vector<16xi32>
          %swap3A_528 = arith.index_cast %min3A_521 : i32 to index
          %swap3A_529 = tpu.vector_load %arg17[%swap3A_528] masked %le3A_451 {strides = array<i32>} : memref<1024xi32, #tpu.memory_space<vmem>>, vector<16xi32>, vector<16xi1>
          tpu.vector_store %arg17[%swap3A_528], %add3A_527 masked %le3A_451 {strides = array<i32>} : memref<1024xi32, #tpu.memory_space<vmem>>, vector<16xi32>, vector<16xi1>
          %add3A_530 = arith.addi %add3A_519, %squeeze3A_482 : i32
          %min3A_531 = arith.constant 1008 : i32
          %min3A_532 = arith.minsi %add3A_530, %min3A_531 : i32
          %swap3A_533 = arith.index_cast %min3A_532 : i32 to index
          %swap3A_534 = tpu.vector_load %arg16[%swap3A_533] masked %le3A_452 {strides = array<i32>} : memref<1024xf32, #tpu.memory_space<vmem>>, vector<16xf32>, vector<16xi1>
          tpu.vector_store %arg16[%swap3A_533], %get3A_433 masked %le3A_452 {strides = array<i32>} : memref<1024xf32, #tpu.memory_space<vmem>>, vector<16xf32>, vector<16xi1>
          %add3A_535 = arith.constant 48 : i32
          %add3A_536 = arith.addi %mul3A_417, %add3A_535 : i32
          %add3A_537 = vector.broadcast %add3A_536 : i32 to vector<16xi32>
          %add3A_538 = arith.addi %iota3A, %add3A_537 : vector<16xi32>
          %swap3A_539 = arith.index_cast %min3A_532 : i32 to index
          %swap3A_540 = tpu.vector_load %arg17[%swap3A_539] masked %le3A_452 {strides = array<i32>} : memref<1024xi32, #tpu.memory_space<vmem>>, vector<16xi32>, vector<16xi1>
          tpu.vector_store %arg17[%swap3A_539], %add3A_538 masked %le3A_452 {strides = array<i32>} : memref<1024xi32, #tpu.memory_space<vmem>>, vector<16xi32>, vector<16xi1>
          %add3A_541 = arith.addi %add3A_530, %squeeze3A_485 : i32
          %min3A_542 = arith.constant 1008 : i32
          %min3A_543 = arith.minsi %add3A_541, %min3A_542 : i32
          %swap3A_544 = arith.index_cast %min3A_543 : i32 to index
          %swap3A_545 = tpu.vector_load %arg16[%swap3A_544] masked %le3A_453 {strides = array<i32>} : memref<1024xf32, #tpu.memory_space<vmem>>, vector<16xf32>, vector<16xi1>
          tpu.vector_store %arg16[%swap3A_544], %get3A_437 masked %le3A_453 {strides = array<i32>} : memref<1024xf32, #tpu.memory_space<vmem>>, vector<16xf32>, vector<16xi1>
          %add3A_546 = arith.constant 64 : i32
          %add3A_547 = arith.addi %mul3A_417, %add3A_546 : i32
          %add3A_548 = vector.broadcast %add3A_547 : i32 to vector<16xi32>
          %add3A_549 = arith.addi %iota3A, %add3A_548 : vector<16xi32>
          %swap3A_550 = arith.index_cast %min3A_543 : i32 to index
          %swap3A_551 = tpu.vector_load %arg17[%swap3A_550] masked %le3A_453 {strides = array<i32>} : memref<1024xi32, #tpu.memory_space<vmem>>, vector<16xi32>, vector<16xi1>
          tpu.vector_store %arg17[%swap3A_550], %add3A_549 masked %le3A_453 {strides = array<i32>} : memref<1024xi32, #tpu.memory_space<vmem>>, vector<16xi32>, vector<16xi1>
          %add3A_552 = arith.addi %add3A_541, %squeeze3A_488 : i32
          %min3A_553 = arith.constant 1008 : i32
          %min3A_554 = arith.minsi %add3A_552, %min3A_553 : i32
          %swap3A_555 = arith.index_cast %min3A_554 : i32 to index
          %swap3A_556 = tpu.vector_load %arg16[%swap3A_555] masked %le3A_454 {strides = array<i32>} : memref<1024xf32, #tpu.memory_space<vmem>>, vector<16xf32>, vector<16xi1>
          tpu.vector_store %arg16[%swap3A_555], %get3A_441 masked %le3A_454 {strides = array<i32>} : memref<1024xf32, #tpu.memory_space<vmem>>, vector<16xf32>, vector<16xi1>
          %add3A_557 = arith.constant 80 : i32
          %add3A_558 = arith.addi %mul3A_417, %add3A_557 : i32
          %add3A_559 = vector.broadcast %add3A_558 : i32 to vector<16xi32>
          %add3A_560 = arith.addi %iota3A, %add3A_559 : vector<16xi32>
          %swap3A_561 = arith.index_cast %min3A_554 : i32 to index
          %swap3A_562 = tpu.vector_load %arg17[%swap3A_561] masked %le3A_454 {strides = array<i32>} : memref<1024xi32, #tpu.memory_space<vmem>>, vector<16xi32>, vector<16xi1>
          tpu.vector_store %arg17[%swap3A_561], %add3A_560 masked %le3A_454 {strides = array<i32>} : memref<1024xi32, #tpu.memory_space<vmem>>, vector<16xi32>, vector<16xi1>
          %add3A_563 = arith.addi %add3A_552, %squeeze3A_491 : i32
          %min3A_564 = arith.constant 1008 : i32
          %min3A_565 = arith.minsi %add3A_563, %min3A_564 : i32
          %swap3A_566 = arith.index_cast %min3A_565 : i32 to index
          %swap3A_567 = tpu.vector_load %arg16[%swap3A_566] masked %le3A_455 {strides = array<i32>} : memref<1024xf32, #tpu.memory_space<vmem>>, vector<16xf32>, vector<16xi1>
          tpu.vector_store %arg16[%swap3A_566], %get3A_445 masked %le3A_455 {strides = array<i32>} : memref<1024xf32, #tpu.memory_space<vmem>>, vector<16xf32>, vector<16xi1>
          %add3A_568 = arith.constant 96 : i32
          %add3A_569 = arith.addi %mul3A_417, %add3A_568 : i32
          %add3A_570 = vector.broadcast %add3A_569 : i32 to vector<16xi32>
          %add3A_571 = arith.addi %iota3A, %add3A_570 : vector<16xi32>
          %swap3A_572 = arith.index_cast %min3A_565 : i32 to index
          %swap3A_573 = tpu.vector_load %arg17[%swap3A_572] masked %le3A_455 {strides = array<i32>} : memref<1024xi32, #tpu.memory_space<vmem>>, vector<16xi32>, vector<16xi1>
          tpu.vector_store %arg17[%swap3A_572], %add3A_571 masked %le3A_455 {strides = array<i32>} : memref<1024xi32, #tpu.memory_space<vmem>>, vector<16xi32>, vector<16xi1>
          %add3A_574 = arith.addi %add3A_563, %squeeze3A_494 : i32
          %min3A_575 = arith.constant 1008 : i32
          %min3A_576 = arith.minsi %add3A_574, %min3A_575 : i32
          %swap3A_577 = arith.index_cast %min3A_576 : i32 to index
          %swap3A_578 = tpu.vector_load %arg16[%swap3A_577] masked %le3A_456 {strides = array<i32>} : memref<1024xf32, #tpu.memory_space<vmem>>, vector<16xf32>, vector<16xi1>
          tpu.vector_store %arg16[%swap3A_577], %get3A_449 masked %le3A_456 {strides = array<i32>} : memref<1024xf32, #tpu.memory_space<vmem>>, vector<16xf32>, vector<16xi1>
          %add3A_579 = arith.constant 112 : i32
          %add3A_580 = arith.addi %mul3A_417, %add3A_579 : i32
          %add3A_581 = vector.broadcast %add3A_580 : i32 to vector<16xi32>
          %add3A_582 = arith.addi %iota3A, %add3A_581 : vector<16xi32>
          %swap3A_583 = arith.index_cast %min3A_576 : i32 to index
          %swap3A_584 = tpu.vector_load %arg17[%swap3A_583] masked %le3A_456 {strides = array<i32>} : memref<1024xi32, #tpu.memory_space<vmem>>, vector<16xi32>, vector<16xi1>
          tpu.vector_store %arg17[%swap3A_583], %add3A_582 masked %le3A_456 {strides = array<i32>} : memref<1024xi32, #tpu.memory_space<vmem>>, vector<16xi32>, vector<16xi1>
          %add3A_585 = arith.addi %add3A_574, %squeeze3A_497 : i32
          scf.yield %add3A_585 : i32
        } else {
          scf.yield %scan3A_415 : i32
        }
        scf.yield %cond3A_476 : i32
      }
      %scan3A_317 = arith.constant 128 : i32
      %min3A_318 = arith.constant 1024 : i32
      %min3A_319 = arith.minsi %scan3A_316, %min3A_318 : i32
      %add3A_320 = arith.constant 15 : i32
      %add3A_321 = arith.addi %min3A_319, %add3A_320 : i32
      %jit3A_322 = arith.constant 16 : i32
      %div3A_323 = arith.divsi %add3A_321, %jit3A_322 : i32
      %sign3A_324 = arith.constant 0 : i32
      %sign3A_325 = arith.cmpi sgt, %add3A_321, %sign3A_324 : i32
      %sign3A_326 = arith.extui %sign3A_325 : i1 to i32
      %sign3A_327 = arith.constant 0 : i32
      %sign3A_328 = arith.cmpi slt, %add3A_321, %sign3A_327 : i32
      %sign3A_329 = arith.extui %sign3A_328 : i1 to i32
      %sign3A_330 = arith.subi %sign3A_326, %sign3A_329 : i32
      %sign3A_331 = arith.constant 0 : i32
      %sign3A_332 = arith.cmpi sgt, %jit3A_322, %sign3A_331 : i32
      %sign3A_333 = arith.extui %sign3A_332 : i1 to i32
      %sign3A_334 = arith.constant 0 : i32
      %sign3A_335 = arith.cmpi slt, %jit3A_322, %sign3A_334 : i32
      %sign3A_336 = arith.extui %sign3A_335 : i1 to i32
      %sign3A_337 = arith.subi %sign3A_333, %sign3A_336 : i32
      %ne3A_338 = arith.cmpi ne, %sign3A_330, %sign3A_337 : i32
      %rem3A_339 = arith.remsi %add3A_321, %jit3A_322 : i32
      %ne3A_340 = arith.constant 0 : i32
      %ne3A_341 = arith.cmpi ne, %rem3A_339, %ne3A_340 : i32
      %and3A_342 = arith.andi %ne3A_338, %ne3A_341 : i1
      %sub3A_343 = arith.constant 1 : i32
      %sub3A_344 = arith.subi %div3A_323, %sub3A_343 : i32
      %select_n3A_345 = arith.select %and3A_342, %sub3A_344, %div3A_323 : i32
      %sub3A_346 = arith.constant 1 : i32
      %sub3A_347 = arith.subi %select_n3A_345, %sub3A_346 : i32
      %mul3A_348 = arith.constant 16 : i32
      %mul3A_349 = arith.muli %sub3A_347, %mul3A_348 : i32
      %add3A_350 = vector.broadcast %mul3A_349 : i32 to vector<16xi32>
      %add3A_351 = arith.addi %iota3A, %add3A_350 : vector<16xi32>
      %ge3A_352 = vector.broadcast %min3A_319 : i32 to vector<16xi32>
      %ge3A_353 = arith.cmpi sge, %add3A_351, %ge3A_352 : vector<16xi32>
      tpu.vector_store_idx %arg16[%add3A_351], %broadcast_in_dim3A_13 masked %ge3A_353 : memref<1024xf32, #tpu.memory_space<vmem>>[vector<16xi32>], vector<16xf32>, vector<16xi1>
      %scan3A_354 = arith.constant 0 : i32
      %scan3A_355 = arith.constant 32 : i32
      %scan3A_356 = arith.addi %scan3A_354, %scan3A_355 : i32
      %scan3A_357 = arith.constant 1 : i32
      %scan3A_358:2 = scf.for %scan3A_414 = %scan3A_354 to %scan3A_356 step %scan3A_357 iter_args(%scan3A_415 = %broadcast_in_dim3A_15, %scan3A_416 = %broadcast_in_dim3A_15) -> (vector<16xi32>, vector<16xi32>)  : i32 {
        %while3A = arith.constant 0 : i32
        %while3A_417 = arith.subi %select_n3A_345, %while3A : i32
        %while3A_418 = arith.addi %while3A, %while3A_417 : i32
        %while3A_419 = arith.constant 1 : i32
        %while3A_420 = arith.divsi %while3A_417, %while3A_419 : i32
        %while3A_421 = arith.muli %while3A_420, %while3A_419 : i32
        %while3A_422 = arith.addi %while3A, %while3A_421 : i32
        %while3A_423 = arith.constant 1 : i32
        %while3A_424:3 = scf.for %while3A_465 = %while3A to %while3A_422 step %while3A_423 iter_args(%while3A_466 = %broadcast_in_dim3A_13, %while3A_467 = %broadcast_in_dim3A_15, %while3A_468 = %broadcast_in_dim3A_15) -> (vector<16xf32>, vector<16xi32>, vector<16xi32>)  : i32 {
          %mul3A_469 = arith.constant 16 : i32
          %mul3A_470 = arith.muli %while3A_465, %mul3A_469 : i32
          %get3A_471 = arith.index_cast %mul3A_470 : i32 to index
          %get3A_472 = tpu.vector_load %arg16[%get3A_471] {strides = array<i32>} : memref<1024xf32, #tpu.memory_space<vmem>>, vector<16xf32>,
          %mul3A_473 = arith.constant 16 : i32
          %mul3A_474 = arith.muli %while3A_465, %mul3A_473 : i32
          %get3A_475 = arith.index_cast %mul3A_474 : i32 to index
          %get3A_476 = tpu.vector_load %arg17[%get3A_475] {strides = array<i32>} : memref<1024xi32, #tpu.memory_space<vmem>>, vector<16xi32>,
          %mul3A_477 = arith.constant 16 : i32
          %mul3A_478 = arith.muli %while3A_465, %mul3A_477 : i32
          %add3A_479 = vector.broadcast %mul3A_478 : i32 to vector<16xi32>
          %add3A_480 = arith.addi %iota3A, %add3A_479 : vector<16xi32>
          %lt3A_481 = arith.cmpf olt, %get3A_472, %while3A_466 : vector<16xf32>
          %eq3A_482 = arith.cmpf oeq, %get3A_472, %while3A_466 : vector<16xf32>
          %lt3A_483 = arith.cmpi slt, %get3A_476, %while3A_467 : vector<16xi32>
          %and3A_484 = arith.andi %eq3A_482, %lt3A_483 : vector<16xi1>
          %or3A = arith.ori %lt3A_481, %and3A_484 : vector<16xi1>
          %select_n3A_485 = arith.select %or3A, %get3A_472, %while3A_466 : vector<16xi1>, vector<16xf32>
          %select_n3A_486 = arith.select %or3A, %get3A_476, %while3A_467 : vector<16xi1>, vector<16xi32>
          %select_n3A_487 = arith.select %or3A, %add3A_480, %while3A_468 : vector<16xi1>, vector<16xi32>
          scf.yield %select_n3A_485, %select_n3A_486, %select_n3A_487 : vector<16xf32>, vector<16xi32>, vector<16xi32>
        }
        %while3A_425 = arith.constant 1 : i32
        %while3A_426:3 = scf.for %while3A_465 = %while3A_422 to %while3A_418 step %while3A_425 iter_args(%while3A_466 = %while3A_424#0, %while3A_467 = %while3A_424#1, %while3A_468 = %while3A_424#2) -> (vector<16xf32>, vector<16xi32>, vector<16xi32>)  : i32 {
          %mul3A_469 = arith.constant 16 : i32
          %mul3A_470 = arith.muli %while3A_465, %mul3A_469 : i32
          %get3A_471 = arith.index_cast %mul3A_470 : i32 to index
          %get3A_472 = tpu.vector_load %arg16[%get3A_471] {strides = array<i32>} : memref<1024xf32, #tpu.memory_space<vmem>>, vector<16xf32>,
          %mul3A_473 = arith.constant 16 : i32
          %mul3A_474 = arith.muli %while3A_465, %mul3A_473 : i32
          %get3A_475 = arith.index_cast %mul3A_474 : i32 to index
          %get3A_476 = tpu.vector_load %arg17[%get3A_475] {strides = array<i32>} : memref<1024xi32, #tpu.memory_space<vmem>>, vector<16xi32>,
          %mul3A_477 = arith.constant 16 : i32
          %mul3A_478 = arith.muli %while3A_465, %mul3A_477 : i32
          %add3A_479 = vector.broadcast %mul3A_478 : i32 to vector<16xi32>
          %add3A_480 = arith.addi %iota3A, %add3A_479 : vector<16xi32>
          %lt3A_481 = arith.cmpf olt, %get3A_472, %while3A_466 : vector<16xf32>
          %eq3A_482 = arith.cmpf oeq, %get3A_472, %while3A_466 : vector<16xf32>
          %lt3A_483 = arith.cmpi slt, %get3A_476, %while3A_467 : vector<16xi32>
          %and3A_484 = arith.andi %eq3A_482, %lt3A_483 : vector<16xi1>
          %or3A = arith.ori %lt3A_481, %and3A_484 : vector<16xi1>
          %select_n3A_485 = arith.select %or3A, %get3A_472, %while3A_466 : vector<16xi1>, vector<16xf32>
          %select_n3A_486 = arith.select %or3A, %get3A_476, %while3A_467 : vector<16xi1>, vector<16xi32>
          %select_n3A_487 = arith.select %or3A, %add3A_480, %while3A_468 : vector<16xi1>, vector<16xi32>
          scf.yield %select_n3A_485, %select_n3A_486, %select_n3A_487 : vector<16xf32>, vector<16xi32>, vector<16xi32>
        }
        %reduce_min3A = arith.constant true
        %reduce_min3A_427 = vector.broadcast %reduce_min3A : i1 to vector<16xi1>
        %reduce_min3A_428 = tpu.scan <min>, %while3A_426#0 masked %reduce_min3A_427 : vector<16xf32>, vector<16xi1> -> vector<16xf32>
        %reduce_min3A_429 = vector.extract %reduce_min3A_428[15] : f32 from vector<16xf32>
        %eq3A_430 = vector.broadcast %reduce_min3A_429 : f32 to vector<16xf32>
        %eq3A_431 = arith.cmpf oeq, %while3A_426#0, %eq3A_430 : vector<16xf32>
        %select_n3A_432 = arith.select %eq3A_431, %while3A_426#1, %broadcast_in_dim3A_15 : vector<16xi1>, vector<16xi32>
        %reduce_min3A_433 = arith.constant true
        %reduce_min3A_434 = vector.broadcast %reduce_min3A_433 : i1 to vector<16xi1>
        %reduce_min3A_435 = arith.constant -2147483648 : i32
        %reduce_min3A_436 = vector.broadcast %reduce_min3A_435 : i32 to vector<16xi32>
        %reduce_min3A_437 = arith.xori %select_n3A_432, %reduce_min3A_436 : vector<16xi32>
        %reduce_min3A_438 = tpu.scan <min>, %reduce_min3A_437 masked %reduce_min3A_434 : vector<16xi32>, vector<16xi1> -> vector<16xi32>
        %reduce_min3A_439 = arith.xori %reduce_min3A_438, %reduce_min3A_436 : vector<16xi32>
        %reduce_min3A_440 = vector.extract %reduce_min3A_439[15] : i32 from vector<16xi32>
        %eq3A_441 = vector.broadcast %reduce_min3A_429 : f32 to vector<16xf32>
        %eq3A_442 = arith.cmpf oeq, %while3A_426#0, %eq3A_441 : vector<16xf32>
        %eq3A_443 = vector.broadcast %reduce_min3A_440 : i32 to vector<16xi32>
        %eq3A_444 = arith.cmpi eq, %while3A_426#1, %eq3A_443 : vector<16xi32>
        %and3A_445 = arith.andi %eq3A_442, %eq3A_444 : vector<16xi1>
        %select_n3A_446 = arith.select %and3A_445, %while3A_426#2, %broadcast_in_dim3A_15 : vector<16xi1>, vector<16xi32>
        %reduce_min3A_447 = arith.constant true
        %reduce_min3A_448 = vector.broadcast %reduce_min3A_447 : i1 to vector<16xi1>
        %reduce_min3A_449 = arith.constant -2147483648 : i32
        %reduce_min3A_450 = vector.broadcast %reduce_min3A_449 : i32 to vector<16xi32>
        %reduce_min3A_451 = arith.xori %select_n3A_446, %reduce_min3A_450 : vector<16xi32>
        %reduce_min3A_452 = tpu.scan <min>, %reduce_min3A_451 masked %reduce_min3A_448 : vector<16xi32>, vector<16xi1> -> vector<16xi32>
        %reduce_min3A_453 = arith.xori %reduce_min3A_452, %reduce_min3A_450 : vector<16xi32>
        %reduce_min3A_454 = vector.extract %reduce_min3A_453[15] : i32 from vector<16xi32>
        %broadcast_in_dim3A_455 = vector.broadcast %reduce_min3A_454 : i32 to vector<16xi32>
        tpu.vector_store_idx %arg16[%broadcast_in_dim3A_455], %broadcast_in_dim3A_13 masked %eq3A_17 : memref<1024xf32, #tpu.memory_space<vmem>>[vector<16xi32>], vector<16xf32>, vector<16xi1>
        %broadcast_in_dim3A_456 = vector.broadcast %reduce_min3A_440 : i32 to vector<16xi32>
        %eq3A_457 = vector.broadcast %scan3A_414 : i32 to vector<16xi32>
        %eq3A_458 = arith.cmpi eq, %iota3A, %eq3A_457 : vector<16xi32>
        %select_n3A_459 = arith.select %eq3A_458, %broadcast_in_dim3A_456, %scan3A_415 : vector<16xi1>, vector<16xi32>
        %sub3A_460 = arith.constant 16 : i32
        %sub3A_461 = arith.subi %scan3A_414, %sub3A_460 : i32
        %eq3A_462 = vector.broadcast %sub3A_461 : i32 to vector<16xi32>
        %eq3A_463 = arith.cmpi eq, %iota3A, %eq3A_462 : vector<16xi32>
        %select_n3A_464 = arith.select %eq3A_463, %broadcast_in_dim3A_456, %scan3A_416 : vector<16xi1>, vector<16xi32>
        scf.yield %select_n3A_459, %select_n3A_464 : vector<16xi32>, vector<16xi32>
      }
      %scan3A_359 = arith.constant 32 : i32
      %broadcast_in_dim3A_360 = vector.broadcast %add3A_235 : i32 to vector<16xi32>
      %gather3A_361 = tpu.vector_load_idx %arg18[%broadcast_in_dim3A_360] : memref<16xf32, #tpu.memory_space<vmem>>[vector<16xi32>], vector<16xf32>,
      %gather3A_362 = tpu.vector_load_idx %arg19[%broadcast_in_dim3A_360] : memref<16xf32, #tpu.memory_space<vmem>>[vector<16xi32>], vector<16xf32>,
      %gather3A_363 = tpu.vector_load_idx %arg20[%broadcast_in_dim3A_360] : memref<16xf32, #tpu.memory_space<vmem>>[vector<16xi32>], vector<16xf32>,
      %gather3A_364 = tpu.vector_load_idx %arg10[%scan3A_358#0] : memref<16384xf32, #tpu.memory_space<vmem>>[vector<16xi32>], vector<16xf32>,
      %sub3A_365 = arith.subf %gather3A_364, %gather3A_361 : vector<16xf32>
      %gather3A_366 = tpu.vector_load_idx %arg10[%scan3A_358#1] : memref<16384xf32, #tpu.memory_space<vmem>>[vector<16xi32>], vector<16xf32>,
      %sub3A_367 = arith.subf %gather3A_366, %gather3A_361 : vector<16xf32>
      %gather3A_368 = tpu.vector_load_idx %arg11[%scan3A_358#0] : memref<16384xf32, #tpu.memory_space<vmem>>[vector<16xi32>], vector<16xf32>,
      %sub3A_369 = arith.subf %gather3A_368, %gather3A_362 : vector<16xf32>
      %gather3A_370 = tpu.vector_load_idx %arg11[%scan3A_358#1] : memref<16384xf32, #tpu.memory_space<vmem>>[vector<16xi32>], vector<16xf32>,
      %sub3A_371 = arith.subf %gather3A_370, %gather3A_362 : vector<16xf32>
      %gather3A_372 = tpu.vector_load_idx %arg12[%scan3A_358#0] : memref<16384xf32, #tpu.memory_space<vmem>>[vector<16xi32>], vector<16xf32>,
      %sub3A_373 = arith.subf %gather3A_372, %gather3A_363 : vector<16xf32>
      %gather3A_374 = tpu.vector_load_idx %arg12[%scan3A_358#1] : memref<16384xf32, #tpu.memory_space<vmem>>[vector<16xi32>], vector<16xf32>,
      %sub3A_375 = arith.subf %gather3A_374, %gather3A_363 : vector<16xf32>
      %mul3A_376 = arith.constant 3 : i32
      %mul3A_377 = vector.broadcast %mul3A_376 : i32 to vector<16xi32>
      %mul3A_378 = arith.muli %iota3A, %mul3A_377 : vector<16xi32>
      %add3A_379 = arith.constant 16 : i32
      %add3A_380 = vector.broadcast %add3A_379 : i32 to vector<16xi32>
      %add3A_381 = arith.addi %iota3A, %add3A_380 : vector<16xi32>
      %mul3A_382 = arith.constant 3 : i32
      %mul3A_383 = vector.broadcast %mul3A_382 : i32 to vector<16xi32>
      %mul3A_384 = arith.muli %add3A_381, %mul3A_383 : vector<16xi32>
      tpu.vector_store_idx %arg25[%mul3A_378], %sub3A_365 : memref<96xf32, #tpu.memory_space<vmem>>[vector<16xi32>], vector<16xf32>,
      tpu.vector_store_idx %arg25[%mul3A_384], %sub3A_367 : memref<96xf32, #tpu.memory_space<vmem>>[vector<16xi32>], vector<16xf32>,
      %add3A_385 = arith.constant 1 : i32
      %add3A_386 = vector.broadcast %add3A_385 : i32 to vector<16xi32>
      %add3A_387 = arith.addi %mul3A_378, %add3A_386 : vector<16xi32>
      tpu.vector_store_idx %arg25[%add3A_387], %sub3A_369 : memref<96xf32, #tpu.memory_space<vmem>>[vector<16xi32>], vector<16xf32>,
      %add3A_388 = arith.constant 1 : i32
      %add3A_389 = vector.broadcast %add3A_388 : i32 to vector<16xi32>
      %add3A_390 = arith.addi %mul3A_384, %add3A_389 : vector<16xi32>
      tpu.vector_store_idx %arg25[%add3A_390], %sub3A_371 : memref<96xf32, #tpu.memory_space<vmem>>[vector<16xi32>], vector<16xf32>,
      %add3A_391 = arith.constant 2 : i32
      %add3A_392 = vector.broadcast %add3A_391 : i32 to vector<16xi32>
      %add3A_393 = arith.addi %mul3A_378, %add3A_392 : vector<16xi32>
      tpu.vector_store_idx %arg25[%add3A_393], %sub3A_373 : memref<96xf32, #tpu.memory_space<vmem>>[vector<16xi32>], vector<16xf32>,
      %add3A_394 = arith.constant 2 : i32
      %add3A_395 = vector.broadcast %add3A_394 : i32 to vector<16xi32>
      %add3A_396 = arith.addi %mul3A_384, %add3A_395 : vector<16xi32>
      tpu.vector_store_idx %arg25[%add3A_396], %sub3A_375 : memref<96xf32, #tpu.memory_space<vmem>>[vector<16xi32>], vector<16xf32>,
      %swap3A_397 = arith.constant 0 : index
      %swap3A_398 = tpu.vector_load %arg23[%swap3A_397] {strides = array<i32>} : memref<32xi32, #tpu.memory_space<vmem>>, vector<16xi32>,
      tpu.vector_store %arg23[%swap3A_397], %scan3A_358#0 {strides = array<i32>} : memref<32xi32, #tpu.memory_space<vmem>>, vector<16xi32>,
      %swap3A_399 = arith.constant 16 : index
      %swap3A_400 = tpu.vector_load %arg23[%swap3A_399] {strides = array<i32>} : memref<32xi32, #tpu.memory_space<vmem>>, vector<16xi32>,
      tpu.vector_store %arg23[%swap3A_399], %scan3A_358#1 {strides = array<i32>} : memref<32xi32, #tpu.memory_space<vmem>>, vector<16xi32>,
      %dma_start3A_401 = arith.constant 0 : i32
      %dma_start3A_402 = tpu.memref_slice %arg8[%add3A_238, %dma_start3A_401] : memref<512x32xi32, #tpu.memory_space<hbm>> -> memref<1x32xi32, #tpu.memory_space<hbm>>
      %dma_start3A_403 = tpu.memref_squeeze %dma_start3A_402 : memref<1x32xi32, #tpu.memory_space<hbm>> -> memref<32xi32, #tpu.memory_space<hbm>>
      %dma_start3A_404 = arith.constant 0 : i32
      %dma_start3A_405 = tpu.memref_slice %arg8[%add3A_238, %dma_start3A_404] : memref<512x32xi32, #tpu.memory_space<hbm>> -> memref<1x32xi32, #tpu.memory_space<hbm>>
      %dma_start3A_406 = tpu.memref_squeeze %dma_start3A_405 : memref<1x32xi32, #tpu.memory_space<hbm>> -> memref<32xi32, #tpu.memory_space<hbm>>
      tpu.enqueue_dma source(%arg23 : memref<32xi32, #tpu.memory_space<vmem>>) target(%dma_start3A_406 : memref<32xi32, #tpu.memory_space<hbm>>) target_semaphore(%arg29 : memref<!tpu.dma_semaphore, #tpu.memory_space<semaphore_mem>>)
      %dma_start3A_407 = arith.constant 0 : i32
      %dma_start3A_408 = tpu.memref_slice %arg9[%add3A_238, %dma_start3A_407] : memref<512x96xf32, #tpu.memory_space<hbm>> -> memref<1x96xf32, #tpu.memory_space<hbm>>
      %dma_start3A_409 = tpu.memref_squeeze %dma_start3A_408 : memref<1x96xf32, #tpu.memory_space<hbm>> -> memref<96xf32, #tpu.memory_space<hbm>>
      %dma_start3A_410 = arith.constant 0 : i32
      %dma_start3A_411 = tpu.memref_slice %arg9[%add3A_238, %dma_start3A_410] : memref<512x96xf32, #tpu.memory_space<hbm>> -> memref<1x96xf32, #tpu.memory_space<hbm>>
      %dma_start3A_412 = tpu.memref_squeeze %dma_start3A_411 : memref<1x96xf32, #tpu.memory_space<hbm>> -> memref<96xf32, #tpu.memory_space<hbm>>
      tpu.enqueue_dma source(%arg25 : memref<96xf32, #tpu.memory_space<vmem>>) target(%dma_start3A_412 : memref<96xf32, #tpu.memory_space<hbm>>) target_semaphore(%arg31 : memref<!tpu.dma_semaphore, #tpu.memory_space<semaphore_mem>>)
      %scan3A_413 = arith.constant 0 : i32
      scf.yield %scan3A_413 : i32
    }
    %scan3A_31 = arith.constant 8 : i32
    %mul3A_32 = arith.constant 16 : i32
    %mul3A_33 = arith.muli %add3A, %mul3A_32 : i32
    %add3A_34 = arith.constant 16 : i32
    %add3A_35 = arith.addi %mul3A_33, %add3A_34 : i32
    %sub3A = arith.constant 2 : i32
    %sub3A_36 = arith.subi %add3A_35, %sub3A : i32
    %dma_wait3A_37 = arith.constant 0 : i32
    %dma_wait3A_38 = tpu.memref_slice %arg8[%sub3A_36, %dma_wait3A_37] : memref<512x32xi32, #tpu.memory_space<hbm>> -> memref<1x32xi32, #tpu.memory_space<hbm>>
    %dma_wait3A_39 = tpu.memref_squeeze %dma_wait3A_38 : memref<1x32xi32, #tpu.memory_space<hbm>> -> memref<32xi32, #tpu.memory_space<hbm>>
    %dma_wait3A_40 = arith.constant 0 : i32
    %dma_wait3A_41 = tpu.memref_slice %arg8[%sub3A_36, %dma_wait3A_40] : memref<512x32xi32, #tpu.memory_space<hbm>> -> memref<1x32xi32, #tpu.memory_space<hbm>>
    %dma_wait3A_42 = tpu.memref_squeeze %dma_wait3A_41 : memref<1x32xi32, #tpu.memory_space<hbm>> -> memref<32xi32, #tpu.memory_space<hbm>>
    tpu.wait_dma2 semaphore(%arg28 : memref<!tpu.dma_semaphore, #tpu.memory_space<semaphore_mem>>) src(%arg22 : memref<32xi32, #tpu.memory_space<vmem>>) dst(%dma_wait3A_42 : memref<32xi32, #tpu.memory_space<hbm>>)
    %dma_wait3A_43 = arith.constant 0 : i32
    %dma_wait3A_44 = tpu.memref_slice %arg9[%sub3A_36, %dma_wait3A_43] : memref<512x96xf32, #tpu.memory_space<hbm>> -> memref<1x96xf32, #tpu.memory_space<hbm>>
    %dma_wait3A_45 = tpu.memref_squeeze %dma_wait3A_44 : memref<1x96xf32, #tpu.memory_space<hbm>> -> memref<96xf32, #tpu.memory_space<hbm>>
    %dma_wait3A_46 = arith.constant 0 : i32
    %dma_wait3A_47 = tpu.memref_slice %arg9[%sub3A_36, %dma_wait3A_46] : memref<512x96xf32, #tpu.memory_space<hbm>> -> memref<1x96xf32, #tpu.memory_space<hbm>>
    %dma_wait3A_48 = tpu.memref_squeeze %dma_wait3A_47 : memref<1x96xf32, #tpu.memory_space<hbm>> -> memref<96xf32, #tpu.memory_space<hbm>>
    tpu.wait_dma2 semaphore(%arg30 : memref<!tpu.dma_semaphore, #tpu.memory_space<semaphore_mem>>) src(%arg24 : memref<96xf32, #tpu.memory_space<vmem>>) dst(%dma_wait3A_48 : memref<96xf32, #tpu.memory_space<hbm>>)
    %add3A_49 = arith.constant 1 : i32
    %add3A_50 = arith.addi %sub3A_36, %add3A_49 : i32
    %dma_wait3A_51 = arith.constant 0 : i32
    %dma_wait3A_52 = tpu.memref_slice %arg8[%add3A_50, %dma_wait3A_51] : memref<512x32xi32, #tpu.memory_space<hbm>> -> memref<1x32xi32, #tpu.memory_space<hbm>>
    %dma_wait3A_53 = tpu.memref_squeeze %dma_wait3A_52 : memref<1x32xi32, #tpu.memory_space<hbm>> -> memref<32xi32, #tpu.memory_space<hbm>>
    %dma_wait3A_54 = arith.constant 0 : i32
    %dma_wait3A_55 = tpu.memref_slice %arg8[%add3A_50, %dma_wait3A_54] : memref<512x32xi32, #tpu.memory_space<hbm>> -> memref<1x32xi32, #tpu.memory_space<hbm>>
    %dma_wait3A_56 = tpu.memref_squeeze %dma_wait3A_55 : memref<1x32xi32, #tpu.memory_space<hbm>> -> memref<32xi32, #tpu.memory_space<hbm>>
    tpu.wait_dma2 semaphore(%arg29 : memref<!tpu.dma_semaphore, #tpu.memory_space<semaphore_mem>>) src(%arg23 : memref<32xi32, #tpu.memory_space<vmem>>) dst(%dma_wait3A_56 : memref<32xi32, #tpu.memory_space<hbm>>)
    %add3A_57 = arith.constant 1 : i32
    %add3A_58 = arith.addi %sub3A_36, %add3A_57 : i32
    %dma_wait3A_59 = arith.constant 0 : i32
    %dma_wait3A_60 = tpu.memref_slice %arg9[%add3A_58, %dma_wait3A_59] : memref<512x96xf32, #tpu.memory_space<hbm>> -> memref<1x96xf32, #tpu.memory_space<hbm>>
    %dma_wait3A_61 = tpu.memref_squeeze %dma_wait3A_60 : memref<1x96xf32, #tpu.memory_space<hbm>> -> memref<96xf32, #tpu.memory_space<hbm>>
    %dma_wait3A_62 = arith.constant 0 : i32
    %dma_wait3A_63 = tpu.memref_slice %arg9[%add3A_58, %dma_wait3A_62] : memref<512x96xf32, #tpu.memory_space<hbm>> -> memref<1x96xf32, #tpu.memory_space<hbm>>
    %dma_wait3A_64 = tpu.memref_squeeze %dma_wait3A_63 : memref<1x96xf32, #tpu.memory_space<hbm>> -> memref<96xf32, #tpu.memory_space<hbm>>
    tpu.wait_dma2 semaphore(%arg31 : memref<!tpu.dma_semaphore, #tpu.memory_space<semaphore_mem>>) src(%arg25 : memref<96xf32, #tpu.memory_space<vmem>>) dst(%dma_wait3A_64 : memref<96xf32, #tpu.memory_space<hbm>>)
    return
  }
}

module attributes {stable_mosaic.version = 14 : i64} {
  func.func @_fused_body(%arg0: i32, %arg1: memref<128x128xf32, #tpu.memory_space<vmem>>, %arg2: memref<128x128xf32, #tpu.memory_space<vmem>>, %arg3: memref<128x128xf32, #tpu.memory_space<vmem>>, %arg4: memref<1x16384xf32, #tpu.memory_space<vmem>>, %arg5: memref<1x16384xf32, #tpu.memory_space<vmem>>, %arg6: memref<1x16384xf32, #tpu.memory_space<vmem>>, %arg7: memref<512x1xi32, #tpu.memory_space<vmem>>, %arg8: memref<512x3xf32, #tpu.memory_space<vmem>>, %arg9: memref<8x16384xf32, #tpu.memory_space<vmem>>, %arg10: memref<8x128xf32, #tpu.memory_space<vmem>>) attributes {dimension_semantics = [#tpu.dimension_semantics<arbitrary>], iteration_bounds = array<i64: 64>, scalar_prefetch = 0 : i64, scratch_operands = 0 : i64, tpu.core_type = #tpu.core_type<tc>, window_params = [{pipeline_mode = #tpu.pipeline_mode<synchronous>, transform_indices = @transform_0, window_bounds = array<i64: 128, 128>}, {pipeline_mode = #tpu.pipeline_mode<synchronous>, transform_indices = @transform_1, window_bounds = array<i64: 128, 128>}, {pipeline_mode = #tpu.pipeline_mode<synchronous>, transform_indices = @transform_2, window_bounds = array<i64: 128, 128>}, {pipeline_mode = #tpu.pipeline_mode<synchronous>, transform_indices = @transform_3, window_bounds = array<i64: 1, 16384>}, {pipeline_mode = #tpu.pipeline_mode<synchronous>, transform_indices = @transform_4, window_bounds = array<i64: 1, 16384>}, {pipeline_mode = #tpu.pipeline_mode<synchronous>, transform_indices = @transform_5, window_bounds = array<i64: 1, 16384>}, {pipeline_mode = #tpu.pipeline_mode<synchronous>, transform_indices = @transform_6, window_bounds = array<i64: 512, 1>}, {pipeline_mode = #tpu.pipeline_mode<synchronous>, transform_indices = @transform_7, window_bounds = array<i64: 512, 3>}, {transform_indices = @transform_8, window_bounds = array<i64: 8, 16384>}, {transform_indices = @transform_9, window_bounds = array<i64: 8, 128>}]} {
    %eq3A = arith.constant 0 : i32
    %eq3A_0 = arith.cmpi eq, %arg0, %eq3A : i32
    %convert_element_type3A = arith.extui %eq3A_0 : i1 to i32
    %cond3A = arith.constant 0 : i32
    %cond3A_1 = arith.cmpi ne, %convert_element_type3A, %cond3A : i32
    scf.if %cond3A_1 {
      %iota3A = tpu.iota {dimensions = array<i32: 1>} : vector<1x128xi32>
      %convert_element_type3A_545 = arith.sitofp %iota3A : vector<1x128xi32> to vector<1x128xf32>
      %iota3A_546 = tpu.iota {dimensions = array<i32: 0>} : vector<128x1xi32>
      %convert_element_type3A_547 = arith.sitofp %iota3A_546 : vector<128x1xi32> to vector<128x1xf32>
      %broadcast_in_dim3A_548 = arith.constant 1.000000e+10 : f32
      %broadcast_in_dim3A_549 = vector.broadcast %broadcast_in_dim3A_548 : f32 to vector<128x128xf32>
      %broadcast_in_dim3A_550 = arith.constant 0.000000e+00 : f32
      %broadcast_in_dim3A_551 = vector.broadcast %broadcast_in_dim3A_550 : f32 to vector<1x1xf32>
      %scan3A = arith.constant 0 : i32
      %scan3A_552 = arith.constant 0 : i32
      %scan3A_553 = arith.constant 512 : i32
      %scan3A_554 = arith.addi %scan3A_552, %scan3A_553 : i32
      %scan3A_555 = arith.constant 1 : i32
      %scan3A_556:3 = scf.for %scan3A_558 = %scan3A_552 to %scan3A_554 step %scan3A_555 iter_args(%scan3A_559 = %broadcast_in_dim3A_549, %scan3A_560 = %scan3A, %scan3A_561 = %broadcast_in_dim3A_551) -> (vector<128x128xf32>, i32, vector<1x1xf32>)  : i32 {
        %eq3A_562 = vector.broadcast %scan3A_561 : vector<1x1xf32> to vector<1x128xf32>
        %eq3A_563 = arith.cmpf oeq, %convert_element_type3A_545, %eq3A_562 : vector<1x128xf32>
        %get3A_564 = arith.index_cast %scan3A_560 : i32 to index
        %get3A_565 = arith.constant 0 : index
        %get3A_566 = vector.load %arg1[%get3A_564, %get3A_565] : memref<128x128xf32, #tpu.memory_space<vmem>>, vector<1x128xf32>
        %jit3A = arith.constant 0.000000e+00 : f32
        %broadcast_in_dim3A_567 = vector.broadcast %jit3A : f32 to vector<1x128xf32>
        %select_n3A = arith.select %eq3A_563, %get3A_566, %broadcast_in_dim3A_567 : vector<1x128xi1>, vector<1x128xf32>
        %reduce_sum3A = vector.shape_cast %select_n3A : vector<1x128xf32> to vector<1x1x128xf32>
        %reduce_sum3A_568 = arith.constant dense<0.000000e+00> : vector<1xf32>
        %reduce_sum3A_569 = vector.multi_reduction <add>, %reduce_sum3A, %reduce_sum3A_568 [1, 2] : vector<1x1x128xf32> to vector<1xf32>
        %reduce_sum3A_570 = vector.shape_cast %reduce_sum3A_569 : vector<1xf32> to vector<1x1x1xf32>
        %reduce_sum3A_571 = vector.extract %reduce_sum3A_570[0, 0, 0] : f32 from vector<1x1x1xf32>
        %broadcast_in_dim3A_572 = vector.broadcast %reduce_sum3A_571 : f32 to vector<1x1xf32>
        %get3A_573 = arith.index_cast %scan3A_560 : i32 to index
        %get3A_574 = arith.constant 0 : index
        %get3A_575 = vector.load %arg2[%get3A_573, %get3A_574] : memref<128x128xf32, #tpu.memory_space<vmem>>, vector<1x128xf32>
        %jit3A_576 = arith.constant 0.000000e+00 : f32
        %broadcast_in_dim3A_577 = vector.broadcast %jit3A_576 : f32 to vector<1x128xf32>
        %select_n3A_578 = arith.select %eq3A_563, %get3A_575, %broadcast_in_dim3A_577 : vector<1x128xi1>, vector<1x128xf32>
        %reduce_sum3A_579 = vector.shape_cast %select_n3A_578 : vector<1x128xf32> to vector<1x1x128xf32>
        %reduce_sum3A_580 = arith.constant dense<0.000000e+00> : vector<1xf32>
        %reduce_sum3A_581 = vector.multi_reduction <add>, %reduce_sum3A_579, %reduce_sum3A_580 [1, 2] : vector<1x1x128xf32> to vector<1xf32>
        %reduce_sum3A_582 = vector.shape_cast %reduce_sum3A_581 : vector<1xf32> to vector<1x1x1xf32>
        %reduce_sum3A_583 = vector.extract %reduce_sum3A_582[0, 0, 0] : f32 from vector<1x1x1xf32>
        %broadcast_in_dim3A_584 = vector.broadcast %reduce_sum3A_583 : f32 to vector<1x1xf32>
        %get3A_585 = arith.index_cast %scan3A_560 : i32 to index
        %get3A_586 = arith.constant 0 : index
        %get3A_587 = vector.load %arg3[%get3A_585, %get3A_586] : memref<128x128xf32, #tpu.memory_space<vmem>>, vector<1x128xf32>
        %jit3A_588 = arith.constant 0.000000e+00 : f32
        %broadcast_in_dim3A_589 = vector.broadcast %jit3A_588 : f32 to vector<1x128xf32>
        %select_n3A_590 = arith.select %eq3A_563, %get3A_587, %broadcast_in_dim3A_589 : vector<1x128xi1>, vector<1x128xf32>
        %reduce_sum3A_591 = vector.shape_cast %select_n3A_590 : vector<1x128xf32> to vector<1x1x128xf32>
        %reduce_sum3A_592 = arith.constant dense<0.000000e+00> : vector<1xf32>
        %reduce_sum3A_593 = vector.multi_reduction <add>, %reduce_sum3A_591, %reduce_sum3A_592 [1, 2] : vector<1x1x128xf32> to vector<1xf32>
        %reduce_sum3A_594 = vector.shape_cast %reduce_sum3A_593 : vector<1xf32> to vector<1x1x1xf32>
        %reduce_sum3A_595 = vector.extract %reduce_sum3A_594[0, 0, 0] : f32 from vector<1x1x1xf32>
        %broadcast_in_dim3A_596 = vector.broadcast %reduce_sum3A_595 : f32 to vector<1x1xf32>
        %broadcast_in_dim3A_597 = vector.broadcast %scan3A_560 : i32 to vector<1x1xi32>
        %mul3A_598 = arith.constant 128 : i32
        %mul3A_599 = vector.broadcast %mul3A_598 : i32 to vector<1x1xi32>
        %mul3A_600 = arith.muli %broadcast_in_dim3A_597, %mul3A_599 : vector<1x1xi32>
        %convert_element_type3A_601 = arith.fptosi %scan3A_561 : vector<1x1xf32> to vector<1x1xi32>
        %add3A_602 = arith.addi %mul3A_600, %convert_element_type3A_601 : vector<1x1xi32>
        %swap3A_603 = arith.index_cast %scan3A_558 : i32 to index
        %swap3A_604 = arith.constant 0 : index
        %swap3A_605 = vector.load %arg7[%swap3A_603, %swap3A_604] : memref<512x1xi32, #tpu.memory_space<vmem>>, vector<1x1xi32>
        tpu.vector_store %arg7[%swap3A_603, %swap3A_604], %add3A_602 {strides = array<i32>} : memref<512x1xi32, #tpu.memory_space<vmem>>, vector<1x1xi32>,
        %concatenate3A = tpu.concatenate %broadcast_in_dim3A_572, %broadcast_in_dim3A_584, %broadcast_in_dim3A_596 in 1 : vector<1x1xf32>, vector<1x1xf32>, vector<1x1xf32> -> vector<1x3xf32>
        %swap3A_606 = arith.index_cast %scan3A_558 : i32 to index
        %swap3A_607 = arith.constant 0 : index
        %swap3A_608 = vector.load %arg8[%swap3A_606, %swap3A_607] : memref<512x3xf32, #tpu.memory_space<vmem>>, vector<1x3xf32>
        tpu.vector_store %arg8[%swap3A_606, %swap3A_607], %concatenate3A {strides = array<i32>} : memref<512x3xf32, #tpu.memory_space<vmem>>, vector<1x3xf32>,
        %get3A_609 = arith.constant 0 : index
        %get3A_610 = arith.constant 0 : index
        %get3A_611 = vector.load %arg1[%get3A_609, %get3A_610] : memref<128x128xf32, #tpu.memory_space<vmem>>, vector<128x128xf32>
        %sub3A_612 = vector.broadcast %broadcast_in_dim3A_572 : vector<1x1xf32> to vector<128x128xf32>
        %sub3A_613 = arith.subf %get3A_611, %sub3A_612 : vector<128x128xf32>
        %get3A_614 = arith.constant 0 : index
        %get3A_615 = arith.constant 0 : index
        %get3A_616 = vector.load %arg2[%get3A_614, %get3A_615] : memref<128x128xf32, #tpu.memory_space<vmem>>, vector<128x128xf32>
        %sub3A_617 = vector.broadcast %broadcast_in_dim3A_584 : vector<1x1xf32> to vector<128x128xf32>
        %sub3A_618 = arith.subf %get3A_616, %sub3A_617 : vector<128x128xf32>
        %get3A_619 = arith.constant 0 : index
        %get3A_620 = arith.constant 0 : index
        %get3A_621 = vector.load %arg3[%get3A_619, %get3A_620] : memref<128x128xf32, #tpu.memory_space<vmem>>, vector<128x128xf32>
        %sub3A_622 = vector.broadcast %broadcast_in_dim3A_596 : vector<1x1xf32> to vector<128x128xf32>
        %sub3A_623 = arith.subf %get3A_621, %sub3A_622 : vector<128x128xf32>
        %mul3A_624 = arith.mulf %sub3A_613, %sub3A_613 : vector<128x128xf32>
        %mul3A_625 = arith.mulf %sub3A_618, %sub3A_618 : vector<128x128xf32>
        %add3A_626 = arith.addf %mul3A_624, %mul3A_625 : vector<128x128xf32>
        %mul3A_627 = arith.mulf %sub3A_623, %sub3A_623 : vector<128x128xf32>
        %add3A_628 = arith.addf %add3A_626, %mul3A_627 : vector<128x128xf32>
        %min3A_629 = arith.minimumf %scan3A_559, %add3A_628 : vector<128x128xf32>
        %reduce_max3A = arith.constant dense<0xFF800000> : vector<128xf32>
        %reduce_max3A_630 = vector.multi_reduction <maximumf>, %min3A_629, %reduce_max3A [1] : vector<128x128xf32> to vector<128xf32>
        %broadcast_in_dim3A_631 = vector.shape_cast %reduce_max3A_630 : vector<128xf32> to vector<128x1xf32>
        %reduce_max3A_632 = vector.shape_cast %broadcast_in_dim3A_631 : vector<128x1xf32> to vector<1x128x1xf32>
        %reduce_max3A_633 = arith.constant dense<0xFF800000> : vector<1xf32>
        %reduce_max3A_634 = vector.multi_reduction <maximumf>, %reduce_max3A_632, %reduce_max3A_633 [1, 2] : vector<1x128x1xf32> to vector<1xf32>
        %reduce_max3A_635 = vector.shape_cast %reduce_max3A_634 : vector<1xf32> to vector<1x1x1xf32>
        %reduce_max3A_636 = vector.extract %reduce_max3A_635[0, 0, 0] : f32 from vector<1x1x1xf32>
        %broadcast_in_dim3A_637 = vector.broadcast %reduce_max3A_636 : f32 to vector<1x1xf32>
        %eq3A_638 = vector.broadcast %broadcast_in_dim3A_637 : vector<1x1xf32> to vector<128x1xf32>
        %eq3A_639 = arith.cmpf oeq, %broadcast_in_dim3A_631, %eq3A_638 : vector<128x1xf32>
        %jit3A_640 = arith.constant 3.000000e+08 : f32
        %broadcast_in_dim3A_641 = vector.broadcast %jit3A_640 : f32 to vector<128x1xf32>
        %select_n3A_642 = arith.select %eq3A_639, %convert_element_type3A_547, %broadcast_in_dim3A_641 : vector<128x1xi1>, vector<128x1xf32>
        %reduce_min3A = vector.shape_cast %select_n3A_642 : vector<128x1xf32> to vector<1x128x1xf32>
        %reduce_min3A_643 = arith.constant dense<0x7F800000> : vector<1xf32>
        %reduce_min3A_644 = vector.multi_reduction <minimumf>, %reduce_min3A, %reduce_min3A_643 [1, 2] : vector<1x128x1xf32> to vector<1xf32>
        %reduce_min3A_645 = vector.shape_cast %reduce_min3A_644 : vector<1xf32> to vector<1x1x1xf32>
        %reduce_min3A_646 = vector.extract %reduce_min3A_645[0, 0, 0] : f32 from vector<1x1x1xf32>
        %broadcast_in_dim3A_647 = vector.broadcast %reduce_min3A_646 : f32 to vector<1x1xf32>
        %squeeze3A = vector.extract %broadcast_in_dim3A_647[0, 0] : f32 from vector<1x1xf32>
        %convert_element_type3A_648 = arith.fptosi %squeeze3A : f32 to i32
        %eq3A_649 = vector.broadcast %broadcast_in_dim3A_637 : vector<1x1xf32> to vector<128x128xf32>
        %eq3A_650 = arith.cmpf oeq, %min3A_629, %eq3A_649 : vector<128x128xf32>
        %eq3A_651 = vector.broadcast %broadcast_in_dim3A_647 : vector<1x1xf32> to vector<128x1xf32>
        %eq3A_652 = arith.cmpf oeq, %convert_element_type3A_547, %eq3A_651 : vector<128x1xf32>
        %and3A = vector.broadcast %eq3A_652 : vector<128x1xi1> to vector<128x128xi1>
        %and3A_653 = arith.andi %eq3A_650, %and3A : vector<128x128xi1>
        %jit3A_654 = arith.constant 3.000000e+08 : f32
        %broadcast_in_dim3A_655 = vector.shape_cast %convert_element_type3A_545 : vector<1x128xf32> to vector<1x128xf32>
        %broadcast_in_dim3A_656 = vector.broadcast %broadcast_in_dim3A_655 : vector<1x128xf32> to vector<128x128xf32>
        %broadcast_in_dim3A_657 = vector.broadcast %jit3A_654 : f32 to vector<128x128xf32>
        %select_n3A_658 = arith.select %and3A_653, %broadcast_in_dim3A_656, %broadcast_in_dim3A_657 : vector<128x128xi1>, vector<128x128xf32>
        %reduce_min3A_659 = vector.shape_cast %select_n3A_658 : vector<128x128xf32> to vector<1x128x128xf32>
        %reduce_min3A_660 = arith.constant dense<0x7F800000> : vector<1xf32>
        %reduce_min3A_661 = vector.multi_reduction <minimumf>, %reduce_min3A_659, %reduce_min3A_660 [1, 2] : vector<1x128x128xf32> to vector<1xf32>
        %reduce_min3A_662 = vector.shape_cast %reduce_min3A_661 : vector<1xf32> to vector<1x1x1xf32>
        %reduce_min3A_663 = vector.extract %reduce_min3A_662[0, 0, 0] : f32 from vector<1x1x1xf32>
        %broadcast_in_dim3A_664 = vector.broadcast %reduce_min3A_663 : f32 to vector<1x1xf32>
        scf.yield %min3A_629, %convert_element_type3A_648, %broadcast_in_dim3A_664 : vector<128x128xf32>, i32, vector<1x1xf32>
      }
      %scan3A_557 = arith.constant 512 : i32
    } else {
    }
    %mul3A = arith.constant 8 : i32
    %mul3A_2 = arith.muli %arg0, %mul3A : i32
    %get3A = arith.index_cast %mul3A_2 : i32 to index
    %get3A_3 = arith.constant 0 : index
    %get3A_4 = vector.load %arg8[%get3A, %get3A_3] : memref<512x3xf32, #tpu.memory_space<vmem>>, vector<8x3xf32>
    %slice3A = vector.extract_strided_slice %get3A_4 {offsets = [0, 0], sizes = [8, 1], strides = [1, 1]} : vector<8x3xf32> to vector<8x1xf32>
    %slice3A_5 = vector.extract_strided_slice %get3A_4 {offsets = [0, 1], sizes = [8, 1], strides = [1, 1]} : vector<8x3xf32> to vector<8x1xf32>
    %slice3A_6 = vector.extract_strided_slice %get3A_4 {offsets = [0, 2], sizes = [8, 1], strides = [1, 1]} : vector<8x3xf32> to vector<8x1xf32>
    %get3A_7 = arith.constant 0 : index
    %get3A_8 = arith.constant 0 : index
    %get3A_9 = vector.load %arg4[%get3A_7, %get3A_8] : memref<1x16384xf32, #tpu.memory_space<vmem>>, vector<1x16384xf32>
    %broadcast_in_dim3A = vector.shape_cast %get3A_9 : vector<1x16384xf32> to vector<1x16384xf32>
    %broadcast_in_dim3A_10 = vector.broadcast %broadcast_in_dim3A : vector<1x16384xf32> to vector<8x16384xf32>
    %get3A_11 = arith.constant 0 : index
    %get3A_12 = arith.constant 0 : index
    %get3A_13 = vector.load %arg5[%get3A_11, %get3A_12] : memref<1x16384xf32, #tpu.memory_space<vmem>>, vector<1x16384xf32>
    %broadcast_in_dim3A_14 = vector.shape_cast %get3A_13 : vector<1x16384xf32> to vector<1x16384xf32>
    %broadcast_in_dim3A_15 = vector.broadcast %broadcast_in_dim3A_14 : vector<1x16384xf32> to vector<8x16384xf32>
    %get3A_16 = arith.constant 0 : index
    %get3A_17 = arith.constant 0 : index
    %get3A_18 = vector.load %arg6[%get3A_16, %get3A_17] : memref<1x16384xf32, #tpu.memory_space<vmem>>, vector<1x16384xf32>
    %broadcast_in_dim3A_19 = vector.shape_cast %get3A_18 : vector<1x16384xf32> to vector<1x16384xf32>
    %broadcast_in_dim3A_20 = vector.broadcast %broadcast_in_dim3A_19 : vector<1x16384xf32> to vector<8x16384xf32>
    %sub3A = vector.broadcast %slice3A : vector<8x1xf32> to vector<8x16384xf32>
    %sub3A_21 = arith.subf %broadcast_in_dim3A_10, %sub3A : vector<8x16384xf32>
    %sub3A_22 = vector.broadcast %slice3A_5 : vector<8x1xf32> to vector<8x16384xf32>
    %sub3A_23 = arith.subf %broadcast_in_dim3A_15, %sub3A_22 : vector<8x16384xf32>
    %sub3A_24 = vector.broadcast %slice3A_6 : vector<8x1xf32> to vector<8x16384xf32>
    %sub3A_25 = arith.subf %broadcast_in_dim3A_20, %sub3A_24 : vector<8x16384xf32>
    %mul3A_26 = arith.mulf %sub3A_21, %sub3A_21 : vector<8x16384xf32>
    %mul3A_27 = arith.mulf %sub3A_23, %sub3A_23 : vector<8x16384xf32>
    %add3A = arith.addf %mul3A_26, %mul3A_27 : vector<8x16384xf32>
    %mul3A_28 = arith.mulf %sub3A_25, %sub3A_25 : vector<8x16384xf32>
    %add3A_29 = arith.addf %add3A, %mul3A_28 : vector<8x16384xf32>
    %sqrt3A = math.sqrt %add3A_29 : vector<8x16384xf32>
    %swap3A = arith.constant 0 : index
    %swap3A_30 = arith.constant 0 : index
    %swap3A_31 = vector.load %arg9[%swap3A, %swap3A_30] : memref<8x16384xf32, #tpu.memory_space<vmem>>, vector<8x16384xf32>
    tpu.vector_store %arg9[%swap3A, %swap3A_30], %sqrt3A {strides = array<i32>} : memref<8x16384xf32, #tpu.memory_space<vmem>>, vector<8x16384xf32>,
    %get3A_32 = arith.constant 0 : index
    %get3A_33 = arith.constant 0 : index
    %get3A_34 = vector.load %arg9[%get3A_32, %get3A_33] : memref<8x16384xf32, #tpu.memory_space<vmem>>, vector<8x128xf32>
    %get3A_35 = arith.constant 0 : index
    %get3A_36 = arith.constant 128 : index
    %get3A_37 = vector.load %arg9[%get3A_35, %get3A_36] : memref<8x16384xf32, #tpu.memory_space<vmem>>, vector<8x128xf32>
    %min3A = arith.minimumf %get3A_34, %get3A_37 : vector<8x128xf32>
    %get3A_38 = arith.constant 0 : index
    %get3A_39 = arith.constant 256 : index
    %get3A_40 = vector.load %arg9[%get3A_38, %get3A_39] : memref<8x16384xf32, #tpu.memory_space<vmem>>, vector<8x128xf32>
    %min3A_41 = arith.minimumf %min3A, %get3A_40 : vector<8x128xf32>
    %get3A_42 = arith.constant 0 : index
    %get3A_43 = arith.constant 384 : index
    %get3A_44 = vector.load %arg9[%get3A_42, %get3A_43] : memref<8x16384xf32, #tpu.memory_space<vmem>>, vector<8x128xf32>
    %min3A_45 = arith.minimumf %min3A_41, %get3A_44 : vector<8x128xf32>
    %get3A_46 = arith.constant 0 : index
    %get3A_47 = arith.constant 512 : index
    %get3A_48 = vector.load %arg9[%get3A_46, %get3A_47] : memref<8x16384xf32, #tpu.memory_space<vmem>>, vector<8x128xf32>
    %min3A_49 = arith.minimumf %min3A_45, %get3A_48 : vector<8x128xf32>
    %get3A_50 = arith.constant 0 : index
    %get3A_51 = arith.constant 640 : index
    %get3A_52 = vector.load %arg9[%get3A_50, %get3A_51] : memref<8x16384xf32, #tpu.memory_space<vmem>>, vector<8x128xf32>
    %min3A_53 = arith.minimumf %min3A_49, %get3A_52 : vector<8x128xf32>
    %get3A_54 = arith.constant 0 : index
    %get3A_55 = arith.constant 768 : index
    %get3A_56 = vector.load %arg9[%get3A_54, %get3A_55] : memref<8x16384xf32, #tpu.memory_space<vmem>>, vector<8x128xf32>
    %min3A_57 = arith.minimumf %min3A_53, %get3A_56 : vector<8x128xf32>
    %get3A_58 = arith.constant 0 : index
    %get3A_59 = arith.constant 896 : index
    %get3A_60 = vector.load %arg9[%get3A_58, %get3A_59] : memref<8x16384xf32, #tpu.memory_space<vmem>>, vector<8x128xf32>
    %min3A_61 = arith.minimumf %min3A_57, %get3A_60 : vector<8x128xf32>
    %get3A_62 = arith.constant 0 : index
    %get3A_63 = arith.constant 1024 : index
    %get3A_64 = vector.load %arg9[%get3A_62, %get3A_63] : memref<8x16384xf32, #tpu.memory_space<vmem>>, vector<8x128xf32>
    %min3A_65 = arith.minimumf %min3A_61, %get3A_64 : vector<8x128xf32>
    %get3A_66 = arith.constant 0 : index
    %get3A_67 = arith.constant 1152 : index
    %get3A_68 = vector.load %arg9[%get3A_66, %get3A_67] : memref<8x16384xf32, #tpu.memory_space<vmem>>, vector<8x128xf32>
    %min3A_69 = arith.minimumf %min3A_65, %get3A_68 : vector<8x128xf32>
    %get3A_70 = arith.constant 0 : index
    %get3A_71 = arith.constant 1280 : index
    %get3A_72 = vector.load %arg9[%get3A_70, %get3A_71] : memref<8x16384xf32, #tpu.memory_space<vmem>>, vector<8x128xf32>
    %min3A_73 = arith.minimumf %min3A_69, %get3A_72 : vector<8x128xf32>
    %get3A_74 = arith.constant 0 : index
    %get3A_75 = arith.constant 1408 : index
    %get3A_76 = vector.load %arg9[%get3A_74, %get3A_75] : memref<8x16384xf32, #tpu.memory_space<vmem>>, vector<8x128xf32>
    %min3A_77 = arith.minimumf %min3A_73, %get3A_76 : vector<8x128xf32>
    %get3A_78 = arith.constant 0 : index
    %get3A_79 = arith.constant 1536 : index
    %get3A_80 = vector.load %arg9[%get3A_78, %get3A_79] : memref<8x16384xf32, #tpu.memory_space<vmem>>, vector<8x128xf32>
    %min3A_81 = arith.minimumf %min3A_77, %get3A_80 : vector<8x128xf32>
    %get3A_82 = arith.constant 0 : index
    %get3A_83 = arith.constant 1664 : index
    %get3A_84 = vector.load %arg9[%get3A_82, %get3A_83] : memref<8x16384xf32, #tpu.memory_space<vmem>>, vector<8x128xf32>
    %min3A_85 = arith.minimumf %min3A_81, %get3A_84 : vector<8x128xf32>
    %get3A_86 = arith.constant 0 : index
    %get3A_87 = arith.constant 1792 : index
    %get3A_88 = vector.load %arg9[%get3A_86, %get3A_87] : memref<8x16384xf32, #tpu.memory_space<vmem>>, vector<8x128xf32>
    %min3A_89 = arith.minimumf %min3A_85, %get3A_88 : vector<8x128xf32>
    %get3A_90 = arith.constant 0 : index
    %get3A_91 = arith.constant 1920 : index
    %get3A_92 = vector.load %arg9[%get3A_90, %get3A_91] : memref<8x16384xf32, #tpu.memory_space<vmem>>, vector<8x128xf32>
    %min3A_93 = arith.minimumf %min3A_89, %get3A_92 : vector<8x128xf32>
    %get3A_94 = arith.constant 0 : index
    %get3A_95 = arith.constant 2048 : index
    %get3A_96 = vector.load %arg9[%get3A_94, %get3A_95] : memref<8x16384xf32, #tpu.memory_space<vmem>>, vector<8x128xf32>
    %min3A_97 = arith.minimumf %min3A_93, %get3A_96 : vector<8x128xf32>
    %get3A_98 = arith.constant 0 : index
    %get3A_99 = arith.constant 2176 : index
    %get3A_100 = vector.load %arg9[%get3A_98, %get3A_99] : memref<8x16384xf32, #tpu.memory_space<vmem>>, vector<8x128xf32>
    %min3A_101 = arith.minimumf %min3A_97, %get3A_100 : vector<8x128xf32>
    %get3A_102 = arith.constant 0 : index
    %get3A_103 = arith.constant 2304 : index
    %get3A_104 = vector.load %arg9[%get3A_102, %get3A_103] : memref<8x16384xf32, #tpu.memory_space<vmem>>, vector<8x128xf32>
    %min3A_105 = arith.minimumf %min3A_101, %get3A_104 : vector<8x128xf32>
    %get3A_106 = arith.constant 0 : index
    %get3A_107 = arith.constant 2432 : index
    %get3A_108 = vector.load %arg9[%get3A_106, %get3A_107] : memref<8x16384xf32, #tpu.memory_space<vmem>>, vector<8x128xf32>
    %min3A_109 = arith.minimumf %min3A_105, %get3A_108 : vector<8x128xf32>
    %get3A_110 = arith.constant 0 : index
    %get3A_111 = arith.constant 2560 : index
    %get3A_112 = vector.load %arg9[%get3A_110, %get3A_111] : memref<8x16384xf32, #tpu.memory_space<vmem>>, vector<8x128xf32>
    %min3A_113 = arith.minimumf %min3A_109, %get3A_112 : vector<8x128xf32>
    %get3A_114 = arith.constant 0 : index
    %get3A_115 = arith.constant 2688 : index
    %get3A_116 = vector.load %arg9[%get3A_114, %get3A_115] : memref<8x16384xf32, #tpu.memory_space<vmem>>, vector<8x128xf32>
    %min3A_117 = arith.minimumf %min3A_113, %get3A_116 : vector<8x128xf32>
    %get3A_118 = arith.constant 0 : index
    %get3A_119 = arith.constant 2816 : index
    %get3A_120 = vector.load %arg9[%get3A_118, %get3A_119] : memref<8x16384xf32, #tpu.memory_space<vmem>>, vector<8x128xf32>
    %min3A_121 = arith.minimumf %min3A_117, %get3A_120 : vector<8x128xf32>
    %get3A_122 = arith.constant 0 : index
    %get3A_123 = arith.constant 2944 : index
    %get3A_124 = vector.load %arg9[%get3A_122, %get3A_123] : memref<8x16384xf32, #tpu.memory_space<vmem>>, vector<8x128xf32>
    %min3A_125 = arith.minimumf %min3A_121, %get3A_124 : vector<8x128xf32>
    %get3A_126 = arith.constant 0 : index
    %get3A_127 = arith.constant 3072 : index
    %get3A_128 = vector.load %arg9[%get3A_126, %get3A_127] : memref<8x16384xf32, #tpu.memory_space<vmem>>, vector<8x128xf32>
    %min3A_129 = arith.minimumf %min3A_125, %get3A_128 : vector<8x128xf32>
    %get3A_130 = arith.constant 0 : index
    %get3A_131 = arith.constant 3200 : index
    %get3A_132 = vector.load %arg9[%get3A_130, %get3A_131] : memref<8x16384xf32, #tpu.memory_space<vmem>>, vector<8x128xf32>
    %min3A_133 = arith.minimumf %min3A_129, %get3A_132 : vector<8x128xf32>
    %get3A_134 = arith.constant 0 : index
    %get3A_135 = arith.constant 3328 : index
    %get3A_136 = vector.load %arg9[%get3A_134, %get3A_135] : memref<8x16384xf32, #tpu.memory_space<vmem>>, vector<8x128xf32>
    %min3A_137 = arith.minimumf %min3A_133, %get3A_136 : vector<8x128xf32>
    %get3A_138 = arith.constant 0 : index
    %get3A_139 = arith.constant 3456 : index
    %get3A_140 = vector.load %arg9[%get3A_138, %get3A_139] : memref<8x16384xf32, #tpu.memory_space<vmem>>, vector<8x128xf32>
    %min3A_141 = arith.minimumf %min3A_137, %get3A_140 : vector<8x128xf32>
    %get3A_142 = arith.constant 0 : index
    %get3A_143 = arith.constant 3584 : index
    %get3A_144 = vector.load %arg9[%get3A_142, %get3A_143] : memref<8x16384xf32, #tpu.memory_space<vmem>>, vector<8x128xf32>
    %min3A_145 = arith.minimumf %min3A_141, %get3A_144 : vector<8x128xf32>
    %get3A_146 = arith.constant 0 : index
    %get3A_147 = arith.constant 3712 : index
    %get3A_148 = vector.load %arg9[%get3A_146, %get3A_147] : memref<8x16384xf32, #tpu.memory_space<vmem>>, vector<8x128xf32>
    %min3A_149 = arith.minimumf %min3A_145, %get3A_148 : vector<8x128xf32>
    %get3A_150 = arith.constant 0 : index
    %get3A_151 = arith.constant 3840 : index
    %get3A_152 = vector.load %arg9[%get3A_150, %get3A_151] : memref<8x16384xf32, #tpu.memory_space<vmem>>, vector<8x128xf32>
    %min3A_153 = arith.minimumf %min3A_149, %get3A_152 : vector<8x128xf32>
    %get3A_154 = arith.constant 0 : index
    %get3A_155 = arith.constant 3968 : index
    %get3A_156 = vector.load %arg9[%get3A_154, %get3A_155] : memref<8x16384xf32, #tpu.memory_space<vmem>>, vector<8x128xf32>
    %min3A_157 = arith.minimumf %min3A_153, %get3A_156 : vector<8x128xf32>
    %get3A_158 = arith.constant 0 : index
    %get3A_159 = arith.constant 4096 : index
    %get3A_160 = vector.load %arg9[%get3A_158, %get3A_159] : memref<8x16384xf32, #tpu.memory_space<vmem>>, vector<8x128xf32>
    %min3A_161 = arith.minimumf %min3A_157, %get3A_160 : vector<8x128xf32>
    %get3A_162 = arith.constant 0 : index
    %get3A_163 = arith.constant 4224 : index
    %get3A_164 = vector.load %arg9[%get3A_162, %get3A_163] : memref<8x16384xf32, #tpu.memory_space<vmem>>, vector<8x128xf32>
    %min3A_165 = arith.minimumf %min3A_161, %get3A_164 : vector<8x128xf32>
    %get3A_166 = arith.constant 0 : index
    %get3A_167 = arith.constant 4352 : index
    %get3A_168 = vector.load %arg9[%get3A_166, %get3A_167] : memref<8x16384xf32, #tpu.memory_space<vmem>>, vector<8x128xf32>
    %min3A_169 = arith.minimumf %min3A_165, %get3A_168 : vector<8x128xf32>
    %get3A_170 = arith.constant 0 : index
    %get3A_171 = arith.constant 4480 : index
    %get3A_172 = vector.load %arg9[%get3A_170, %get3A_171] : memref<8x16384xf32, #tpu.memory_space<vmem>>, vector<8x128xf32>
    %min3A_173 = arith.minimumf %min3A_169, %get3A_172 : vector<8x128xf32>
    %get3A_174 = arith.constant 0 : index
    %get3A_175 = arith.constant 4608 : index
    %get3A_176 = vector.load %arg9[%get3A_174, %get3A_175] : memref<8x16384xf32, #tpu.memory_space<vmem>>, vector<8x128xf32>
    %min3A_177 = arith.minimumf %min3A_173, %get3A_176 : vector<8x128xf32>
    %get3A_178 = arith.constant 0 : index
    %get3A_179 = arith.constant 4736 : index
    %get3A_180 = vector.load %arg9[%get3A_178, %get3A_179] : memref<8x16384xf32, #tpu.memory_space<vmem>>, vector<8x128xf32>
    %min3A_181 = arith.minimumf %min3A_177, %get3A_180 : vector<8x128xf32>
    %get3A_182 = arith.constant 0 : index
    %get3A_183 = arith.constant 4864 : index
    %get3A_184 = vector.load %arg9[%get3A_182, %get3A_183] : memref<8x16384xf32, #tpu.memory_space<vmem>>, vector<8x128xf32>
    %min3A_185 = arith.minimumf %min3A_181, %get3A_184 : vector<8x128xf32>
    %get3A_186 = arith.constant 0 : index
    %get3A_187 = arith.constant 4992 : index
    %get3A_188 = vector.load %arg9[%get3A_186, %get3A_187] : memref<8x16384xf32, #tpu.memory_space<vmem>>, vector<8x128xf32>
    %min3A_189 = arith.minimumf %min3A_185, %get3A_188 : vector<8x128xf32>
    %get3A_190 = arith.constant 0 : index
    %get3A_191 = arith.constant 5120 : index
    %get3A_192 = vector.load %arg9[%get3A_190, %get3A_191] : memref<8x16384xf32, #tpu.memory_space<vmem>>, vector<8x128xf32>
    %min3A_193 = arith.minimumf %min3A_189, %get3A_192 : vector<8x128xf32>
    %get3A_194 = arith.constant 0 : index
    %get3A_195 = arith.constant 5248 : index
    %get3A_196 = vector.load %arg9[%get3A_194, %get3A_195] : memref<8x16384xf32, #tpu.memory_space<vmem>>, vector<8x128xf32>
    %min3A_197 = arith.minimumf %min3A_193, %get3A_196 : vector<8x128xf32>
    %get3A_198 = arith.constant 0 : index
    %get3A_199 = arith.constant 5376 : index
    %get3A_200 = vector.load %arg9[%get3A_198, %get3A_199] : memref<8x16384xf32, #tpu.memory_space<vmem>>, vector<8x128xf32>
    %min3A_201 = arith.minimumf %min3A_197, %get3A_200 : vector<8x128xf32>
    %get3A_202 = arith.constant 0 : index
    %get3A_203 = arith.constant 5504 : index
    %get3A_204 = vector.load %arg9[%get3A_202, %get3A_203] : memref<8x16384xf32, #tpu.memory_space<vmem>>, vector<8x128xf32>
    %min3A_205 = arith.minimumf %min3A_201, %get3A_204 : vector<8x128xf32>
    %get3A_206 = arith.constant 0 : index
    %get3A_207 = arith.constant 5632 : index
    %get3A_208 = vector.load %arg9[%get3A_206, %get3A_207] : memref<8x16384xf32, #tpu.memory_space<vmem>>, vector<8x128xf32>
    %min3A_209 = arith.minimumf %min3A_205, %get3A_208 : vector<8x128xf32>
    %get3A_210 = arith.constant 0 : index
    %get3A_211 = arith.constant 5760 : index
    %get3A_212 = vector.load %arg9[%get3A_210, %get3A_211] : memref<8x16384xf32, #tpu.memory_space<vmem>>, vector<8x128xf32>
    %min3A_213 = arith.minimumf %min3A_209, %get3A_212 : vector<8x128xf32>
    %get3A_214 = arith.constant 0 : index
    %get3A_215 = arith.constant 5888 : index
    %get3A_216 = vector.load %arg9[%get3A_214, %get3A_215] : memref<8x16384xf32, #tpu.memory_space<vmem>>, vector<8x128xf32>
    %min3A_217 = arith.minimumf %min3A_213, %get3A_216 : vector<8x128xf32>
    %get3A_218 = arith.constant 0 : index
    %get3A_219 = arith.constant 6016 : index
    %get3A_220 = vector.load %arg9[%get3A_218, %get3A_219] : memref<8x16384xf32, #tpu.memory_space<vmem>>, vector<8x128xf32>
    %min3A_221 = arith.minimumf %min3A_217, %get3A_220 : vector<8x128xf32>
    %get3A_222 = arith.constant 0 : index
    %get3A_223 = arith.constant 6144 : index
    %get3A_224 = vector.load %arg9[%get3A_222, %get3A_223] : memref<8x16384xf32, #tpu.memory_space<vmem>>, vector<8x128xf32>
    %min3A_225 = arith.minimumf %min3A_221, %get3A_224 : vector<8x128xf32>
    %get3A_226 = arith.constant 0 : index
    %get3A_227 = arith.constant 6272 : index
    %get3A_228 = vector.load %arg9[%get3A_226, %get3A_227] : memref<8x16384xf32, #tpu.memory_space<vmem>>, vector<8x128xf32>
    %min3A_229 = arith.minimumf %min3A_225, %get3A_228 : vector<8x128xf32>
    %get3A_230 = arith.constant 0 : index
    %get3A_231 = arith.constant 6400 : index
    %get3A_232 = vector.load %arg9[%get3A_230, %get3A_231] : memref<8x16384xf32, #tpu.memory_space<vmem>>, vector<8x128xf32>
    %min3A_233 = arith.minimumf %min3A_229, %get3A_232 : vector<8x128xf32>
    %get3A_234 = arith.constant 0 : index
    %get3A_235 = arith.constant 6528 : index
    %get3A_236 = vector.load %arg9[%get3A_234, %get3A_235] : memref<8x16384xf32, #tpu.memory_space<vmem>>, vector<8x128xf32>
    %min3A_237 = arith.minimumf %min3A_233, %get3A_236 : vector<8x128xf32>
    %get3A_238 = arith.constant 0 : index
    %get3A_239 = arith.constant 6656 : index
    %get3A_240 = vector.load %arg9[%get3A_238, %get3A_239] : memref<8x16384xf32, #tpu.memory_space<vmem>>, vector<8x128xf32>
    %min3A_241 = arith.minimumf %min3A_237, %get3A_240 : vector<8x128xf32>
    %get3A_242 = arith.constant 0 : index
    %get3A_243 = arith.constant 6784 : index
    %get3A_244 = vector.load %arg9[%get3A_242, %get3A_243] : memref<8x16384xf32, #tpu.memory_space<vmem>>, vector<8x128xf32>
    %min3A_245 = arith.minimumf %min3A_241, %get3A_244 : vector<8x128xf32>
    %get3A_246 = arith.constant 0 : index
    %get3A_247 = arith.constant 6912 : index
    %get3A_248 = vector.load %arg9[%get3A_246, %get3A_247] : memref<8x16384xf32, #tpu.memory_space<vmem>>, vector<8x128xf32>
    %min3A_249 = arith.minimumf %min3A_245, %get3A_248 : vector<8x128xf32>
    %get3A_250 = arith.constant 0 : index
    %get3A_251 = arith.constant 7040 : index
    %get3A_252 = vector.load %arg9[%get3A_250, %get3A_251] : memref<8x16384xf32, #tpu.memory_space<vmem>>, vector<8x128xf32>
    %min3A_253 = arith.minimumf %min3A_249, %get3A_252 : vector<8x128xf32>
    %get3A_254 = arith.constant 0 : index
    %get3A_255 = arith.constant 7168 : index
    %get3A_256 = vector.load %arg9[%get3A_254, %get3A_255] : memref<8x16384xf32, #tpu.memory_space<vmem>>, vector<8x128xf32>
    %min3A_257 = arith.minimumf %min3A_253, %get3A_256 : vector<8x128xf32>
    %get3A_258 = arith.constant 0 : index
    %get3A_259 = arith.constant 7296 : index
    %get3A_260 = vector.load %arg9[%get3A_258, %get3A_259] : memref<8x16384xf32, #tpu.memory_space<vmem>>, vector<8x128xf32>
    %min3A_261 = arith.minimumf %min3A_257, %get3A_260 : vector<8x128xf32>
    %get3A_262 = arith.constant 0 : index
    %get3A_263 = arith.constant 7424 : index
    %get3A_264 = vector.load %arg9[%get3A_262, %get3A_263] : memref<8x16384xf32, #tpu.memory_space<vmem>>, vector<8x128xf32>
    %min3A_265 = arith.minimumf %min3A_261, %get3A_264 : vector<8x128xf32>
    %get3A_266 = arith.constant 0 : index
    %get3A_267 = arith.constant 7552 : index
    %get3A_268 = vector.load %arg9[%get3A_266, %get3A_267] : memref<8x16384xf32, #tpu.memory_space<vmem>>, vector<8x128xf32>
    %min3A_269 = arith.minimumf %min3A_265, %get3A_268 : vector<8x128xf32>
    %get3A_270 = arith.constant 0 : index
    %get3A_271 = arith.constant 7680 : index
    %get3A_272 = vector.load %arg9[%get3A_270, %get3A_271] : memref<8x16384xf32, #tpu.memory_space<vmem>>, vector<8x128xf32>
    %min3A_273 = arith.minimumf %min3A_269, %get3A_272 : vector<8x128xf32>
    %get3A_274 = arith.constant 0 : index
    %get3A_275 = arith.constant 7808 : index
    %get3A_276 = vector.load %arg9[%get3A_274, %get3A_275] : memref<8x16384xf32, #tpu.memory_space<vmem>>, vector<8x128xf32>
    %min3A_277 = arith.minimumf %min3A_273, %get3A_276 : vector<8x128xf32>
    %get3A_278 = arith.constant 0 : index
    %get3A_279 = arith.constant 7936 : index
    %get3A_280 = vector.load %arg9[%get3A_278, %get3A_279] : memref<8x16384xf32, #tpu.memory_space<vmem>>, vector<8x128xf32>
    %min3A_281 = arith.minimumf %min3A_277, %get3A_280 : vector<8x128xf32>
    %get3A_282 = arith.constant 0 : index
    %get3A_283 = arith.constant 8064 : index
    %get3A_284 = vector.load %arg9[%get3A_282, %get3A_283] : memref<8x16384xf32, #tpu.memory_space<vmem>>, vector<8x128xf32>
    %min3A_285 = arith.minimumf %min3A_281, %get3A_284 : vector<8x128xf32>
    %get3A_286 = arith.constant 0 : index
    %get3A_287 = arith.constant 8192 : index
    %get3A_288 = vector.load %arg9[%get3A_286, %get3A_287] : memref<8x16384xf32, #tpu.memory_space<vmem>>, vector<8x128xf32>
    %min3A_289 = arith.minimumf %min3A_285, %get3A_288 : vector<8x128xf32>
    %get3A_290 = arith.constant 0 : index
    %get3A_291 = arith.constant 8320 : index
    %get3A_292 = vector.load %arg9[%get3A_290, %get3A_291] : memref<8x16384xf32, #tpu.memory_space<vmem>>, vector<8x128xf32>
    %min3A_293 = arith.minimumf %min3A_289, %get3A_292 : vector<8x128xf32>
    %get3A_294 = arith.constant 0 : index
    %get3A_295 = arith.constant 8448 : index
    %get3A_296 = vector.load %arg9[%get3A_294, %get3A_295] : memref<8x16384xf32, #tpu.memory_space<vmem>>, vector<8x128xf32>
    %min3A_297 = arith.minimumf %min3A_293, %get3A_296 : vector<8x128xf32>
    %get3A_298 = arith.constant 0 : index
    %get3A_299 = arith.constant 8576 : index
    %get3A_300 = vector.load %arg9[%get3A_298, %get3A_299] : memref<8x16384xf32, #tpu.memory_space<vmem>>, vector<8x128xf32>
    %min3A_301 = arith.minimumf %min3A_297, %get3A_300 : vector<8x128xf32>
    %get3A_302 = arith.constant 0 : index
    %get3A_303 = arith.constant 8704 : index
    %get3A_304 = vector.load %arg9[%get3A_302, %get3A_303] : memref<8x16384xf32, #tpu.memory_space<vmem>>, vector<8x128xf32>
    %min3A_305 = arith.minimumf %min3A_301, %get3A_304 : vector<8x128xf32>
    %get3A_306 = arith.constant 0 : index
    %get3A_307 = arith.constant 8832 : index
    %get3A_308 = vector.load %arg9[%get3A_306, %get3A_307] : memref<8x16384xf32, #tpu.memory_space<vmem>>, vector<8x128xf32>
    %min3A_309 = arith.minimumf %min3A_305, %get3A_308 : vector<8x128xf32>
    %get3A_310 = arith.constant 0 : index
    %get3A_311 = arith.constant 8960 : index
    %get3A_312 = vector.load %arg9[%get3A_310, %get3A_311] : memref<8x16384xf32, #tpu.memory_space<vmem>>, vector<8x128xf32>
    %min3A_313 = arith.minimumf %min3A_309, %get3A_312 : vector<8x128xf32>
    %get3A_314 = arith.constant 0 : index
    %get3A_315 = arith.constant 9088 : index
    %get3A_316 = vector.load %arg9[%get3A_314, %get3A_315] : memref<8x16384xf32, #tpu.memory_space<vmem>>, vector<8x128xf32>
    %min3A_317 = arith.minimumf %min3A_313, %get3A_316 : vector<8x128xf32>
    %get3A_318 = arith.constant 0 : index
    %get3A_319 = arith.constant 9216 : index
    %get3A_320 = vector.load %arg9[%get3A_318, %get3A_319] : memref<8x16384xf32, #tpu.memory_space<vmem>>, vector<8x128xf32>
    %min3A_321 = arith.minimumf %min3A_317, %get3A_320 : vector<8x128xf32>
    %get3A_322 = arith.constant 0 : index
    %get3A_323 = arith.constant 9344 : index
    %get3A_324 = vector.load %arg9[%get3A_322, %get3A_323] : memref<8x16384xf32, #tpu.memory_space<vmem>>, vector<8x128xf32>
    %min3A_325 = arith.minimumf %min3A_321, %get3A_324 : vector<8x128xf32>
    %get3A_326 = arith.constant 0 : index
    %get3A_327 = arith.constant 9472 : index
    %get3A_328 = vector.load %arg9[%get3A_326, %get3A_327] : memref<8x16384xf32, #tpu.memory_space<vmem>>, vector<8x128xf32>
    %min3A_329 = arith.minimumf %min3A_325, %get3A_328 : vector<8x128xf32>
    %get3A_330 = arith.constant 0 : index
    %get3A_331 = arith.constant 9600 : index
    %get3A_332 = vector.load %arg9[%get3A_330, %get3A_331] : memref<8x16384xf32, #tpu.memory_space<vmem>>, vector<8x128xf32>
    %min3A_333 = arith.minimumf %min3A_329, %get3A_332 : vector<8x128xf32>
    %get3A_334 = arith.constant 0 : index
    %get3A_335 = arith.constant 9728 : index
    %get3A_336 = vector.load %arg9[%get3A_334, %get3A_335] : memref<8x16384xf32, #tpu.memory_space<vmem>>, vector<8x128xf32>
    %min3A_337 = arith.minimumf %min3A_333, %get3A_336 : vector<8x128xf32>
    %get3A_338 = arith.constant 0 : index
    %get3A_339 = arith.constant 9856 : index
    %get3A_340 = vector.load %arg9[%get3A_338, %get3A_339] : memref<8x16384xf32, #tpu.memory_space<vmem>>, vector<8x128xf32>
    %min3A_341 = arith.minimumf %min3A_337, %get3A_340 : vector<8x128xf32>
    %get3A_342 = arith.constant 0 : index
    %get3A_343 = arith.constant 9984 : index
    %get3A_344 = vector.load %arg9[%get3A_342, %get3A_343] : memref<8x16384xf32, #tpu.memory_space<vmem>>, vector<8x128xf32>
    %min3A_345 = arith.minimumf %min3A_341, %get3A_344 : vector<8x128xf32>
    %get3A_346 = arith.constant 0 : index
    %get3A_347 = arith.constant 10112 : index
    %get3A_348 = vector.load %arg9[%get3A_346, %get3A_347] : memref<8x16384xf32, #tpu.memory_space<vmem>>, vector<8x128xf32>
    %min3A_349 = arith.minimumf %min3A_345, %get3A_348 : vector<8x128xf32>
    %get3A_350 = arith.constant 0 : index
    %get3A_351 = arith.constant 10240 : index
    %get3A_352 = vector.load %arg9[%get3A_350, %get3A_351] : memref<8x16384xf32, #tpu.memory_space<vmem>>, vector<8x128xf32>
    %min3A_353 = arith.minimumf %min3A_349, %get3A_352 : vector<8x128xf32>
    %get3A_354 = arith.constant 0 : index
    %get3A_355 = arith.constant 10368 : index
    %get3A_356 = vector.load %arg9[%get3A_354, %get3A_355] : memref<8x16384xf32, #tpu.memory_space<vmem>>, vector<8x128xf32>
    %min3A_357 = arith.minimumf %min3A_353, %get3A_356 : vector<8x128xf32>
    %get3A_358 = arith.constant 0 : index
    %get3A_359 = arith.constant 10496 : index
    %get3A_360 = vector.load %arg9[%get3A_358, %get3A_359] : memref<8x16384xf32, #tpu.memory_space<vmem>>, vector<8x128xf32>
    %min3A_361 = arith.minimumf %min3A_357, %get3A_360 : vector<8x128xf32>
    %get3A_362 = arith.constant 0 : index
    %get3A_363 = arith.constant 10624 : index
    %get3A_364 = vector.load %arg9[%get3A_362, %get3A_363] : memref<8x16384xf32, #tpu.memory_space<vmem>>, vector<8x128xf32>
    %min3A_365 = arith.minimumf %min3A_361, %get3A_364 : vector<8x128xf32>
    %get3A_366 = arith.constant 0 : index
    %get3A_367 = arith.constant 10752 : index
    %get3A_368 = vector.load %arg9[%get3A_366, %get3A_367] : memref<8x16384xf32, #tpu.memory_space<vmem>>, vector<8x128xf32>
    %min3A_369 = arith.minimumf %min3A_365, %get3A_368 : vector<8x128xf32>
    %get3A_370 = arith.constant 0 : index
    %get3A_371 = arith.constant 10880 : index
    %get3A_372 = vector.load %arg9[%get3A_370, %get3A_371] : memref<8x16384xf32, #tpu.memory_space<vmem>>, vector<8x128xf32>
    %min3A_373 = arith.minimumf %min3A_369, %get3A_372 : vector<8x128xf32>
    %get3A_374 = arith.constant 0 : index
    %get3A_375 = arith.constant 11008 : index
    %get3A_376 = vector.load %arg9[%get3A_374, %get3A_375] : memref<8x16384xf32, #tpu.memory_space<vmem>>, vector<8x128xf32>
    %min3A_377 = arith.minimumf %min3A_373, %get3A_376 : vector<8x128xf32>
    %get3A_378 = arith.constant 0 : index
    %get3A_379 = arith.constant 11136 : index
    %get3A_380 = vector.load %arg9[%get3A_378, %get3A_379] : memref<8x16384xf32, #tpu.memory_space<vmem>>, vector<8x128xf32>
    %min3A_381 = arith.minimumf %min3A_377, %get3A_380 : vector<8x128xf32>
    %get3A_382 = arith.constant 0 : index
    %get3A_383 = arith.constant 11264 : index
    %get3A_384 = vector.load %arg9[%get3A_382, %get3A_383] : memref<8x16384xf32, #tpu.memory_space<vmem>>, vector<8x128xf32>
    %min3A_385 = arith.minimumf %min3A_381, %get3A_384 : vector<8x128xf32>
    %get3A_386 = arith.constant 0 : index
    %get3A_387 = arith.constant 11392 : index
    %get3A_388 = vector.load %arg9[%get3A_386, %get3A_387] : memref<8x16384xf32, #tpu.memory_space<vmem>>, vector<8x128xf32>
    %min3A_389 = arith.minimumf %min3A_385, %get3A_388 : vector<8x128xf32>
    %get3A_390 = arith.constant 0 : index
    %get3A_391 = arith.constant 11520 : index
    %get3A_392 = vector.load %arg9[%get3A_390, %get3A_391] : memref<8x16384xf32, #tpu.memory_space<vmem>>, vector<8x128xf32>
    %min3A_393 = arith.minimumf %min3A_389, %get3A_392 : vector<8x128xf32>
    %get3A_394 = arith.constant 0 : index
    %get3A_395 = arith.constant 11648 : index
    %get3A_396 = vector.load %arg9[%get3A_394, %get3A_395] : memref<8x16384xf32, #tpu.memory_space<vmem>>, vector<8x128xf32>
    %min3A_397 = arith.minimumf %min3A_393, %get3A_396 : vector<8x128xf32>
    %get3A_398 = arith.constant 0 : index
    %get3A_399 = arith.constant 11776 : index
    %get3A_400 = vector.load %arg9[%get3A_398, %get3A_399] : memref<8x16384xf32, #tpu.memory_space<vmem>>, vector<8x128xf32>
    %min3A_401 = arith.minimumf %min3A_397, %get3A_400 : vector<8x128xf32>
    %get3A_402 = arith.constant 0 : index
    %get3A_403 = arith.constant 11904 : index
    %get3A_404 = vector.load %arg9[%get3A_402, %get3A_403] : memref<8x16384xf32, #tpu.memory_space<vmem>>, vector<8x128xf32>
    %min3A_405 = arith.minimumf %min3A_401, %get3A_404 : vector<8x128xf32>
    %get3A_406 = arith.constant 0 : index
    %get3A_407 = arith.constant 12032 : index
    %get3A_408 = vector.load %arg9[%get3A_406, %get3A_407] : memref<8x16384xf32, #tpu.memory_space<vmem>>, vector<8x128xf32>
    %min3A_409 = arith.minimumf %min3A_405, %get3A_408 : vector<8x128xf32>
    %get3A_410 = arith.constant 0 : index
    %get3A_411 = arith.constant 12160 : index
    %get3A_412 = vector.load %arg9[%get3A_410, %get3A_411] : memref<8x16384xf32, #tpu.memory_space<vmem>>, vector<8x128xf32>
    %min3A_413 = arith.minimumf %min3A_409, %get3A_412 : vector<8x128xf32>
    %get3A_414 = arith.constant 0 : index
    %get3A_415 = arith.constant 12288 : index
    %get3A_416 = vector.load %arg9[%get3A_414, %get3A_415] : memref<8x16384xf32, #tpu.memory_space<vmem>>, vector<8x128xf32>
    %min3A_417 = arith.minimumf %min3A_413, %get3A_416 : vector<8x128xf32>
    %get3A_418 = arith.constant 0 : index
    %get3A_419 = arith.constant 12416 : index
    %get3A_420 = vector.load %arg9[%get3A_418, %get3A_419] : memref<8x16384xf32, #tpu.memory_space<vmem>>, vector<8x128xf32>
    %min3A_421 = arith.minimumf %min3A_417, %get3A_420 : vector<8x128xf32>
    %get3A_422 = arith.constant 0 : index
    %get3A_423 = arith.constant 12544 : index
    %get3A_424 = vector.load %arg9[%get3A_422, %get3A_423] : memref<8x16384xf32, #tpu.memory_space<vmem>>, vector<8x128xf32>
    %min3A_425 = arith.minimumf %min3A_421, %get3A_424 : vector<8x128xf32>
    %get3A_426 = arith.constant 0 : index
    %get3A_427 = arith.constant 12672 : index
    %get3A_428 = vector.load %arg9[%get3A_426, %get3A_427] : memref<8x16384xf32, #tpu.memory_space<vmem>>, vector<8x128xf32>
    %min3A_429 = arith.minimumf %min3A_425, %get3A_428 : vector<8x128xf32>
    %get3A_430 = arith.constant 0 : index
    %get3A_431 = arith.constant 12800 : index
    %get3A_432 = vector.load %arg9[%get3A_430, %get3A_431] : memref<8x16384xf32, #tpu.memory_space<vmem>>, vector<8x128xf32>
    %min3A_433 = arith.minimumf %min3A_429, %get3A_432 : vector<8x128xf32>
    %get3A_434 = arith.constant 0 : index
    %get3A_435 = arith.constant 12928 : index
    %get3A_436 = vector.load %arg9[%get3A_434, %get3A_435] : memref<8x16384xf32, #tpu.memory_space<vmem>>, vector<8x128xf32>
    %min3A_437 = arith.minimumf %min3A_433, %get3A_436 : vector<8x128xf32>
    %get3A_438 = arith.constant 0 : index
    %get3A_439 = arith.constant 13056 : index
    %get3A_440 = vector.load %arg9[%get3A_438, %get3A_439] : memref<8x16384xf32, #tpu.memory_space<vmem>>, vector<8x128xf32>
    %min3A_441 = arith.minimumf %min3A_437, %get3A_440 : vector<8x128xf32>
    %get3A_442 = arith.constant 0 : index
    %get3A_443 = arith.constant 13184 : index
    %get3A_444 = vector.load %arg9[%get3A_442, %get3A_443] : memref<8x16384xf32, #tpu.memory_space<vmem>>, vector<8x128xf32>
    %min3A_445 = arith.minimumf %min3A_441, %get3A_444 : vector<8x128xf32>
    %get3A_446 = arith.constant 0 : index
    %get3A_447 = arith.constant 13312 : index
    %get3A_448 = vector.load %arg9[%get3A_446, %get3A_447] : memref<8x16384xf32, #tpu.memory_space<vmem>>, vector<8x128xf32>
    %min3A_449 = arith.minimumf %min3A_445, %get3A_448 : vector<8x128xf32>
    %get3A_450 = arith.constant 0 : index
    %get3A_451 = arith.constant 13440 : index
    %get3A_452 = vector.load %arg9[%get3A_450, %get3A_451] : memref<8x16384xf32, #tpu.memory_space<vmem>>, vector<8x128xf32>
    %min3A_453 = arith.minimumf %min3A_449, %get3A_452 : vector<8x128xf32>
    %get3A_454 = arith.constant 0 : index
    %get3A_455 = arith.constant 13568 : index
    %get3A_456 = vector.load %arg9[%get3A_454, %get3A_455] : memref<8x16384xf32, #tpu.memory_space<vmem>>, vector<8x128xf32>
    %min3A_457 = arith.minimumf %min3A_453, %get3A_456 : vector<8x128xf32>
    %get3A_458 = arith.constant 0 : index
    %get3A_459 = arith.constant 13696 : index
    %get3A_460 = vector.load %arg9[%get3A_458, %get3A_459] : memref<8x16384xf32, #tpu.memory_space<vmem>>, vector<8x128xf32>
    %min3A_461 = arith.minimumf %min3A_457, %get3A_460 : vector<8x128xf32>
    %get3A_462 = arith.constant 0 : index
    %get3A_463 = arith.constant 13824 : index
    %get3A_464 = vector.load %arg9[%get3A_462, %get3A_463] : memref<8x16384xf32, #tpu.memory_space<vmem>>, vector<8x128xf32>
    %min3A_465 = arith.minimumf %min3A_461, %get3A_464 : vector<8x128xf32>
    %get3A_466 = arith.constant 0 : index
    %get3A_467 = arith.constant 13952 : index
    %get3A_468 = vector.load %arg9[%get3A_466, %get3A_467] : memref<8x16384xf32, #tpu.memory_space<vmem>>, vector<8x128xf32>
    %min3A_469 = arith.minimumf %min3A_465, %get3A_468 : vector<8x128xf32>
    %get3A_470 = arith.constant 0 : index
    %get3A_471 = arith.constant 14080 : index
    %get3A_472 = vector.load %arg9[%get3A_470, %get3A_471] : memref<8x16384xf32, #tpu.memory_space<vmem>>, vector<8x128xf32>
    %min3A_473 = arith.minimumf %min3A_469, %get3A_472 : vector<8x128xf32>
    %get3A_474 = arith.constant 0 : index
    %get3A_475 = arith.constant 14208 : index
    %get3A_476 = vector.load %arg9[%get3A_474, %get3A_475] : memref<8x16384xf32, #tpu.memory_space<vmem>>, vector<8x128xf32>
    %min3A_477 = arith.minimumf %min3A_473, %get3A_476 : vector<8x128xf32>
    %get3A_478 = arith.constant 0 : index
    %get3A_479 = arith.constant 14336 : index
    %get3A_480 = vector.load %arg9[%get3A_478, %get3A_479] : memref<8x16384xf32, #tpu.memory_space<vmem>>, vector<8x128xf32>
    %min3A_481 = arith.minimumf %min3A_477, %get3A_480 : vector<8x128xf32>
    %get3A_482 = arith.constant 0 : index
    %get3A_483 = arith.constant 14464 : index
    %get3A_484 = vector.load %arg9[%get3A_482, %get3A_483] : memref<8x16384xf32, #tpu.memory_space<vmem>>, vector<8x128xf32>
    %min3A_485 = arith.minimumf %min3A_481, %get3A_484 : vector<8x128xf32>
    %get3A_486 = arith.constant 0 : index
    %get3A_487 = arith.constant 14592 : index
    %get3A_488 = vector.load %arg9[%get3A_486, %get3A_487] : memref<8x16384xf32, #tpu.memory_space<vmem>>, vector<8x128xf32>
    %min3A_489 = arith.minimumf %min3A_485, %get3A_488 : vector<8x128xf32>
    %get3A_490 = arith.constant 0 : index
    %get3A_491 = arith.constant 14720 : index
    %get3A_492 = vector.load %arg9[%get3A_490, %get3A_491] : memref<8x16384xf32, #tpu.memory_space<vmem>>, vector<8x128xf32>
    %min3A_493 = arith.minimumf %min3A_489, %get3A_492 : vector<8x128xf32>
    %get3A_494 = arith.constant 0 : index
    %get3A_495 = arith.constant 14848 : index
    %get3A_496 = vector.load %arg9[%get3A_494, %get3A_495] : memref<8x16384xf32, #tpu.memory_space<vmem>>, vector<8x128xf32>
    %min3A_497 = arith.minimumf %min3A_493, %get3A_496 : vector<8x128xf32>
    %get3A_498 = arith.constant 0 : index
    %get3A_499 = arith.constant 14976 : index
    %get3A_500 = vector.load %arg9[%get3A_498, %get3A_499] : memref<8x16384xf32, #tpu.memory_space<vmem>>, vector<8x128xf32>
    %min3A_501 = arith.minimumf %min3A_497, %get3A_500 : vector<8x128xf32>
    %get3A_502 = arith.constant 0 : index
    %get3A_503 = arith.constant 15104 : index
    %get3A_504 = vector.load %arg9[%get3A_502, %get3A_503] : memref<8x16384xf32, #tpu.memory_space<vmem>>, vector<8x128xf32>
    %min3A_505 = arith.minimumf %min3A_501, %get3A_504 : vector<8x128xf32>
    %get3A_506 = arith.constant 0 : index
    %get3A_507 = arith.constant 15232 : index
    %get3A_508 = vector.load %arg9[%get3A_506, %get3A_507] : memref<8x16384xf32, #tpu.memory_space<vmem>>, vector<8x128xf32>
    %min3A_509 = arith.minimumf %min3A_505, %get3A_508 : vector<8x128xf32>
    %get3A_510 = arith.constant 0 : index
    %get3A_511 = arith.constant 15360 : index
    %get3A_512 = vector.load %arg9[%get3A_510, %get3A_511] : memref<8x16384xf32, #tpu.memory_space<vmem>>, vector<8x128xf32>
    %min3A_513 = arith.minimumf %min3A_509, %get3A_512 : vector<8x128xf32>
    %get3A_514 = arith.constant 0 : index
    %get3A_515 = arith.constant 15488 : index
    %get3A_516 = vector.load %arg9[%get3A_514, %get3A_515] : memref<8x16384xf32, #tpu.memory_space<vmem>>, vector<8x128xf32>
    %min3A_517 = arith.minimumf %min3A_513, %get3A_516 : vector<8x128xf32>
    %get3A_518 = arith.constant 0 : index
    %get3A_519 = arith.constant 15616 : index
    %get3A_520 = vector.load %arg9[%get3A_518, %get3A_519] : memref<8x16384xf32, #tpu.memory_space<vmem>>, vector<8x128xf32>
    %min3A_521 = arith.minimumf %min3A_517, %get3A_520 : vector<8x128xf32>
    %get3A_522 = arith.constant 0 : index
    %get3A_523 = arith.constant 15744 : index
    %get3A_524 = vector.load %arg9[%get3A_522, %get3A_523] : memref<8x16384xf32, #tpu.memory_space<vmem>>, vector<8x128xf32>
    %min3A_525 = arith.minimumf %min3A_521, %get3A_524 : vector<8x128xf32>
    %get3A_526 = arith.constant 0 : index
    %get3A_527 = arith.constant 15872 : index
    %get3A_528 = vector.load %arg9[%get3A_526, %get3A_527] : memref<8x16384xf32, #tpu.memory_space<vmem>>, vector<8x128xf32>
    %min3A_529 = arith.minimumf %min3A_525, %get3A_528 : vector<8x128xf32>
    %get3A_530 = arith.constant 0 : index
    %get3A_531 = arith.constant 16000 : index
    %get3A_532 = vector.load %arg9[%get3A_530, %get3A_531] : memref<8x16384xf32, #tpu.memory_space<vmem>>, vector<8x128xf32>
    %min3A_533 = arith.minimumf %min3A_529, %get3A_532 : vector<8x128xf32>
    %get3A_534 = arith.constant 0 : index
    %get3A_535 = arith.constant 16128 : index
    %get3A_536 = vector.load %arg9[%get3A_534, %get3A_535] : memref<8x16384xf32, #tpu.memory_space<vmem>>, vector<8x128xf32>
    %min3A_537 = arith.minimumf %min3A_533, %get3A_536 : vector<8x128xf32>
    %get3A_538 = arith.constant 0 : index
    %get3A_539 = arith.constant 16256 : index
    %get3A_540 = vector.load %arg9[%get3A_538, %get3A_539] : memref<8x16384xf32, #tpu.memory_space<vmem>>, vector<8x128xf32>
    %min3A_541 = arith.minimumf %min3A_537, %get3A_540 : vector<8x128xf32>
    %swap3A_542 = arith.constant 0 : index
    %swap3A_543 = arith.constant 0 : index
    %swap3A_544 = vector.load %arg10[%swap3A_542, %swap3A_543] : memref<8x128xf32, #tpu.memory_space<vmem>>, vector<8x128xf32>
    tpu.vector_store %arg10[%swap3A_542, %swap3A_543], %min3A_541 {strides = array<i32>} : memref<8x128xf32, #tpu.memory_space<vmem>>, vector<8x128xf32>,
    return
  }
  func.func @transform_0(%arg0: i32) -> (i32, i32) {
    %c0_i32 = arith.constant 0 : i32
    %c0_i32_0 = arith.constant 0 : i32
    %c0_i32_1 = arith.constant 0 : i32
    return %c0_i32, %c0_i32_0 : i32, i32
  }
  func.func @transform_1(%arg0: i32) -> (i32, i32) {
    %c0_i32 = arith.constant 0 : i32
    %c0_i32_0 = arith.constant 0 : i32
    %c0_i32_1 = arith.constant 0 : i32
    return %c0_i32, %c0_i32_0 : i32, i32
  }
  func.func @transform_2(%arg0: i32) -> (i32, i32) {
    %c0_i32 = arith.constant 0 : i32
    %c0_i32_0 = arith.constant 0 : i32
    %c0_i32_1 = arith.constant 0 : i32
    return %c0_i32, %c0_i32_0 : i32, i32
  }
  func.func @transform_3(%arg0: i32) -> (i32, i32) {
    %c0_i32 = arith.constant 0 : i32
    %c0_i32_0 = arith.constant 0 : i32
    %c0_i32_1 = arith.constant 0 : i32
    return %c0_i32, %c0_i32_0 : i32, i32
  }
  func.func @transform_4(%arg0: i32) -> (i32, i32) {
    %c0_i32 = arith.constant 0 : i32
    %c0_i32_0 = arith.constant 0 : i32
    %c0_i32_1 = arith.constant 0 : i32
    return %c0_i32, %c0_i32_0 : i32, i32
  }
  func.func @transform_5(%arg0: i32) -> (i32, i32) {
    %c0_i32 = arith.constant 0 : i32
    %c0_i32_0 = arith.constant 0 : i32
    %c0_i32_1 = arith.constant 0 : i32
    return %c0_i32, %c0_i32_0 : i32, i32
  }
  func.func @transform_6(%arg0: i32) -> (i32, i32) {
    %c0_i32 = arith.constant 0 : i32
    %c0_i32_0 = arith.constant 0 : i32
    %c0_i32_1 = arith.constant 0 : i32
    return %c0_i32, %c0_i32_0 : i32, i32
  }
  func.func @transform_7(%arg0: i32) -> (i32, i32) {
    %c0_i32 = arith.constant 0 : i32
    %c0_i32_0 = arith.constant 0 : i32
    %c0_i32_1 = arith.constant 0 : i32
    return %c0_i32, %c0_i32_0 : i32, i32
  }
  func.func @transform_8(%arg0: i32) -> (i32, i32) {
    %c0_i32 = arith.constant 0 : i32
    %c0_i32_0 = arith.constant 0 : i32
    return %arg0, %c0_i32 : i32, i32
  }
  func.func @transform_9(%arg0: i32) -> (i32, i32) {
    %c0_i32 = arith.constant 0 : i32
    %c0_i32_0 = arith.constant 0 : i32
    return %arg0, %c0_i32 : i32, i32
  }
}

</mosaic_0001>

<sc_bundles>
// kernel: kernel.4.cloned.1.call-start
scs
__scs_entry_jumppad:
0x0: {  	(pc) =	sbr.rel $0x88, $3  }
0x1: {  	(tag) =	ssettag $0x0;
	lr =	simm.s32 $0x1  }
0x2: {  	[smem:$0x3FA0] =	sst lr;
	_ =	strace $0xD0000000  }
0x3: {  	_ = 	snop  }
0x4: {  	_ = 	snop  }
0x5: {  	_ = 	snop  }
0x6: {  	_ = 	snop  }
0x7: {  	_ = 	snop  }
__scs_overlays_trampoline_lowered:
0x8: {  	[smem:$0x3FAF] =	sst s0  }
0x9: {  	[smem:$0x3FB0] =	sst s1  }
0xa: {  	[smem:$0x3FB1] =	sst s2  }
0xb: {  	[smem:$0x3FB2] =	sst s3  }
0xc: {  	[smem:$0x3FB3] =	sst s4  }
0xd: {  	[smem:$0x3FB4] =	sst s5  }
0xe: {  	[smem:$0x3FB5] =	sst s6  }
0xf: {  	[smem:$0x3FB6] =	sst s7  }
0x10: {  	[smem:$0x3FB7] =	sst s8  }
0x11: {  	[smem:$0x3FB8] =	sst s9;
	s0 =	simm.s32 @!p0 $0x0  }
0x12: {  	s1 =	sld [smem:$0x3F9E];
	s0 =	simm.s32 @p0 $0x1  }
0x13: {  	[smem:$0x3FB9] =	sst s0;
	s0 =	simm.s32 @!p1 $0x0  }
0x14: {  	s2 =	sld [smem:$0x3F9D];
	s0 =	simm.s32 @p1 $0x1  }
0x15: {  	[smem:$0x3FBA] =	sst s0;
	s0 =	simm.s32 @!p2 $0x0  }
0x16: {  	s3 =	sld [smem:$0x3FDB];
	s0 =	simm.s32 @p2 $0x1  }
0x17: {  	s4 =	simm.s32 $0x1BF5;
	[smem:$0x3FBC] =	sst s0  }
0x18: {  	s0 =	sld [smem:$0x3F9F];
	_ =	swait.ge [sflag:s4], $0x0  }
0x19: {  	s7 =	sld [smem:$0x3FA0]  }
0x1a: {  	s8 =	sadd.s32 $0xFFFFE003, lr  }
0x1b: {  	s9 =	sadd.s32 $0xFFFFFEF7, lr;
	s5 =	simm.s32 $0xFFFFFFFF;
	p2 =	slt.u32 s8, $0xFFFFF086  }
0x1c: {  	p1 =	slt.u32 s9, $0xF7A;
	s5 =	simm.s32 @!p2 $0x0  }
0x1d: {  	s5 =	simm.s32 @p1 $0x1;
	p0 =	seq.s32 s7, s2  }
0x1e: {  	s7 =	smul.u32 @!p0 $0xF7A, s2;
	p2 =	seq.s32 @!p0 s5, $0x0  }
0x1f: {  	s9 =	smul.u32 $0xF7A, s1;
	s8 =	simm.s32 @!p0 $0x1BF5;
	p2 =	por !p2, p0  }
0x20: {  	[sflag:s8] =	ssyncset.s32 @!p0 $0xFFFFF086;
	s6 =	sadd.s32 @!p0 s3, s7;
	s7 =	simm.s32 @!p0 $0x108  }
0x21: {  	s3 =	sadd.s32 s3, s9;
	s6 =	sadd.s32 @!p0 $0x88, s6;
	s7 =	simm.s32 @p2 $0x1082  }
0x22: {  	[simem:s7], [sflag:s8] =	dma.local @!p0 [hbm:s6], $0xF7A  }
0x23: {  	s9 =	sor.u32 $0xD0000000, s2;
	s6 =	simm.s32 $0x108;
	_ =	swait.ge @!p0 [sflag:s8], $0x0  }
0x24: {  	s3 =	sadd.s32 $0x88, s3;
	s6 =	simm.s32 @!p1 $0x1082;
	[sflag:s4] =	ssyncset.s32 $0xFFFFF086  }
0x25: {  	[simem:s6], [sflag:s4] =	dma.local [hbm:s3], $0xF7A  }
0x26: {  	[smem:$0x3FA0] =	sst s1;
	(tag) =	ssettag s2;
	_ =	strace s9  }
0x27: {  	s1 =	sld [smem:$0x3FB0]  }
0x28: {  	s2 =	sld [smem:$0x3FB1]  }
0x29: {  	s4 =	sld [smem:$0x3FB3]  }
0x2a: {  	p0 =	seq.s32 s5, $0x0;
	s5 =	sld [smem:$0x3FB4]  }
0x2b: {  	s6 =	sld [smem:$0x3FB5]  }
0x2c: {  	s7 =	sld [smem:$0x3FB6]  }
0x2d: {  	s3 =	simm.s32 $0x108;
	s8 =	sld [smem:$0x3FB7]  }
0x2e: {  	s3 =	simm.s32 @!p0 $0x1082;
	s9 =	sld [smem:$0x3FB8]  }
0x2f: {  	lr =	sadd.s32 s0, s3;
	s0 =	sld [smem:$0x3FAF]  }
0x30: {  	s3 =	sld [smem:$0x3FB2]  }
0x31: {  	[smem:$0x3FBB] =	sst s10  }
0x32: {  	s10 =	sld [smem:$0x3FB9];
	_ =	sdelay $0x3  }
0x33: {  	p0 =	seq.s32 s10, $0x1;
	s10 =	sld [smem:$0x3FBB];
	_ =	sdelay $0x3  }
0x34: {  	[smem:$0x3FBB] =	sst s10  }
0x35: {  	s10 =	sld [smem:$0x3FBA];
	_ =	sdelay $0x3  }
0x36: {  	p1 =	seq.s32 s10, $0x1;
	s10 =	sld [smem:$0x3FBB];
	_ =	sdelay $0x3  }
0x37: {  	[smem:$0x3FBB] =	sst s10  }
0x38: {  	s10 =	sld [smem:$0x3FBC]  }
0x39: {  	_ = 	snop;
	(pc) =	sbr.ind lr, $3  }
0x3a: {  	_ = 	snop  }
0x3b: {  	_ = 	snop  }
0x3c: {  	p2 =	seq.s32 s10, $0x1;
	s10 =	sld [smem:$0x3FBB]  }
0x3d: {  	_ =	shalt  }
0x3e: {  	_ =	shalt  }
0x3f: {  	_ =	shalt  }
0x40: {  	_ =	shalt  }
0x41: {  	_ =	shalt  }
0x42: {  	_ =	shalt  }
0x43: {  	_ =	shalt  }
0x44: {  	_ =	shalt  }
0x45: {  	_ =	shalt  }
0x46: {  	_ =	shalt  }
0x47: {  	_ =	shalt  }
0x48: {  	_ =	shalt  }
0x49: {  	_ =	shalt  }
0x4a: {  	_ =	shalt  }
0x4b: {  	_ =	shalt  }
0x4c: {  	_ =	shalt  }
0x4d: {  	_ =	shalt  }
0x4e: {  	_ =	shalt  }
0x4f: {  	_ =	shalt  }
0x50: {  	_ =	shalt  }
0x51: {  	_ =	shalt  }
0x52: {  	_ =	shalt  }
0x53: {  	_ =	shalt  }
0x54: {  	_ =	shalt  }
0x55: {  	_ =	shalt  }
0x56: {  	_ =	shalt  }
0x57: {  	_ =	shalt  }
0x58: {  	_ =	shalt  }
0x59: {  	_ =	shalt  }
0x5a: {  	_ =	shalt  }
0x5b: {  	_ =	shalt  }
0x5c: {  	_ =	shalt  }
0x5d: {  	_ =	shalt  }
0x5e: {  	_ =	shalt  }
0x5f: {  	_ =	shalt  }
0x60: {  	_ =	shalt  }
0x61: {  	_ =	shalt  }
0x62: {  	_ =	shalt  }
0x63: {  	_ =	shalt  }
0x64: {  	_ =	shalt  }
0x65: {  	_ =	shalt  }
0x66: {  	_ =	shalt  }
0x67: {  	_ =	shalt  }
0x68: {  	_ =	shalt  }
0x69: {  	_ =	shalt  }
0x6a: {  	_ =	shalt  }
0x6b: {  	_ =	shalt  }
0x6c: {  	_ =	shalt  }
0x6d: {  	_ =	shalt  }
0x6e: {  	_ =	shalt  }
0x6f: {  	_ =	shalt  }
0x70: {  	_ =	shalt  }
0x71: {  	_ =	shalt  }
0x72: {  	_ =	shalt  }
0x73: {  	_ =	shalt  }
0x74: {  	_ =	shalt  }
0x75: {  	_ =	shalt  }
0x76: {  	_ =	shalt  }
0x77: {  	_ =	shalt  }
0x78: {  	_ =	shalt  }
0x79: {  	_ =	shalt  }
0x7a: {  	_ =	shalt  }
0x7b: {  	_ =	shalt  }
0x7c: {  	_ =	shalt  }
0x7d: {  	_ =	shalt  }
0x7e: {  	_ =	shalt  }
0x7f: {  	_ =	shalt  }
0x80: {  	_ =	shalt  }
0x81: {  	_ =	shalt  }
0x82: {  	_ =	shalt  }
0x83: {  	_ =	shalt  }
0x84: {  	_ =	shalt  }
0x85: {  	_ =	shalt  }
0x86: {  	_ =	shalt  }
0x87: {  	_ =	shalt  }
.Lfunc_end0:
.L_simem_size_0:
called_computation_lowered:
.L_overlay_start_0:
0x88: {  	s2 =	sld [smem:$0x3FD9]  }
0x89: {  	s3 =	sld [smem:$0x3FFE];
	_ =	sdelay $0x1  }
0x8a: {  	s1 =	srdreg.scid  }
0x8b: {  	s0 =	sand.u32 $0x1, s1  }
0x8c: {  	s14 =	sshll.u32 s0, $0xA;
	s2 =	sadd.s32 s3, s2  }
0x8d: {  	s2 =	sadd.s32 s2, s14  }
0x8e: {  	[smem:$0x3FC7] =	sst s2  }
0x8f: {  	_ = 	snop  }
0x90: {  	s2 =	sld [smem:$0x3FD0];
	_ =	sdelay $0x2  }
0x91: {  	s15 =	simm.s32 $0xA;
	s4 =	simm.s32 $0x10  }
0x92: {  	[smem:s4], [sflag:s15] =	dma.local [hbm:s2], $0x1  }
0x93: {  	_ =	swait.eq [sflag:s15], $0x1  }
0x94: {  	s16 =	sld [smem:$0x10];
	[sflag:s15] =	ssyncset.done $0x0  }
0x95: {  	s17 =	sld [smem:$0x12];
	[sflag:s15] =	ssyncadd.s32 $0xFFFFFFFF  }
0x96: {  	s18 =	sld [smem:$0x13];
	(tm) =	ssettm $0x1  }
0x97: {  	s5 =	sld [smem:$0x3FFB];
	_ =	sdelay $0x3  }
0x98: {  	_ =	strace s5  }
0x99: {  	s5 =	sld [smem:$0x3FFC];
	_ =	sdelay $0x3  }
0x9a: {  	_ =	strace s5  }
0x9b: {  	s5 =	sld [smem:$0x3FFD];
	_ =	sdelay $0x3  }
0x9c: {  	_ =	strace s5  }
0x9d: {  	_ =	strace $0x8FFFFFFF  }
0x9e: {  	s19 =	sld [smem:$0x3FDB];
	_ =	sdelay $0x1  }
0x9f: {  	s6 =	simm.s32 $_scs_section_size  }
0xa0: {  	s7 =	simm.s32 $_size__tile_overlayer_lowered;
	s8 =	simm.s32 $_tile_overlayer_lowered  }
0xa1: {  	s22 =	simm.s32 $0x1BFF;
	s21 =	sshll.u32 s8, $0x1;
	s5 =	sadd.s32 s6, s19  }
0xa2: {  	s9 =	simm.s32 $0x0;
	s20 =	sshll.u32 s7, $0x1;
	s7 =	sadd.s32 s21, s5  }
0xa3: {  	[timem:s9], [sflag:s22] =	dma.local [hbm:s7], s20  }
0xa4: {  	_ =	swait.ge [sflag:s22], s20  }
0xa5: {  	s6 =	ssub.s32 $0x0, s20;
	[sflag:s22] =	ssyncset.done $0x0  }
0xa6: {  	[sflag:s22] =	ssyncadd.s32 s6;
	_ =	sdelay $0x1  }
0xa7: {  	s23 =	simm.s32 $0x1B8B  }
0xa8: {  	_ =	swait.ge [sflag:s23], $0x1  }
0xa9: {  	[sflag:s23] =	ssyncset.done $0x0  }
0xaa: {  	s25 =	simm.s32 $0x1B8E;
	s24 =	sld [smem:$0x3FFE];
	[sflag:s23] =	ssyncadd.s32 $0xFFFFFFFF  }
0xab: {  	s26 =	simm.s32 $execute0_lowered;
	[smem:$0x3FD2] =	sst s25  }
0xac: {  	s7 =	sshll.u32 s26, $0x1;
	_ =	strace $0x80000046;
	[dreg:$0x1] =	wrdreg $0xFFFFFFFF  }
0xad: {  	s28 =	simm.s32 $_size_execute0_lowered;
	s5 =	sadd.s32 s5, s7;
	[dreg:$0x0] =	wrdreg $0x0  }
0xae: {  	s7 =	sshll.u32 s28, $0x1;
	[dreg:$0x2] =	wrdreg s5  }
0xaf: {  	[dreg:$0x3] =	wrdreg s7  }
0xb0: {  	[dreg:$0x4] =	wrdreg $0xC0  }
0xb1: {  	_ =	task [dreg:s9], $0x5FFFF  }
0xb2: {  	[dreg:$0x1] =	wrdreg $0xFFFFFFFF  }
0xb3: {  	[dreg:$0x0] =	wrdreg $0x60  }
0xb4: {  	[dreg:$0x2] =	wrdreg s24  }
0xb5: {  	[dreg:$0x3] =	wrdreg s17  }
0xb6: {  	[dreg:$0x4] =	wrdreg s16  }
0xb7: {  	[dreg:$0x5] =	wrdreg s18  }
0xb8: {  	[dreg:$0x6] =	wrdreg $0x9  }
0xb9: {  	_ =	task.clear_ibuf [dreg:s9], $0x7FFFF;
	_ =	strace $0x90000046  }
0xba: {  	s29 =	simm.s32 $0x9;
	_ =	strace $0x80000048  }
0xbb: {  	_ =	swait.ge [sflag:s29], $0x1  }
0xbc: {  	[sflag:s29] =	ssyncadd.s32 $0xFFFFFFFF  }
0xbd: {  	_ =	strace $0x90000048  }
0xbe: {  	_ =	sfence  }
0xbf: {  	s30 =	sld [smem:$0x0];
	_ =	sdelay $0x2  }
0xc0: {  	s31 =	sshll.u32 s1, $0xD;
	s1 =	sshrl.u32 s1, $0x2  }
0xc1: {  	s3 =	sand.u32 $0x4000, s31;
	s1 =	sadd.s32 s1, s30  }
0xc2: {  	s0 =	sor.u32 s3, s0;
	s1 =	sshll.u32 s1, $0x11  }
0xc3: {  	s0 =	sor.u32 s1, s0  }
0xc4: {  	s0 =	sadd.s32 $0x8F2B, s0  }
0xc5: {  	[sflag:s0] =	ssyncadd.remote.s32 $0x1  }
0xc6: {  	_ =	sfence.sel $0xFFFF  }
0xc7: {  	[dreg:$0x0] =	wrdreg $0xFFFFFFFF;
	(pc) =	sbr.abs _section_cstart, $3  }
0xc8: {  	[dreg:$0x1] =	wrdreg $0xFFFFFFFF  }
0xc9: {  	_ =	task.clear_ibuf [dreg:s9], $0x2FFFF;
	_ =	strace $0x9FFFFFFF  }
0xca: {  	(tm) =	ssettm $0x7FFFFFFF  }
0xcb: {  	_ =	shalt  }
tec
execute0_lowered:
.L_overlay_start_1:
0x0: {  	(tag) =	ssettag $0x1  }
0x1: {  	s0 =	rddreg [dreg:$0x0]  }
0x2: {  	s1 =	rddreg [dreg:$0x3]  }
0x3: {  	s3 =	simm.s32 $0x0;
	s23 =	srdreg.scid;
	s7 =	stileid.u32  }
0x4: {  	s14 =	simm.s32 $0x4000;
	s15 =	simm.s32 $0x8000;
	s17 =	simm.s32 $0x1  }
0x5: {  	s18 =	simm.s32 $0x2;
	s11 =	simm.s32 $0x3;
	s12 =	simm.s32 $0x4  }
0x6: {  	s21 =	simm.s32 $0x80;
	s22 =	simm.s32 $0x400;
	s28 =	simm.s32 $0x14080  }
0x7: {  	s29 =	simm.s32 $0x14880;
	s30 =	simm.s32 $0x14900;
	s31 =	simm.s32 $0x14980  }
0x8: {  	[smem:$0x7FF] =	sst s3;
	s4 =	sadd.s32 $0x1800, s0;
	s2 =	sadd.s32 $0x1000, s0  }
0x9: {  	_ =	strace $0x80000047;
	[dreg:$0x5] =	wrdreg s2;
	s2 =	sand.u32 $0x1, s23  }
0xa: {  	s7 =	sshll.u32 s7, $0x5;
	s5 =	ssub.s32 $0x2, s2;
	s2 =	sshll.u32 s2, $0x4  }
0xb: {  	s6 =	sadd.s32 $0x101800, s0;
	s8 =	sadd.s32 $0x105800, s0;
	s10 =	sor.u32 s2, s7  }
0xc: {  	s9 =	sadd.s32 $0x103800, s0;
	s24 =	sshrl.u32 s5, $0x1;
	s2 =	sshrl.u32 s10, $0x3  }
.Ltmp0:
0xd: {  	v0 =	vlaneseq.u32;
	s25 =	sshll.u32 s10, $0xB;
	s1 =	sadd.s32 s1, s2;
	(pc) =	sbr.rel .LBB2_1-.Ltmp0, $4  }
0xe: {  	v2 =	vmul.u32 $0xFFFFFFFF, v0;
	v1 =	vmul.u32 $0x3, v0;
	s0 =	ssub.s32 s5, s24;
	s26 =	sadd.s32 s4, s25;
	[dreg:$0x6] =	wrdreg s1  }
0xf: {  	v3 =	vimm.f32 $0.0e+00;
	v4 =	vimm.f32 $+Inf;
	s13 =	simm.s32 $0x0;
	s0 =	smax.u32 s0, $0x1;
	[dreg:$0x7] =	wrdreg s26  }
0x10: {  	v2 =	vadd.s32 $0xF, v2;
	v5 =	vadd.s32 $0x30, v1;
	v6 =	vadd.s32 $0x1, v1;
	s25 =	simm.s32 $0x14000;
	s2 =	simm.s32 $0x14B00;
	[dreg:$0x8] =	wrdreg s0  }
0x11: {  	v7 =	vadd.s32 $0x31, v1;
	v8 =	vadd.s32 $0x2, v1;
	v9 =	vadd.s32 $0x32, v1;
	s26 =	simm.s32 $0x7;
	s0 =	simm.s32 $0x14B80;
	s1 =	simm.s32 $0x14C00  }
.LBB2_33:
0x12: {  	s11 =	simm.s32 $0x3  }
0x13: {  	_ =	swait.ge [sflag:s11], $0x80  }
0x14: {  	[sflag:s11] =	ssyncset.done $0x0  }
0x15: {  	s5 =	simm.s32 $0x5;
	[sflag:s11] =	ssyncadd.s32 $0xFFFFFF80  }
0x16: {  	_ =	swait.ge [sflag:s5], $0x80  }
0x17: {  	[sflag:s5] =	ssyncset.done $0x0  }
0x18: {  	s12 =	simm.s32 $0x4;
	[sflag:s5] =	ssyncadd.s32 $0xFFFFFF80  }
0x19: {  	_ =	swait.ge [sflag:s12], $0x80  }
0x1a: {  	[sflag:s12] =	ssyncset.done $0x0  }
0x1b: {  	s7 =	simm.s32 $0x6;
	[sflag:s12] =	ssyncadd.s32 $0xFFFFFF80  }
0x1c: {  	_ =	swait.ge [sflag:s7], $0x80  }
0x1d: {  	s13 =	rddreg [dreg:$0x9]  }
0x1e: {  	s24 =	rddreg [dreg:$0x8];
	s13 =	sadd.s32 $0x1, s13  }
0x1f: {  	p0 =	sne.s32 s13, s24  }
.Ltmp1:
0x20: {  	_ = 	snop;
	(pc) =	sbr.rel @!p0 .LBB2_34-.Ltmp1, $3  }
0x21: {  	_ =	sdelay $0x1  }
0x22: {  	[sflag:s7] =	ssyncset.done $0x0  }
0x23: {  	[sflag:s7] =	ssyncadd.s32 $0xFFFFFF80  }
.LBB2_1:
0x24: {  	[dreg:$0x9] =	wrdreg s13  }
0x25: {  	s5 =	rddreg [dreg:$0x1]  }
0x26: {  	[tilespmem:s3], [sflag:$0x1] =	stream.linear.gather [hbm4b:s5+s3], $0x4000, $0x38;
	[tilespmem:$0x14C80] =	vst v63  }
0x27: {  	s16 =	rddreg [dreg:$0x2]  }
0x28: {  	[tilespmem:s14], [sflag:$0x2] =	stream.linear.gather [hbm4b:s16+s3], $0x4000, $0x38;
	[tilespmem:$0x14C80] =	vst v63  }
0x29: {  	s19 =	rddreg [dreg:$0x5]  }
0x2a: {  	[tilespmem:s15], [sflag:$0x3] =	stream.linear.gather [hbm4b:s19+s3], $0x4000, $0x38;
	[tilespmem:$0x14C80] =	vst v63  }
0x2b: {  	s20 =	rddreg [dreg:$0x6];
	s7 =	simm.s32 $0x14A00  }
0x2c: {  	[tilespmem:s7], [sflag:$0x4] =	stream.linear.gather [hbm4b:s20+s3], $0x10, $0x38;
	[tilespmem:$0x14C80] =	vst v63  }
0x2d: {  	_ =	swait.ge [sflag:s17], $0x4000  }
0x2e: {  	[sflag:s17] =	ssyncset.done $0x0  }
0x2f: {  	[sflag:s17] =	ssyncadd.s32 $0xFFFFC000  }
0x30: {  	_ =	swait.ge [sflag:s18], $0x4000  }
0x31: {  	[sflag:s18] =	ssyncset.done $0x0  }
0x32: {  	[sflag:s18] =	ssyncadd.s32 $0xFFFFC000  }
0x33: {  	_ =	swait.ge [sflag:s11], $0x4000  }
0x34: {  	[sflag:s11] =	ssyncset.done $0x0  }
0x35: {  	[sflag:s11] =	ssyncadd.s32 $0xFFFFC000  }
0x36: {  	_ =	swait.ge [sflag:s12], $0x10  }
0x37: {  	[sflag:s12] =	ssyncset.done $0x0  }
0x38: {  	[sflag:s12] =	ssyncadd.s32 $0xFFFFFFF0  }
0x39: {  	v10 =	vld [tilespmem:$0x14A00];
	_ =	sdelay $0x7  }
0x3a: {  	v11 =	vld.idx.msk [tilespmem:v10+s3+$0x0], $0xffff;
	_ =	sdelay $0x4  }
0x3b: {  	[tilespmem:$0x14880] =	vst v11  }
0x3c: {  	v11 =	vld.idx.msk [tilespmem:v10+s14+$0x0], $0xffff;
	_ =	sdelay $0x4  }
0x3d: {  	[tilespmem:$0x14900] =	vst v11  }
0x3e: {  	v10 =	vld.idx.msk [tilespmem:v10+s15+$0x0], $0xffff;
	_ =	sdelay $0x1  }
.Ltmp2:
0x3f: {  	_ = 	snop;
	(pc) =	sbr.rel .LBB2_2-.Ltmp2, $3  }
0x40: {  	_ =	sdelay $0x1  }
0x41: {  	s24 =	simm.s32 $0xC000;
	s23 =	rddreg [dreg:$0x7];
	s12 =	simm.s32 $0x0;
	[tilespmem:$0x14980] =	vst v10  }
0x42: {  	[tilespmem:s24], [sflag:$0x1] =	stream.strided.gather [hbm4b:s23+s21], $0x4000, s22, s21, $0x38;
	[tilespmem:$0x14C80] =	vst v63  }
.LBB2_32:
0x43: {  	_ =	sdelay $0x1  }
0x44: {  	v12 =	vmov s16;
	_ =	sdelay $0x1  }
0x45: {  	v15 =	vld.idx.msk [tilespmem:v11+s3+$0x0], $0xffff  }
0x46: {  	v16 =	vld.idx.msk [tilespmem:v10+s3+$0x0], $0xffff  }
0x47: {  	v17 =	vld.idx.msk [tilespmem:v11+s14+$0x0], $0xffff  }
0x48: {  	v13 =	vld.idx.msk [tilespmem:v12+s29+$0x0], $0xffff  }
0x49: {  	v18 =	vld.idx.msk [tilespmem:v10+s14+$0x0], $0xffff  }
0x4a: {  	v14 =	vld.idx.msk [tilespmem:v12+s30+$0x0], $0xffff  }
0x4b: {  	v19 =	vld.idx.msk [tilespmem:v11+s15+$0x0], $0xffff  }
0x4c: {  	v12 =	vld.idx.msk [tilespmem:v12+s31+$0x0], $0xffff  }
0x4d: {  	v20 =	vld.idx.msk [tilespmem:v10+s15+$0x0], $0xffff;
	v15 =	vsub.f32 v15, v13  }
0x4e: {  	v13 =	vsub.f32 v16, v13  }
0x4f: {  	v62 =	vsub.f32 v17, v14;
	[tilespmem:v1+s1+$0x0] =	vst.idx.msk $0xffff, v15  }
0x50: {  	v14 =	vsub.f32 v18, v14;
	[tilespmem:v5+s1+$0x0] =	vst.idx.msk $0xffff, v13  }
0x51: {  	v63 =	vsub.f32 v19, v12;
	[tilespmem:v6+s1+$0x0] =	vst.idx.msk $0xffff, v62  }
0x52: {  	v12 =	vsub.f32 v20, v12;
	[tilespmem:v7+s1+$0x0] =	vst.idx.msk $0xffff, v14  }
0x53: {  	s12 =	sadd.s32 $0x1, s12;
	[tilespmem:v8+s1+$0x0] =	vst.idx.msk $0xffff, v63  }
0x54: {  	p0 =	sne.s32 s12, $0x8;
	[tilespmem:v9+s1+$0x0] =	vst.idx.msk $0xffff, v12  }
.Ltmp3:
0x55: {  	[tilespmem:$0x14B00] =	vst v11;
	(pc) =	sbr.rel @!p0 .LBB2_33-.Ltmp3, $4  }
0x56: {  	s5 =	sadd.s32 s8, s13;
	[tilespmem:$0x14B10] =	vst v10  }
0x57: {  	[hbm4b:s5+s3] =	stream.linear.scatter [tilespmem:s2], [sflag:$0x4], $0x80, $0x38;
	[tilespmem:$0x14C80] =	vst v63  }
0x58: {  	s24 =	sadd.s32 s9, s13  }
0x59: {  	[hbm4b:s24+s3] =	stream.linear.scatter [tilespmem:s1], [sflag:$0x6], $0x80, $0x38;
	[tilespmem:$0x14C80] =	vst v63  }
.LBB2_2:
0x5a: {  	_ =	swait.ge [sflag:s17], $0x4000  }
0x5b: {  	p0 =	seq.s32 s12, $0x0;
	[sflag:s17] =	ssyncset.done $0x0  }
0x5c: {  	s13 =	sshll.u32 s12, $0x1;
	s5 =	simm.s32 @!p0 $0x3;
	[sflag:s17] =	ssyncadd.s32 $0xFFFFC000  }
0x5d: {  	s7 =	sshll.u32 s12, $0x5;
	s23 =	simm.s32 $0x10000;
	_ =	swait.ge @!p0 [sflag:s5], $0x80  }
0x5e: {  	s11 =	sor.u32 s10, s13;
	s7 =	sand.u32 $0x60, s7;
	[sflag:s5] =	ssyncset.done @!p0 $0x0  }
0x5f: {  	s16 =	sshll.u32 s11, $0xB;
	[sflag:s5] =	ssyncadd.s32 @!p0 $0xFFFFFF80;
	s5 =	simm.s32 @!p0 $0x5  }
0x60: {  	s19 =	sadd.s32 s7, s4;
	s16 =	sand.u32 $0xFC000, s16;
	_ =	swait.ge @!p0 [sflag:s5], $0x80  }
0x61: {  	s24 =	sshll.u32 s11, $0x4;
	s16 =	sadd.s32 s16, s19;
	[sflag:s5] =	ssyncset.done @!p0 $0x0  }
0x62: {  	s20 =	sadd.s32 $0x10, s16;
	[sflag:s5] =	ssyncadd.s32 @!p0 $0xFFFFFF80;
	s5 =	sand.u32 $0x1F80, s24  }
0x63: {  	[tilespmem:s23], [sflag:$0x2] =	stream.strided.gather [hbm4b:s20+s21], $0x4000, s22, s21, $0x38;
	[tilespmem:$0x14C80] =	vst v63  }
0x64: {  	s16 =	sor.u32 s7, s5  }
0x65: {  	s19 =	simm.s32 $0x0;
	s5 =	sadd.s32 s6, s16  }
0x66: {  	[tilespmem:s25], [sflag:$0x7] =	stream.linear.gather [hbm4b:s5+s19], $0x80, $0x38;
	[tilespmem:$0x14C80] =	vst v63  }
0x67: {  	_ =	swait.ge [sflag:s26], $0x80  }
0x68: {  	[sflag:s26] =	ssyncset.done $0x0  }
0x69: {  	[sflag:s26] =	ssyncadd.s32 $0xFFFFFF80  }
0x6a: {  	v10 =	vld [tilespmem:$0x14000]  }
0x6b: {  	v11 =	vld [tilespmem:$0x14040]  }
0x6c: {  	v12 =	vld [tilespmem:$0x14010]  }
0x6d: {  	v13 =	vld [tilespmem:$0x14050]  }
0x6e: {  	v14 =	vld [tilespmem:$0x14020]  }
0x6f: {  	v15 =	vld [tilespmem:$0x14060]  }
0x70: {  	v16 =	vld [tilespmem:$0x14030]  }
0x71: {  	v17 =	vld [tilespmem:$0x14070];
	_ =	sdelay $0x1  }
0x72: {  	v10 =	vmin.f32 v10, v11  }
0x73: {  	v11 =	vmin.f32 v12, v13;
	(xrf1) =	vsort.ascd.msk.f32 $0xffff, v10, v10  }
0x74: {  	v10 =	vmin.f32 v14, v15;
	(xrf1) =	vsort.ascd.msk.f32 $0xffff, v11, v11  }
0x75: {  	v11 =	vmin.f32 v16, v17;
	(xrf1) =	vsort.ascd.msk.f32 $0xffff, v10, v10  }
0x76: {  	(xrf1) =	vsort.ascd.msk.f32 $0xffff, v11, v11;
	_ =	sdelay $0xa  }
0x77: {  	v10, _, _ =	vpop (xrf1)  }
0x78: {  	v11, _, _ =	vpop (xrf1)  }
0x79: {  	v62, _, _ =	vpop (xrf1)  }
0x7a: {  	v63, _, _ =	vpop (xrf1)  }
0x7b: {  	v11 =	vperm.xlane v11, v2;
	v13 =	vperm.xlane v63, v2;
	_ =	sdelay $0x1  }
0x7c: {  	v10 =	vmin.f32 v10, v11;
	v11 =	vmin.f32 v62, v13  }
0x7d: {  	v10 =	vmax.f32 v10, v11  }
0x7e: {  	(xrf0) =	vmax.scan.msk.f32 $0xffff, v10;
	_ =	sdelay $0x2  }
.Ltmp4:
0x7f: {  	_ = 	snop;
	(pc) =	sbr.rel .LBB2_3-.Ltmp4, $3  }
0x80: {  	_ =	sdelay $0x1  }
0x81: {  	v10, _, _ =	vpop (xrf0)  }
0x82: {  	s7 =	simm.s32 $0x70;
	s20 =	simm.s32 $0xC040;
	v10 =	vbroadcast v10, $0xF  }
.LBB2_5:
0x83: {  	s7 =	sadd.s32 $0x80, s7  }
0x84: {  	p1 =	sne.s32 s7, $0x4070  }
.Ltmp5:
0x85: {  	_ = 	snop;
	(pc) =	sbr.rel @!p1 .LBB2_6-.Ltmp5, $2  }
0x86: {  	_ =	sdelay $0x2  }
0x87: {  	s20 =	sadd.s32 $0x80, s20  }
.LBB2_3:
0x88: {  	v12 =	vld [tilespmem:s20+$0x20]  }
0x89: {  	v11 =	vld [tilespmem:s20+$0x30]  }
0x8a: {  	v13 =	vld [tilespmem:s20+$0x10]  }
0x8b: {  	v14 =	vld [tilespmem:s20+$0x0]  }
0x8c: {  	v15 =	vld [tilespmem:s20+$0xFFFFFFF0]  }
0x8d: {  	v16 =	vld [tilespmem:s20+$0xFFFFFFE0]  }
0x8e: {  	v17 =	vld [tilespmem:s20+$0xFFFFFFD0];
	vm1 =	vle.f32 v12, v10;
	vm0 =	vle.f32 v11, v10  }
0x8f: {  	v18 =	vld [tilespmem:s20+$0xFFFFFFC0];
	vm2 =	vle.f32 v13, v10;
	vm4 =	vmor vm1, vm0  }
0x90: {  	vm3 =	vle.f32 v14, v10;
	vm5 =	vmor vm2, vm4  }
0x91: {  	vm4 =	vle.f32 v15, v10;
	vm6 =	vmor vm3, vm5  }
0x92: {  	vm5 =	vle.f32 v16, v10;
	vm7 =	vmor vm4, vm6  }
0x93: {  	vm6 =	vle.f32 v17, v10;
	vm8 =	vmor vm5, vm7  }
0x94: {  	vm7 =	vle.f32 v18, v10;
	vm8 =	vmor vm6, vm8  }
0x95: {  	vm8 =	vmor vm7, vm8  }
0x96: {  	v19 =	vsel vm8, $0x3F800000, v3  }
0x97: {  	(xrf0) =	vmax.scan.msk.f32 $0xffff, v19;
	_ =	sdelay $0x5  }
0x98: {  	v19, _, _ =	vpop (xrf0)  }
0x99: {  	(v2sf) =	vpush v19, $0xF;
	_ =	sdelay $0xe  }
0x9a: {  	s5 =	spop (v2sf)  }
0x9b: {  	p1 =	sgt.f32 s5, $0.0e+00  }
.Ltmp6:
0x9c: {  	_ = 	snop;
	(pc) =	sbr.rel @!p1 .LBB2_5-.Ltmp6, $1  }
0x9d: {  	_ =	sdelay $0x3  }
0x9e: {  	v19 =	vmpcnt.ones.xlane vm7;
	_ =	sdelay $0x1  }
0x9f: {  	v50 =	vmpcnt.ones.xlane vm6;
	(v2sf) =	vpush v19, $0x0;
	_ =	sdelay $0x1  }
0xa0: {  	v51 =	vmpcnt.ones.xlane vm5;
	(v2sf) =	vpush v50, $0x0;
	_ =	sdelay $0x1  }
0xa1: {  	v52 =	vmpcnt.ones.xlane vm4;
	(v2sf) =	vpush v51, $0x0;
	_ =	sdelay $0x1  }
0xa2: {  	v53 =	vmpcnt.ones.xlane vm3;
	(v2sf) =	vpush v52, $0x0;
	_ =	sdelay $0x1  }
0xa3: {  	v54 =	vmpcnt.ones.xlane vm2;
	(v2sf) =	vpush v53, $0x0  }
0xa4: {  	v55 =	vmpcnt.ones.xlane vm1  }
0xa5: {  	(v2sf) =	vpush v54, $0x0  }
0xa6: {  	(v2sf) =	vpush v55, $0x0  }
0xa7: {  	v56 =	vmpcnt.ones.xlane vm0;
	_ =	sdelay $0x1  }
0xa8: {  	(v2sf) =	vpush v56, $0x0  }
0xa9: {  	p1 =	slt.s32 s19, $0x3F0;
	s5 =	spop (v2sf)  }
0xaa: {  	s23 =	sadd.s32 $0xFFFFFF90, s7;
	s5 =	sadd.s32 s19, s5;
	s19 =	simm.s32 @!p1 $0x3F0  }
0xab: {  	v57 =	vor.u32 s23, v0;
	s11 =	spop (v2sf);
	[tilespmem:s19+$0x14080] =	vst.msk vm7, v18;
	p1 =	slt.s32 s5, $0x3F0  }
0xac: {  	s24 =	sadd.s32 $0xFFFFFFA0, s7;
	s11 =	sadd.s32 s11, s5;
	[tilespmem:s19+$0x14480] =	vst.msk vm7, v57;
	s5 =	simm.s32 @!p1 $0x3F0  }
0xad: {  	v58 =	vor.u32 s24, v0;
	s23 =	spop (v2sf);
	p1 =	slt.s32 s11, $0x3F0;
	[tilespmem:s5+$0x14080] =	vst.msk vm6, v17  }
0xae: {  	s24 =	sadd.s32 $0xFFFFFFB0, s7;
	s19 =	sadd.s32 s23, s11;
	s11 =	simm.s32 @!p1 $0x3F0;
	[tilespmem:s5+$0x14480] =	vst.msk vm6, v58  }
0xaf: {  	v59 =	vor.u32 s24, v0;
	s23 =	spop (v2sf);
	p1 =	slt.s32 s19, $0x3F0;
	[tilespmem:s11+$0x14080] =	vst.msk vm5, v16  }
0xb0: {  	s24 =	sadd.s32 $0xFFFFFFC0, s7;
	s5 =	sadd.s32 s23, s19;
	s19 =	simm.s32 @!p1 $0x3F0;
	[tilespmem:s11+$0x14480] =	vst.msk vm5, v59  }
0xb1: {  	v60 =	vor.u32 s24, v0;
	s23 =	spop (v2sf);
	p1 =	slt.s32 s5, $0x3F0;
	[tilespmem:s19+$0x14080] =	vst.msk vm4, v15  }
0xb2: {  	s24 =	sadd.s32 $0xFFFFFFD0, s7;
	s11 =	sadd.s32 s23, s5;
	s5 =	simm.s32 @!p1 $0x3F0;
	[tilespmem:s19+$0x14480] =	vst.msk vm4, v60  }
0xb3: {  	v61 =	vor.u32 s24, v0;
	s24 =	sadd.s32 $0xFFFFFFE0, s7;
	s23 =	spop (v2sf);
	p1 =	slt.s32 s11, $0x3F0;
	[tilespmem:s5+$0x14080] =	vst.msk vm3, v14  }
0xb4: {  	s23 =	sadd.s32 s23, s11;
	s19 =	spop (v2sf);
	s11 =	simm.s32 @!p1 $0x3F0;
	[tilespmem:s5+$0x14480] =	vst.msk vm3, v61  }
0xb5: {  	v62 =	vor.u32 s24, v0;
	p1 =	slt.s32 s23, $0x3F0;
	s5 =	sadd.s32 s19, s23;
	[tilespmem:s11+$0x14080] =	vst.msk vm2, v13  }
.Ltmp7:
0xb6: {  	s19 =	sadd.s32 $0xFFFFFFF0, s7;
	s23 =	simm.s32 @!p1 $0x3F0;
	[tilespmem:s11+$0x14480] =	vst.msk vm2, v62;
	(pc) =	sbr.rel .LBB2_5-.Ltmp7, $4  }
0xb7: {  	s24 =	spop (v2sf);
	v63 =	vor.u32 s19, v0;
	p1 =	slt.s32 s5, $0x3F0;
	[tilespmem:s23+$0x14080] =	vst.msk vm1, v12  }
0xb8: {  	s19 =	sadd.s32 s24, s5;
	s5 =	simm.s32 @!p1 $0x3F0;
	[tilespmem:s23+$0x14480] =	vst.msk vm1, v63  }
0xb9: {  	[tilespmem:s5+$0x14080] =	vst.msk vm0, v11;
	v11 =	vor.u32 s7, v0  }
0xba: {  	[tilespmem:s5+$0x14480] =	vst.msk vm0, v11  }
.LBB2_6:
0xbb: {  	p1 =	slt.s32 s19, $0x400  }
0xbc: {  	p2 =	slt.s32 s19, $0xFFFFFFF2;
	s19 =	simm.s32 @!p1 $0x400  }
0xbd: {  	s5 =	sadd.s32 $0xF, s19  }
0xbe: {  	s7 =	sand.u32 $0xF, s5  }
0xbf: {  	s24 =	sshra.s32 s5, $0x1F;
	p6 =	sne.s32 s7, $0x0  }
0xc0: {  	s7 =	sshrl.u32 s24, $0x1C;
	p1 =	por !p2, !p6  }
0xc1: {  	s5 =	sadd.s32 s7, s5;
	s7 =	simm.s32 $0x1;
	p1 =	por !p1, !p1  }
0xc2: {  	s5 =	sshra.s32 s5, $0x4;
	s7 =	simm.s32 @!p1 $0x0  }
0xc3: {  	s7 =	ssub.s32 s5, s7  }
0xc4: {  	s5 =	sshll.u32 s7, $0x4  }
0xc5: {  	s5 =	sadd.s32 $0xFFFFFFF0, s5  }
0xc6: {  	v10 =	vor.u32 s5, v0  }
0xc7: {  	vm0 =	vge.s32 v10, s19;
	_ =	sdelay $0x1  }
.Ltmp8:
0xc8: {  	_ = 	snop;
	(pc) =	sbr.rel .LBB2_7-.Ltmp8, $2  }
0xc9: {  	_ =	sdelay $0x2  }
0xca: {  	v12 =	vimm.s32 $0x3FFFFFFF;
	v11 =	vimm.s32 $0x3FFFFFFF;
	s20 =	simm.s32 $0x0;
	p1 =	slt.s32 s7, $0x1;
	s19 =	simm.s32 $0x0;
	[tilespmem:v10+s28+$0x0] =	vst.idx.msk vm0, v4;
	v10 =	vimm.s32 $0x3FFFFFFF  }
.LBB2_8:
0xcb: {  	v14 =	vimm.s32 $0xBFFFFFFF;
	v15 =	vimm.s32 $0x3FFFFFFF  }
.LBB2_16:
0xcc: {  	(xrf0) =	vmin.scan.msk.f32 $0xffff, v13;
	_ =	sdelay $0x5  }
0xcd: {  	v16, _, _ =	vpop (xrf0)  }
0xce: {  	v16 =	vbroadcast v16, $0xF;
	_ =	sdelay $0x1  }
0xcf: {  	vm0 =	veq.f32 v13, v16;
	v13 =	vxor.u32 $0x80000000, v15  }
0xd0: {  	v13 =	vnsel vm0, $0xBFFFFFFF, v13  }
0xd1: {  	(xrf0) =	vmin.scan.msk.u32 $0xffff, v13;
	_ =	sdelay $0x5  }
0xd2: {  	v13, _, _ =	vpop (xrf0)  }
0xd3: {  	(v2sf) =	vpush v13, $0xF;
	_ =	sdelay $0xe  }
0xd4: {  	s5 =	spop (v2sf)  }
0xd5: {  	s5 =	sxor.u32 $0x80000000, s5  }
0xd6: {  	vm1 =	veq.s32 v15, s5  }
0xd7: {  	vm0 =	vmand vm0, vm1  }
0xd8: {  	v13 =	vnsel vm0, $0xBFFFFFFF, v14  }
0xd9: {  	(xrf0) =	vmin.scan.msk.u32 $0xffff, v13;
	_ =	sdelay $0x5  }
0xda: {  	v13, _, _ =	vpop (xrf0)  }
0xdb: {  	(v2sf) =	vpush v13, $0xF;
	_ =	sdelay $0xe  }
0xdc: {  	s11 =	spop (v2sf)  }
0xdd: {  	s24 =	sadd.s32 $0xFFFFFFF0, s20;
	v14 =	vmov s20;
	s20 =	sadd.s32 $0x1, s20;
	s11 =	sxor.u32 $0x80000000, s11  }
0xde: {  	p2 =	sne.s32 s20, $0x20;
	v13 =	vmov s11  }
.Ltmp9:
0xdf: {  	_ = 	snop;
	(pc) =	sbr.rel @!p2 .LBB2_17-.Ltmp9, $4  }
0xe0: {  	_ = 	snop  }
0xe1: {  	v15 =	vmov s24  }
0xe2: {  	vm15 =	veq.s32 v15, v0;
	vm14 =	veq.s32 v14, v0  }
0xe3: {  	v10 =	vsel vm15, s5, v10;
	v11 =	vsel vm14, s5, v11;
	[tilespmem:v13+s28+$0x0] =	vst.idx.msk $0x1, v4  }
.LBB2_7:
.Ltmp10:
0xe4: {  	(pc) =	sbr.rel @p1 .LBB2_8-.Ltmp10, $2  }
0xe5: {  	_ =	sdelay $0x2  }
0xe6: {  	v13 =	vimm.f32 $+Inf  }
0xe7: {  	p3 =	sne.s32 s7, $0x1  }
.Ltmp11:
0xe8: {  	_ = 	snop;
	(pc) =	sbr.rel @!p3 .LBB2_10-.Ltmp11, $4  }
0xe9: {  	_ = 	snop  }
0xea: {  	s5 =	simm.s32 $0x14080  }
0xeb: {  	s11 =	simm.s32 $0x14480;
	v16 =	vld [tilespmem:s5+$0x0]  }
0xec: {  	p2 =	por $0x0, $0x0;
	v17 =	vld [tilespmem:s11+$0x0];
	s5 =	sadd.s32 $0xFFFFFFFF, s7;
	s11 =	simm.s32 $0x14090  }
0xed: {  	_ =	sdelay $0x1  }
0xee: {  	v18 =	vld [tilespmem:s11+$0x0];
	s11 =	simm.s32 $0x14490;
	p3 =	sne.s32 s5, $0x1  }
.Ltmp12:
0xef: {  	v19 =	vld [tilespmem:s11+$0x0];
	(pc) =	sbr.rel @!p3 .LBB2_12-.Ltmp12, $4  }
0xf0: {  	vm0 =	veq.f32 v16, v13;
	vm1 =	vlt.s32 v17, v12  }
0xf1: {  	vm2 =	vlt.f32 v16, v13;
	vm0 =	vmand vm0, vm1  }
0xf2: {  	s24 =	sadd.s32 $0xFFFFFFFF, s5;
	v15 =	vor.u32 s19, v0;
	vm0 =	vmor vm2, vm0  }
0xf3: {  	s5 =	simm.s32 $0x140A0;
	p2 =	por $0x1, $0x1;
	s23 =	simm.s32 $0x0;
	v13 =	vsel vm0, v16, v13;
	v14 =	vsel vm0, v17, v12;
	v15 =	vsel vm0, v15, v12  }
.LBB2_13:
0xf4: {  	v16 =	vld [tilespmem:s5+$0x0];
	vm0 =	veq.f32 v18, v13;
	vm1 =	vlt.s32 v19, v14;
	s11 =	sadd.s32 $0x10, s11;
	v17 =	vmov v19;
	p3 =	sne.s32 s24, $0x1  }
.Ltmp13:
0xf5: {  	s24 =	sadd.s32 $0xFFFFFFFF, s24;
	vm2 =	vlt.f32 v18, v13;
	s23 =	sadd.s32 $0x10, s23;
	v19 =	vld [tilespmem:s11+$0x0];
	vm0 =	vmand vm0, vm1;
	(pc) =	sbr.rel @p3 .LBB2_13-.Ltmp13, $3  }
0xf6: {  	v20 =	vor.u32 s23, v0;
	vm0 =	vmor vm2, vm0  }
0xf7: {  	v13 =	vsel vm0, v18, v13;
	v14 =	vsel vm0, v17, v14;
	v15 =	vsel vm0, v20, v15;
	_ =	sdelay $0x1  }
0xf8: {  	s5 =	sadd.s32 $0x10, s5;
	v18 =	vmov v16  }
0xf9: {  	v16 =	vmov v18;
	v17 =	vmov v19  }
.LBB2_15:
.Ltmp14:
0xfa: {  	vm0 =	veq.f32 v16, v13;
	vm1 =	vlt.s32 v17, v14;
	s5 =	sadd.s32 @p2 $0x10, s23;
	s11 =	simm.s32 $0x0;
	(pc) =	sbr.rel .LBB2_16-.Ltmp14, $4  }
0xfb: {  	vm2 =	vlt.f32 v16, v13;
	vm0 =	vmand vm0, vm1;
	s11 =	smov.u32 @p2 s5  }
0xfc: {  	v18 =	vor.u32 s11, v0;
	vm0 =	vmor vm2, vm0  }
0xfd: {  	v18 =	vsel vm0, v18, v15  }
0xfe: {  	v13 =	vsel vm0, v16, v13;
	v15 =	vsel vm0, v17, v14;
	v14 =	vxor.u32 $0x80000000, v18  }
.LBB2_10:
.Ltmp15:
0xff: {  	(pc) =	sbr.rel .LBB2_15-.Ltmp15, $2  }
0x100: {  	_ =	sdelay $0x2  }
0x101: {  	v14 =	vimm.s32 $0x3FFFFFFF;
	s23 =	simm.s32 $0x0;
	v15 =	vimm.s32 $0x3FFFFFFF  }
.LBB2_12:
.Ltmp16:
0x102: {  	(pc) =	sbr.rel .LBB2_15-.Ltmp16, $2  }
0x103: {  	_ =	sdelay $0x2  }
0x104: {  	v16 =	vmov v18;
	v17 =	vmov v19;
	s23 =	simm.s32 $0x0  }
.LBB2_17:
0x105: {  	v12 =	vmov s13  }
0x106: {  	v12 =	vand.u32 $0xFFFFFFFE, v12  }
0x107: {  	v12 =	vbroadcast v12, $0x0;
	_ =	sdelay $0x2  }
0x108: {  	v15 =	vld.idx.msk [tilespmem:v11+s3+$0x0], $0xffff  }
0x109: {  	v16 =	vld.idx.msk [tilespmem:v10+s3+$0x0], $0xffff  }
0x10a: {  	v17 =	vld.idx.msk [tilespmem:v11+s14+$0x0], $0xffff  }
0x10b: {  	v13 =	vld.idx.msk [tilespmem:v12+s29+$0x0], $0xffff  }
0x10c: {  	v18 =	vld.idx.msk [tilespmem:v10+s14+$0x0], $0xffff  }
0x10d: {  	v14 =	vld.idx.msk [tilespmem:v12+s30+$0x0], $0xffff  }
0x10e: {  	v19 =	vld.idx.msk [tilespmem:v11+s15+$0x0], $0xffff  }
0x10f: {  	v12 =	vld.idx.msk [tilespmem:v12+s31+$0x0], $0xffff  }
0x110: {  	v20 =	vld.idx.msk [tilespmem:v10+s15+$0x0], $0xffff;
	v15 =	vsub.f32 v15, v13  }
0x111: {  	v13 =	vsub.f32 v16, v13  }
0x112: {  	v54 =	vsub.f32 v17, v14;
	[tilespmem:v1+s0+$0x0] =	vst.idx.msk $0xffff, v15  }
0x113: {  	v14 =	vsub.f32 v18, v14;
	[tilespmem:v5+s0+$0x0] =	vst.idx.msk $0xffff, v13  }
0x114: {  	v55 =	vsub.f32 v19, v12;
	[tilespmem:v6+s0+$0x0] =	vst.idx.msk $0xffff, v54  }
0x115: {  	v12 =	vsub.f32 v20, v12;
	[tilespmem:v7+s0+$0x0] =	vst.idx.msk $0xffff, v14  }
0x116: {  	[tilespmem:v8+s0+$0x0] =	vst.idx.msk $0xffff, v55  }
0x117: {  	[tilespmem:v9+s0+$0x0] =	vst.idx.msk $0xffff, v12  }
0x118: {  	[tilespmem:$0x14A80] =	vst v11  }
0x119: {  	s5 =	sadd.s32 s8, s16;
	s7 =	simm.s32 $0x14A80;
	[tilespmem:$0x14A90] =	vst v10  }
0x11a: {  	[hbm4b:s5+s3] =	stream.linear.scatter [tilespmem:s7], [sflag:$0x3], $0x80, $0x38;
	[tilespmem:$0x14C80] =	vst v63  }
0x11b: {  	s23 =	sadd.s32 s9, s16  }
0x11c: {  	[hbm4b:s23+s3] =	stream.linear.scatter [tilespmem:s0], [sflag:$0x5], $0x80, $0x38;
	[tilespmem:$0x14C80] =	vst v63  }
0x11d: {  	_ =	swait.ge [sflag:s18], $0x4000  }
0x11e: {  	[sflag:s18] =	ssyncset.done $0x0  }
0x11f: {  	s5 =	simm.s32 @!p0 $0x4;
	[sflag:s18] =	ssyncadd.s32 $0xFFFFC000  }
0x120: {  	_ =	swait.ge @!p0 [sflag:s5], $0x80  }
0x121: {  	[sflag:s5] =	ssyncset.done @!p0 $0x0  }
0x122: {  	s7 =	simm.s32 @!p0 $0x6;
	[sflag:s5] =	ssyncadd.s32 @!p0 $0xFFFFFF80  }
0x123: {  	p1 =	seq.s32 @!p0 s12, $0x7;
	s16 =	sor.u32 $0x1, s13;
	_ =	swait.ge @!p0 [sflag:s7], $0x80  }
0x124: {  	p1 =	por p0, !p1;
	s5 =	sor.u32 s10, s16;
	[sflag:s7] =	ssyncset.done @!p0 $0x0  }
0x125: {  	[sflag:s7] =	ssyncadd.s32 @!p0 $0xFFFFFF80;
	s7 =	sadd.s32 @p1 $0x1, s5  }
0x126: {  	s11 =	sshll.u32 @p1 s7, $0x4  }
0x127: {  	s7 =	sshll.u32 @p1 s7, $0xB;
	s11 =	sand.u32 @p1 $0x60, s11  }
0x128: {  	s24 =	sshll.u32 s16, $0x4;
	s7 =	sand.u32 @p1 $0xFFFC000, s7;
	s11 =	sadd.s32 @p1 s4, s11  }
0x129: {  	s5 =	sshll.u32 s5, $0x4;
	s7 =	sadd.s32 @p1 s7, s11;
	s11 =	simm.s32 @p1 $0xC000  }
0x12a: {  	[tilespmem:s11], [sflag:$0x1] =	stream.strided.gather @p1 [hbm4b:s7+s21], $0x4000, s22, s21, $0x38;
	[tilespmem:$0x14C80] =	vst v63  }
0x12b: {  	s5 =	sand.u32 $0x1F80, s5;
	s7 =	sand.u32 $0x70, s24  }
0x12c: {  	s13 =	sor.u32 s7, s5  }
0x12d: {  	s19 =	simm.s32 $0x0;
	s5 =	sadd.s32 s6, s13  }
0x12e: {  	[tilespmem:s25], [sflag:$0x7] =	stream.linear.gather [hbm4b:s5+s19], $0x80, $0x38;
	[tilespmem:$0x14C80] =	vst v63  }
0x12f: {  	_ =	swait.ge [sflag:s26], $0x80  }
0x130: {  	[sflag:s26] =	ssyncset.done $0x0  }
0x131: {  	[sflag:s26] =	ssyncadd.s32 $0xFFFFFF80  }
0x132: {  	v10 =	vld [tilespmem:$0x14000]  }
0x133: {  	v11 =	vld [tilespmem:$0x14040]  }
0x134: {  	v56 =	vld [tilespmem:$0x14010]  }
0x135: {  	v57 =	vld [tilespmem:$0x14050]  }
0x136: {  	v58 =	vld [tilespmem:$0x14020]  }
0x137: {  	v59 =	vld [tilespmem:$0x14060]  }
0x138: {  	v60 =	vld [tilespmem:$0x14030]  }
0x139: {  	v61 =	vld [tilespmem:$0x14070];
	_ =	sdelay $0x1  }
0x13a: {  	v10 =	vmin.f32 v10, v11  }
0x13b: {  	v11 =	vmin.f32 v56, v57;
	(xrf1) =	vsort.ascd.msk.f32 $0xffff, v10, v10  }
0x13c: {  	v10 =	vmin.f32 v58, v59;
	(xrf1) =	vsort.ascd.msk.f32 $0xffff, v11, v11  }
0x13d: {  	v11 =	vmin.f32 v60, v61;
	(xrf1) =	vsort.ascd.msk.f32 $0xffff, v10, v10  }
0x13e: {  	(xrf1) =	vsort.ascd.msk.f32 $0xffff, v11, v11;
	_ =	sdelay $0xa  }
0x13f: {  	v10, _, _ =	vpop (xrf1)  }
0x140: {  	v11, _, _ =	vpop (xrf1)  }
0x141: {  	v62, _, _ =	vpop (xrf1)  }
0x142: {  	v63, _, _ =	vpop (xrf1)  }
0x143: {  	v11 =	vperm.xlane v11, v2;
	v13 =	vperm.xlane v63, v2;
	_ =	sdelay $0x1  }
0x144: {  	v10 =	vmin.f32 v10, v11;
	v11 =	vmin.f32 v62, v13  }
0x145: {  	v10 =	vmax.f32 v10, v11  }
0x146: {  	(xrf0) =	vmax.scan.msk.f32 $0xffff, v10;
	_ =	sdelay $0x2  }
.Ltmp17:
0x147: {  	_ = 	snop;
	(pc) =	sbr.rel .LBB2_18-.Ltmp17, $3  }
0x148: {  	_ =	sdelay $0x1  }
0x149: {  	v10, _, _ =	vpop (xrf0)  }
0x14a: {  	s20 =	simm.s32 $0x10040;
	s7 =	simm.s32 $0x70;
	v10 =	vbroadcast v10, $0xF  }
.LBB2_20:
0x14b: {  	s7 =	sadd.s32 $0x80, s7  }
0x14c: {  	p0 =	sne.s32 s7, $0x4070  }
.Ltmp18:
0x14d: {  	_ = 	snop;
	(pc) =	sbr.rel @!p0 .LBB2_21-.Ltmp18, $2  }
0x14e: {  	_ =	sdelay $0x2  }
0x14f: {  	s20 =	sadd.s32 $0x80, s20  }
.LBB2_18:
0x150: {  	v12 =	vld [tilespmem:s20+$0x20]  }
0x151: {  	v11 =	vld [tilespmem:s20+$0x30]  }
0x152: {  	v13 =	vld [tilespmem:s20+$0x10]  }
0x153: {  	v14 =	vld [tilespmem:s20+$0x0]  }
0x154: {  	v15 =	vld [tilespmem:s20+$0xFFFFFFF0]  }
0x155: {  	v16 =	vld [tilespmem:s20+$0xFFFFFFE0]  }
0x156: {  	v17 =	vld [tilespmem:s20+$0xFFFFFFD0];
	vm1 =	vle.f32 v12, v10;
	vm0 =	vle.f32 v11, v10  }
0x157: {  	v18 =	vld [tilespmem:s20+$0xFFFFFFC0];
	vm2 =	vle.f32 v13, v10;
	vm4 =	vmor vm1, vm0  }
0x158: {  	vm3 =	vle.f32 v14, v10;
	vm5 =	vmor vm2, vm4  }
0x159: {  	vm4 =	vle.f32 v15, v10;
	vm6 =	vmor vm3, vm5  }
0x15a: {  	vm5 =	vle.f32 v16, v10;
	vm7 =	vmor vm4, vm6  }
0x15b: {  	vm6 =	vle.f32 v17, v10;
	vm8 =	vmor vm5, vm7  }
0x15c: {  	vm7 =	vle.f32 v18, v10;
	vm8 =	vmor vm6, vm8  }
0x15d: {  	vm8 =	vmor vm7, vm8  }
0x15e: {  	v19 =	vsel vm8, $0x3F800000, v3  }
0x15f: {  	(xrf0) =	vmax.scan.msk.f32 $0xffff, v19;
	_ =	sdelay $0x5  }
0x160: {  	v19, _, _ =	vpop (xrf0)  }
0x161: {  	(v2sf) =	vpush v19, $0xF;
	_ =	sdelay $0xe  }
0x162: {  	s5 =	spop (v2sf)  }
0x163: {  	p0 =	sgt.f32 s5, $0.0e+00  }
.Ltmp19:
0x164: {  	_ = 	snop;
	(pc) =	sbr.rel @!p0 .LBB2_20-.Ltmp19, $1  }
0x165: {  	_ =	sdelay $0x3  }
0x166: {  	v19 =	vmpcnt.ones.xlane vm7;
	_ =	sdelay $0x1  }
0x167: {  	v50 =	vmpcnt.ones.xlane vm6;
	(v2sf) =	vpush v19, $0x0;
	_ =	sdelay $0x1  }
0x168: {  	v51 =	vmpcnt.ones.xlane vm5;
	(v2sf) =	vpush v50, $0x0;
	_ =	sdelay $0x1  }
0x169: {  	v52 =	vmpcnt.ones.xlane vm4;
	(v2sf) =	vpush v51, $0x0;
	_ =	sdelay $0x1  }
0x16a: {  	v53 =	vmpcnt.ones.xlane vm3;
	(v2sf) =	vpush v52, $0x0;
	_ =	sdelay $0x1  }
0x16b: {  	v54 =	vmpcnt.ones.xlane vm2;
	(v2sf) =	vpush v53, $0x0  }
0x16c: {  	v55 =	vmpcnt.ones.xlane vm1  }
0x16d: {  	(v2sf) =	vpush v54, $0x0  }
0x16e: {  	(v2sf) =	vpush v55, $0x0  }
0x16f: {  	v56 =	vmpcnt.ones.xlane vm0;
	_ =	sdelay $0x1  }
0x170: {  	(v2sf) =	vpush v56, $0x0  }
0x171: {  	p0 =	slt.s32 s19, $0x3F0;
	s5 =	spop (v2sf)  }
0x172: {  	s23 =	sadd.s32 $0xFFFFFF90, s7;
	s5 =	sadd.s32 s19, s5;
	s19 =	simm.s32 @!p0 $0x3F0  }
0x173: {  	v57 =	vor.u32 s23, v0;
	s11 =	spop (v2sf);
	[tilespmem:s19+$0x14080] =	vst.msk vm7, v18;
	p0 =	slt.s32 s5, $0x3F0  }
0x174: {  	s24 =	sadd.s32 $0xFFFFFFA0, s7;
	s11 =	sadd.s32 s11, s5;
	[tilespmem:s19+$0x14480] =	vst.msk vm7, v57;
	s5 =	simm.s32 @!p0 $0x3F0  }
0x175: {  	v58 =	vor.u32 s24, v0;
	s23 =	spop (v2sf);
	p0 =	slt.s32 s11, $0x3F0;
	[tilespmem:s5+$0x14080] =	vst.msk vm6, v17  }
0x176: {  	s24 =	sadd.s32 $0xFFFFFFB0, s7;
	s19 =	sadd.s32 s23, s11;
	s11 =	simm.s32 @!p0 $0x3F0;
	[tilespmem:s5+$0x14480] =	vst.msk vm6, v58  }
0x177: {  	v59 =	vor.u32 s24, v0;
	s23 =	spop (v2sf);
	p0 =	slt.s32 s19, $0x3F0;
	[tilespmem:s11+$0x14080] =	vst.msk vm5, v16  }
0x178: {  	s24 =	sadd.s32 $0xFFFFFFC0, s7;
	s5 =	sadd.s32 s23, s19;
	s19 =	simm.s32 @!p0 $0x3F0;
	[tilespmem:s11+$0x14480] =	vst.msk vm5, v59  }
0x179: {  	v60 =	vor.u32 s24, v0;
	s23 =	spop (v2sf);
	p0 =	slt.s32 s5, $0x3F0;
	[tilespmem:s19+$0x14080] =	vst.msk vm4, v15  }
0x17a: {  	s24 =	sadd.s32 $0xFFFFFFD0, s7;
	s11 =	sadd.s32 s23, s5;
	s5 =	simm.s32 @!p0 $0x3F0;
	[tilespmem:s19+$0x14480] =	vst.msk vm4, v60  }
0x17b: {  	v61 =	vor.u32 s24, v0;
	s24 =	sadd.s32 $0xFFFFFFE0, s7;
	s23 =	spop (v2sf);
	p0 =	slt.s32 s11, $0x3F0;
	[tilespmem:s5+$0x14080] =	vst.msk vm3, v14  }
0x17c: {  	s23 =	sadd.s32 s23, s11;
	s19 =	spop (v2sf);
	s11 =	simm.s32 @!p0 $0x3F0;
	[tilespmem:s5+$0x14480] =	vst.msk vm3, v61  }
0x17d: {  	v62 =	vor.u32 s24, v0;
	p0 =	slt.s32 s23, $0x3F0;
	s5 =	sadd.s32 s19, s23;
	[tilespmem:s11+$0x14080] =	vst.msk vm2, v13  }
.Ltmp20:
0x17e: {  	s19 =	sadd.s32 $0xFFFFFFF0, s7;
	s23 =	simm.s32 @!p0 $0x3F0;
	[tilespmem:s11+$0x14480] =	vst.msk vm2, v62;
	(pc) =	sbr.rel .LBB2_20-.Ltmp20, $4  }
0x17f: {  	s24 =	spop (v2sf);
	v63 =	vor.u32 s19, v0;
	p0 =	slt.s32 s5, $0x3F0;
	[tilespmem:s23+$0x14080] =	vst.msk vm1, v12  }
0x180: {  	s19 =	sadd.s32 s24, s5;
	s5 =	simm.s32 @!p0 $0x3F0;
	[tilespmem:s23+$0x14480] =	vst.msk vm1, v63  }
0x181: {  	[tilespmem:s5+$0x14080] =	vst.msk vm0, v11;
	v11 =	vor.u32 s7, v0  }
0x182: {  	[tilespmem:s5+$0x14480] =	vst.msk vm0, v11  }
.LBB2_21:
0x183: {  	p0 =	slt.s32 s19, $0x400  }
0x184: {  	p1 =	slt.s32 s19, $0xFFFFFFF2;
	s19 =	simm.s32 @!p0 $0x400  }
0x185: {  	s5 =	sadd.s32 $0xF, s19  }
0x186: {  	s7 =	sand.u32 $0xF, s5  }
0x187: {  	s24 =	sshra.s32 s5, $0x1F;
	p6 =	sne.s32 s7, $0x0  }
0x188: {  	s7 =	sshrl.u32 s24, $0x1C;
	p0 =	por !p1, !p6  }
0x189: {  	s5 =	sadd.s32 s7, s5;
	s7 =	simm.s32 $0x1;
	p0 =	por !p0, !p0  }
0x18a: {  	s5 =	sshra.s32 s5, $0x4;
	s7 =	simm.s32 @!p0 $0x0  }
0x18b: {  	s7 =	ssub.s32 s5, s7  }
0x18c: {  	s5 =	sshll.u32 s7, $0x4  }
0x18d: {  	s5 =	sadd.s32 $0xFFFFFFF0, s5  }
0x18e: {  	v10 =	vor.u32 s5, v0  }
0x18f: {  	vm0 =	vge.s32 v10, s19;
	_ =	sdelay $0x1  }
.Ltmp21:
0x190: {  	_ = 	snop;
	(pc) =	sbr.rel .LBB2_22-.Ltmp21, $2  }
0x191: {  	_ =	sdelay $0x2  }
0x192: {  	v12 =	vimm.s32 $0x3FFFFFFF;
	v11 =	vimm.s32 $0x3FFFFFFF;
	s20 =	simm.s32 $0x0;
	p0 =	slt.s32 s7, $0x1;
	s19 =	simm.s32 $0x0;
	[tilespmem:v10+s28+$0x0] =	vst.idx.msk vm0, v4;
	v10 =	vimm.s32 $0x3FFFFFFF  }
.LBB2_23:
0x193: {  	v14 =	vimm.s32 $0xBFFFFFFF;
	v15 =	vimm.s32 $0x3FFFFFFF  }
.LBB2_31:
0x194: {  	(xrf0) =	vmin.scan.msk.f32 $0xffff, v13;
	_ =	sdelay $0x5  }
0x195: {  	v16, _, _ =	vpop (xrf0)  }
0x196: {  	v16 =	vbroadcast v16, $0xF;
	_ =	sdelay $0x1  }
0x197: {  	vm0 =	veq.f32 v13, v16;
	v13 =	vxor.u32 $0x80000000, v15  }
0x198: {  	v13 =	vnsel vm0, $0xBFFFFFFF, v13  }
0x199: {  	(xrf0) =	vmin.scan.msk.u32 $0xffff, v13;
	_ =	sdelay $0x5  }
0x19a: {  	v13, _, _ =	vpop (xrf0)  }
0x19b: {  	(v2sf) =	vpush v13, $0xF;
	_ =	sdelay $0xe  }
0x19c: {  	s5 =	spop (v2sf)  }
0x19d: {  	s5 =	sxor.u32 $0x80000000, s5  }
0x19e: {  	vm1 =	veq.s32 v15, s5  }
0x19f: {  	vm0 =	vmand vm0, vm1  }
0x1a0: {  	v13 =	vnsel vm0, $0xBFFFFFFF, v14  }
0x1a1: {  	(xrf0) =	vmin.scan.msk.u32 $0xffff, v13;
	_ =	sdelay $0x5  }
0x1a2: {  	v13, _, _ =	vpop (xrf0)  }
0x1a3: {  	(v2sf) =	vpush v13, $0xF;
	_ =	sdelay $0xe  }
0x1a4: {  	s11 =	spop (v2sf)  }
0x1a5: {  	s24 =	sadd.s32 $0xFFFFFFF0, s20;
	v14 =	vmov s20;
	s20 =	sadd.s32 $0x1, s20;
	s11 =	sxor.u32 $0x80000000, s11  }
0x1a6: {  	p1 =	sne.s32 s20, $0x20;
	v13 =	vmov s11  }
.Ltmp22:
0x1a7: {  	_ = 	snop;
	(pc) =	sbr.rel @!p1 .LBB2_32-.Ltmp22, $4  }
0x1a8: {  	_ = 	snop  }
0x1a9: {  	v15 =	vmov s24  }
0x1aa: {  	vm15 =	veq.s32 v15, v0;
	vm14 =	veq.s32 v14, v0  }
0x1ab: {  	v10 =	vsel vm15, s5, v10;
	v11 =	vsel vm14, s5, v11;
	[tilespmem:v13+s28+$0x0] =	vst.idx.msk $0x1, v4  }
.LBB2_22:
.Ltmp23:
0x1ac: {  	(pc) =	sbr.rel @p0 .LBB2_23-.Ltmp23, $2  }
0x1ad: {  	_ =	sdelay $0x2  }
0x1ae: {  	v13 =	vimm.f32 $+Inf  }
0x1af: {  	p2 =	sne.s32 s7, $0x1  }
.Ltmp24:
0x1b0: {  	_ = 	snop;
	(pc) =	sbr.rel @!p2 .LBB2_25-.Ltmp24, $4  }
0x1b1: {  	_ = 	snop  }
0x1b2: {  	s5 =	simm.s32 $0x14080  }
0x1b3: {  	s11 =	simm.s32 $0x14480;
	v16 =	vld [tilespmem:s5+$0x0]  }
0x1b4: {  	p1 =	por $0x0, $0x0;
	v17 =	vld [tilespmem:s11+$0x0];
	s5 =	sadd.s32 $0xFFFFFFFF, s7;
	s11 =	simm.s32 $0x14090  }
0x1b5: {  	_ =	sdelay $0x1  }
0x1b6: {  	v18 =	vld [tilespmem:s11+$0x0];
	s11 =	simm.s32 $0x14490;
	p2 =	sne.s32 s5, $0x1  }
.Ltmp25:
0x1b7: {  	v19 =	vld [tilespmem:s11+$0x0];
	(pc) =	sbr.rel @!p2 .LBB2_27-.Ltmp25, $4  }
0x1b8: {  	vm0 =	veq.f32 v16, v13;
	vm1 =	vlt.s32 v17, v12  }
0x1b9: {  	vm2 =	vlt.f32 v16, v13;
	vm0 =	vmand vm0, vm1  }
0x1ba: {  	s24 =	sadd.s32 $0xFFFFFFFF, s5;
	v15 =	vor.u32 s19, v0;
	vm0 =	vmor vm2, vm0  }
0x1bb: {  	s5 =	simm.s32 $0x140A0;
	p1 =	por $0x1, $0x1;
	s23 =	simm.s32 $0x0;
	v13 =	vsel vm0, v16, v13;
	v14 =	vsel vm0, v17, v12;
	v15 =	vsel vm0, v15, v12  }
.LBB2_28:
0x1bc: {  	v16 =	vld [tilespmem:s5+$0x0];
	vm0 =	veq.f32 v18, v13;
	vm1 =	vlt.s32 v19, v14;
	s11 =	sadd.s32 $0x10, s11;
	v17 =	vmov v19;
	p2 =	sne.s32 s24, $0x1  }
.Ltmp26:
0x1bd: {  	s24 =	sadd.s32 $0xFFFFFFFF, s24;
	vm2 =	vlt.f32 v18, v13;
	s23 =	sadd.s32 $0x10, s23;
	v19 =	vld [tilespmem:s11+$0x0];
	vm0 =	vmand vm0, vm1;
	(pc) =	sbr.rel @p2 .LBB2_28-.Ltmp26, $3  }
0x1be: {  	v20 =	vor.u32 s23, v0;
	vm0 =	vmor vm2, vm0  }
0x1bf: {  	v13 =	vsel vm0, v18, v13;
	v14 =	vsel vm0, v17, v14;
	v15 =	vsel vm0, v20, v15;
	_ =	sdelay $0x1  }
0x1c0: {  	s5 =	sadd.s32 $0x10, s5;
	v18 =	vmov v16  }
0x1c1: {  	v16 =	vmov v18;
	v17 =	vmov v19  }
.LBB2_30:
.Ltmp27:
0x1c2: {  	vm0 =	veq.f32 v16, v13;
	vm1 =	vlt.s32 v17, v14;
	s5 =	sadd.s32 @p1 $0x10, s23;
	s11 =	simm.s32 $0x0;
	(pc) =	sbr.rel .LBB2_31-.Ltmp27, $4  }
0x1c3: {  	vm2 =	vlt.f32 v16, v13;
	vm0 =	vmand vm0, vm1;
	s11 =	smov.u32 @p1 s5  }
0x1c4: {  	v18 =	vor.u32 s11, v0;
	vm0 =	vmor vm2, vm0  }
0x1c5: {  	v18 =	vsel vm0, v18, v15  }
0x1c6: {  	v13 =	vsel vm0, v16, v13;
	v15 =	vsel vm0, v17, v14;
	v14 =	vxor.u32 $0x80000000, v18  }
.LBB2_25:
.Ltmp28:
0x1c7: {  	(pc) =	sbr.rel .LBB2_30-.Ltmp28, $2  }
0x1c8: {  	_ =	sdelay $0x2  }
0x1c9: {  	v14 =	vimm.s32 $0x3FFFFFFF;
	s23 =	simm.s32 $0x0;
	v15 =	vimm.s32 $0x3FFFFFFF  }
.LBB2_27:
.Ltmp29:
0x1ca: {  	(pc) =	sbr.rel .LBB2_30-.Ltmp29, $2  }
0x1cb: {  	_ =	sdelay $0x2  }
0x1cc: {  	v16 =	vmov v18;
	v17 =	vmov v19;
	s23 =	simm.s32 $0x0  }
.LBB2_34:
0x1cd: {  	_ =	sfence.sel $0x180000  }
0x1ce: {  	[bflag:$0x0] =	sbarrier.arrive $0xFFFF  }
0x1cf: {  	_ =	strace $0x90000047  }
0x1d0: {  	s0 =	stileid.u32;
	[bflag:$0x2] =	sbarrier.arrive $0xFFFF  }
0x1d1: {  	p0 =	sne.s32 s0, $0x0;
	s0 =	rddreg [dreg:$0x4]  }
0x1d2: {  	s0 =	sadd.s32 @!p0 $0x100000, s0  }
0x1d3: {  	[sflag:s0] =	ssyncadd.tile.s32 @!p0 $0x1;
	_ =	shalt  }
.Lfunc_end2:
_tile_overlayer_lowered:
.L_overlay_start_2:
0x1d4: {  	(tag) =	ssettag $0x2  }
0x1d5: {  	s0 =	rddreg [dreg:$0x0];
	s2 =	stileid.u32  }
0x1d6: {  	s1 =	rddreg [dreg:$0x1];
	p0 =	sne.s32 s2, $0x0  }
0x1d7: {  	s3 =	rddreg [dreg:$0x2];
	[bflag:$0x3] =	sbarrier.arrive $0xFFFF;
	s2 =	simm.s32 @!p0 $0x1C07  }
0x1d8: {  	[timem:s3], [sflag:s2] =	dma.local @!p0 [hbm:s0], s1  }
0x1d9: {  	s0 =	simm.s32 @!p0 $0x7  }
0x1da: {  	_ =	swait.ge @!p0 [sflag:s0], s1  }
0x1db: {  	s1 =	ssub.s32 @!p0 $0x0, s1;
	[sflag:s0] =	ssyncset.done @!p0 $0x0  }
0x1dc: {  	[sflag:s0] =	ssyncadd.s32 @!p0 s1  }
0x1dd: {  	[bflag:$0x3] =	sbarrier.arrive $0xFFFF  }
0x1de: {  	_ =	shalt  }

</sc_bundles>
